<compile_context>
chip_gen: v7x
topology: tpu7x:2x2x1
jax: 0.10.2.dev20260603
libtpu: 0.0.44.dev20260713+nightly
codegen_flags: <defaults>
</compile_context>

<pallas_src>
import functools

import jax
import jax.numpy as jnp
from jax import lax
from jax.experimental import pallas as pl
from jax.experimental.pallas import tpu as pltpu
from jax.experimental.pallas import tpu_sc as plsc

_VOCAB = 1000
_NC = 2
_NS = 16
_NW = _NC * _NS
_LANES = 16
_BW = 32


def _lse_body(t_ref, o_ref):
    x = t_ref[...]
    m = jnp.max(x, axis=1)
    s = jnp.sum(jnp.exp(x - m[:, None]), axis=1)
    o_ref[...] = m + jnp.log(s)


def _row_lse(table):
    return pl.pallas_call(
        _lse_body,
        out_shape=jax.ShapeDtypeStruct((table.shape[0],), jnp.float32),
    )(table)


def _make_sc_kernel(n_b, n_l):
    assert n_b == _NW * _BW
    vt_n = _VOCAB // 8
    bt_n = n_b // 128
    mesh = plsc.VectorSubcoreMesh(core_axis_name="c", subcore_axis_name="s")

    @functools.partial(
        pl.kernel,
        out_type=(
            jax.ShapeDtypeStruct((n_l, vt_n, bt_n, 8, 128), jnp.float32),
            jax.ShapeDtypeStruct((_NW, _LANES), jnp.float32),
        ),
        mesh=mesh,
        compiler_params=pltpu.CompilerParams(
            use_tc_tiling_on_sc=False, needs_layout_passes=False),
        scratch_types=[
            pltpu.VMEM((_BW,), jnp.int32),
            pltpu.VMEM((_BW,), jnp.int32),
            pltpu.VMEM((_BW,), jnp.int32),
            pltpu.VMEM((_BW,), jnp.int32),
            pltpu.VMEM((_VOCAB,), jnp.float32),
            pltpu.VMEM((_BW, _VOCAB), jnp.float32),
            pltpu.VMEM((_BW, _VOCAB), jnp.float32),
            pltpu.VMEM((vt_n, 8, _BW), jnp.float32),
            pltpu.VMEM((vt_n, 8, _BW), jnp.float32),
            pltpu.VMEM((_LANES,), jnp.float32),
            pltpu.SemaphoreType.DMA,
            pltpu.SemaphoreType.DMA,
            pltpu.SemaphoreType.DMA,
            pltpu.SemaphoreType.DMA,
            pltpu.SemaphoreType.DMA,
            pltpu.SemaphoreType.DMA,
        ],
    )
    def sc_kernel(table_hbm, idxt_hbm, tgtt_hbm, lse_hbm, y5_hbm, part_hbm,
                  idxu_a, idxu_b, tgtu_a, tgtu_b, lse_v, gbuf_a, gbuf_b,
                  obuf_a, obuf_b, acc_v, gsem_a, gsem_b, ssem_a, ssem_b,
                  psem_a, psem_b):
        wid = lax.axis_index("s") * _NC + lax.axis_index("c")
        bt = wid // 4
        lane0 = (wid % 4) * _BW
        b0 = wid * _BW
        pltpu.sync_copy(lse_hbm, lse_v)
        acc_v[...] = jnp.zeros((_LANES,), jnp.float32)
        lane = lax.broadcasted_iota(jnp.int32, (_LANES,), 0)

        def prep(l, idxu, tgtu):
            pltpu.sync_copy(idxt_hbm.at[l, pl.ds(b0, _BW)], idxu)
            pltpu.sync_copy(tgtt_hbm.at[l, pl.ds(b0, _BW)], tgtu)

        def gstart(idxu, gbuf, gsem):
            pltpu.make_async_copy(table_hbm.at[idxu], gbuf, gsem).start()

        def gwait(idxu, gbuf, gsem):
            pltpu.make_async_copy(table_hbm.at[idxu], gbuf, gsem).wait()

        def swait(l, obuf, ssem):
            dst = y5_hbm.at[l, :, bt, :, pl.ds(lane0, _BW)]
            pltpu.make_async_copy(obuf, dst, ssem).wait()

        def unit(l, refill_l, idxu, tgtu, gbuf, obuf, gsem, ssem, psem,
                 first):
            gwait(idxu, gbuf, gsem)
            for j0 in range(0, _BW, _LANES):
                ig = idxu[pl.ds(j0, _LANES)]
                tg = tgtu[pl.ds(j0, _LANES)]
                picked = plsc.load_gather(gbuf, [lane + j0, tg])
                lseg = plsc.load_gather(lse_v, [ig])
                acc_v[...] = acc_v[...] + (lseg - picked)
            if refill_l is not None:
                pltpu.make_async_copy(
                    idxt_hbm.at[refill_l, pl.ds(b0, _BW)], idxu, psem).start()
                pltpu.make_async_copy(
                    tgtt_hbm.at[refill_l, pl.ds(b0, _BW)], tgtu, psem).start()
            if not first:
                swait(l, obuf, ssem)

            def tr_body(vt):
                lo, hi = [], []
                for vs in range(8):
                    vcol = jnp.full((_LANES,), 0, jnp.int32) + (vt * 8 + vs)
                    lo.append(plsc.load_gather(gbuf, [lane, vcol]))
                    hi.append(plsc.load_gather(gbuf, [lane + _LANES, vcol]))
                for vs in range(8):
                    obuf[vt, vs, pl.ds(0, _LANES)] = lo[vs]
                    obuf[vt, vs, pl.ds(_LANES, _LANES)] = hi[vs]

            plsc.parallel_loop(0, vt_n, step=1, unroll=2)(tr_body)
            if refill_l is not None:
                pltpu.make_async_copy(
                    idxt_hbm.at[0, pl.ds(b0, _BW)], idxu, psem).wait()
                pltpu.make_async_copy(
                    tgtt_hbm.at[0, pl.ds(b0, _BW)], tgtu, psem).wait()
                gstart(idxu, gbuf, gsem)
            dst = y5_hbm.at[l, :, bt, :, pl.ds(lane0, _BW)]
            pltpu.make_async_copy(obuf, dst, ssem).start()

        prep(0, idxu_a, tgtu_a)
        gstart(idxu_a, gbuf_a, gsem_a)
        prep(1, idxu_b, tgtu_b)
        gstart(idxu_b, gbuf_b, gsem_b)

        unit(0, 2, idxu_a, tgtu_a, gbuf_a, obuf_a, gsem_a, ssem_a, psem_a,
             True)
        unit(1, 3, idxu_b, tgtu_b, gbuf_b, obuf_b, gsem_b, ssem_b, psem_b,
             True)

        def pair_body(p, carry):
            l = 2 * p
            unit(l, l + 2, idxu_a, tgtu_a, gbuf_a, obuf_a, gsem_a, ssem_a,
                 psem_a, False)
            unit(l + 1, l + 3, idxu_b, tgtu_b, gbuf_b, obuf_b, gsem_b,
                 ssem_b, psem_b, False)
            return carry

        lax.fori_loop(1, n_l // 2 - 1, pair_body, 0)

        unit(n_l - 2, None, idxu_a, tgtu_a, gbuf_a, obuf_a, gsem_a, ssem_a,
             psem_a, False)
        unit(n_l - 1, None, idxu_b, tgtu_b, gbuf_b, obuf_b, gsem_b, ssem_b,
             psem_b, False)
        swait(n_l - 2, obuf_a, ssem_a)
        swait(n_l - 1, obuf_b, ssem_b)
        pltpu.sync_copy(acc_v, part_hbm.at[wid])

    return sc_kernel


def kernel(idx, targets, table):
    b, l = idx.shape
    n_tok = b * l
    idxt = idx.T.astype(jnp.int32)
    tgtt = targets.T.astype(jnp.int32)
    lse = _row_lse(table)
    y5, partials = _make_sc_kernel(b, l)(table, idxt, tgtt, lse)
    logits = jnp.transpose(y5, (2, 4, 0, 1, 3)).reshape(b, l, _VOCAB)
    loss = jnp.sum(partials) / n_tok
    return (logits, loss)

# --- scband reference (transcript-rebuilt; emitter-appended) ---
"""Pipeline reference for scband-bigram-model-22917945491934 (READ-ONLY COPY).

The authoritative reference and input builder live on the scoring server;
editing this copy changes nothing except your own understanding.
"""

import jax, jax.numpy as jnp
import numpy as np

VOCAB = 1000
B = 1024
L = 50


def setup_inputs(seed: int = 0) -> dict:
    key = jax.random.key(seed)
    k1, k2, k3 = jax.random.split(key, 3)
    idx = jax.random.randint(k1, (B, L), 0, VOCAB, dtype=jnp.int64 if jax.config.jax_enable_x64 else jnp.int32)
    targets = jax.random.randint(k2, (B, L), 0, VOCAB, dtype=jnp.int64 if jax.config.jax_enable_x64 else jnp.int32)
    table = jax.random.normal(k3, (VOCAB, VOCAB), dtype=jnp.float32)
    return {"idx": idx, "targets": targets, "table": table}


def reference(idx, targets, table):
    # logits = embedding_table(idx)
    logits = jnp.take(table, idx, axis=0)  # [B, L, VOCAB]
    V = table.shape[1]
    flat_logits = logits.reshape(logits.shape[0] * logits.shape[1], logits.shape[2])
    flat_targets = targets.reshape(-1)
    # F.cross_entropy: mean of -log_softmax picked at target index
    logp = jax.nn.log_softmax(flat_logits, axis=-1)
    picked = jnp.take_along_axis(logp, flat_targets[:, None], axis=1)[:, 0]
    loss = -jnp.mean(picked)
    return (logits, loss)

if __name__ == "__main__":
    import jax
    _d = setup_inputs()
    print(jax.jit(kernel)(*tuple(_d.values())))

</pallas_src>

<mosaic_0001>
#map = affine_map<(d0, d1) -> (0, 0)>
#map1 = affine_map<(d0, d1) -> (0)>
#map2 = affine_map<(d0, d1) -> (0, 0, 0, 0, 0)>
module attributes {stable_mosaic.version = 14 : i64} {
  func.func @sc_kernel(%arg0: i32, %arg1: i32, %arg2: memref<1000x1000xf32, #tpu.memory_space<hbm>>, %arg3: memref<50x1024xi32, #tpu.memory_space<hbm>>, %arg4: memref<50x1024xi32, #tpu.memory_space<hbm>>, %arg5: memref<1000xf32, #tpu.memory_space<hbm>>, %arg6: memref<50x125x8x8x128xf32, #tpu.memory_space<hbm>>, %arg7: memref<32x16xf32, #tpu.memory_space<hbm>>, %arg8: memref<32xi32, #tpu.memory_space<vmem>>, %arg9: memref<32xi32, #tpu.memory_space<vmem>>, %arg10: memref<32xi32, #tpu.memory_space<vmem>>, %arg11: memref<32xi32, #tpu.memory_space<vmem>>, %arg12: memref<1000xf32, #tpu.memory_space<vmem>>, %arg13: memref<32x1000xf32, #tpu.memory_space<vmem>>, %arg14: memref<32x1000xf32, #tpu.memory_space<vmem>>, %arg15: memref<125x8x32xf32, #tpu.memory_space<vmem>>, %arg16: memref<125x8x32xf32, #tpu.memory_space<vmem>>, %arg17: memref<16xf32, #tpu.memory_space<vmem>>, %arg18: memref<!tpu.dma_semaphore, #tpu.memory_space<semaphore_mem>>, %arg19: memref<!tpu.dma_semaphore, #tpu.memory_space<semaphore_mem>>, %arg20: memref<!tpu.dma_semaphore, #tpu.memory_space<semaphore_mem>>, %arg21: memref<!tpu.dma_semaphore, #tpu.memory_space<semaphore_mem>>, %arg22: memref<!tpu.dma_semaphore, #tpu.memory_space<semaphore_mem>>, %arg23: memref<!tpu.dma_semaphore, #tpu.memory_space<semaphore_mem>>) attributes {dimension_semantics = [#tpu.dimension_semantics<core_parallel>, #tpu.dimension_semantics<subcore_parallel>], iteration_bounds = array<i64: 2, 16>, scalar_prefetch = 0 : i64, scratch_operands = 16 : i64, tpu.core_type = #tpu.core_type<sc_vector_subcore>, window_params = [{transform_indices = #map}, {transform_indices = #map}, {transform_indices = #map}, {transform_indices = #map1}, {transform_indices = #map2}, {transform_indices = #map}]} {
    %mul3A = arith.constant 2 : i32
    %mul3A_0 = arith.muli %arg1, %mul3A : i32
    %add3A = arith.addi %mul3A_0, %arg0 : i32
    %jit3A = arith.constant 4 : i32
    %div3A = arith.divsi %add3A, %jit3A : i32
    %sign3A = arith.constant 0 : i32
    %sign3A_1 = arith.cmpi sgt, %add3A, %sign3A : i32
    %sign3A_2 = arith.extui %sign3A_1 : i1 to i32
    %sign3A_3 = arith.constant 0 : i32
    %sign3A_4 = arith.cmpi slt, %add3A, %sign3A_3 : i32
    %sign3A_5 = arith.extui %sign3A_4 : i1 to i32
    %sign3A_6 = arith.subi %sign3A_2, %sign3A_5 : i32
    %sign3A_7 = arith.constant 0 : i32
    %sign3A_8 = arith.cmpi sgt, %jit3A, %sign3A_7 : i32
    %sign3A_9 = arith.extui %sign3A_8 : i1 to i32
    %sign3A_10 = arith.constant 0 : i32
    %sign3A_11 = arith.cmpi slt, %jit3A, %sign3A_10 : i32
    %sign3A_12 = arith.extui %sign3A_11 : i1 to i32
    %sign3A_13 = arith.subi %sign3A_9, %sign3A_12 : i32
    %ne3A = arith.cmpi ne, %sign3A_6, %sign3A_13 : i32
    %rem3A = arith.remsi %add3A, %jit3A : i32
    %ne3A_14 = arith.constant 0 : i32
    %ne3A_15 = arith.cmpi ne, %rem3A, %ne3A_14 : i32
    %and3A = arith.andi %ne3A, %ne3A_15 : i1
    %sub3A = arith.constant 1 : i32
    %sub3A_16 = arith.subi %div3A, %sub3A : i32
    %select_n3A = arith.select %and3A, %sub3A_16, %div3A : i32
    %jit3A_17 = arith.constant 4 : i32
    %eq3A = arith.constant 0 : i32
    %eq3A_18 = arith.cmpi eq, %jit3A_17, %eq3A : i32
    %jit3A_19 = arith.constant 1 : i32
    %select_n3A_20 = arith.select %eq3A_18, %jit3A_19, %jit3A_17 : i32
    %rem3A_21 = arith.remsi %add3A, %select_n3A_20 : i32
    %ne3A_22 = arith.constant 0 : i32
    %ne3A_23 = arith.cmpi ne, %rem3A_21, %ne3A_22 : i32
    %lt3A = arith.constant 0 : i32
    %lt3A_24 = arith.cmpi slt, %rem3A_21, %lt3A : i32
    %lt3A_25 = arith.constant 0 : i32
    %lt3A_26 = arith.cmpi slt, %select_n3A_20, %lt3A_25 : i32
    %ne3A_27 = arith.xori %lt3A_24, %lt3A_26 : i1
    %and3A_28 = arith.andi %ne3A_27, %ne3A_23 : i1
    %add3A_29 = arith.addi %rem3A_21, %select_n3A_20 : i32
    %select_n3A_30 = arith.select %and3A_28, %add3A_29, %rem3A_21 : i32
    %mul3A_31 = arith.constant 32 : i32
    %mul3A_32 = arith.muli %select_n3A_30, %mul3A_31 : i32
    %mul3A_33 = arith.constant 32 : i32
    %mul3A_34 = arith.muli %add3A, %mul3A_33 : i32
    "tpu.region"() ({
      %run_scoped3A_308 = tpu.sem_alloc : memref<!tpu.dma_semaphore, #tpu.memory_space<semaphore_mem>>
      tpu.enqueue_dma source(%arg5 : memref<1000xf32, #tpu.memory_space<hbm>>) target(%arg12 : memref<1000xf32, #tpu.memory_space<vmem>>) target_semaphore(%run_scoped3A_308 : memref<!tpu.dma_semaphore, #tpu.memory_space<semaphore_mem>>)
      tpu.wait_dma2 semaphore(%run_scoped3A_308 : memref<!tpu.dma_semaphore, #tpu.memory_space<semaphore_mem>>) src(%arg5 : memref<1000xf32, #tpu.memory_space<hbm>>) dst(%arg12 : memref<1000xf32, #tpu.memory_space<vmem>>)
      tpu.yield
    }) : () -> ()
    %broadcast_in_dim3A = arith.constant 0.000000e+00 : f32
    %broadcast_in_dim3A_35 = vector.broadcast %broadcast_in_dim3A : f32 to vector<16xf32>
    %swap3A = arith.constant 0 : index
    %swap3A_36 = tpu.vector_load %arg17[%swap3A] {strides = array<i32>} : memref<16xf32, #tpu.memory_space<vmem>>, vector<16xf32>,
    tpu.vector_store %arg17[%swap3A], %broadcast_in_dim3A_35 {strides = array<i32>} : memref<16xf32, #tpu.memory_space<vmem>>, vector<16xf32>,
    %iota3A = tpu.iota {dimensions = array<i32: 0>} : vector<16xi32>
    %run_scoped3A = arith.constant 0 : i32
    "tpu.region"() ({
      %run_scoped3A_308 = tpu.sem_alloc : memref<!tpu.dma_semaphore, #tpu.memory_space<semaphore_mem>>
      %dma_start3A_309 = tpu.memref_slice %arg3[%run_scoped3A, %mul3A_34] : memref<50x1024xi32, #tpu.memory_space<hbm>> -> memref<1x32xi32, #tpu.memory_space<hbm>>
      %dma_start3A_310 = tpu.memref_squeeze %dma_start3A_309 : memref<1x32xi32, #tpu.memory_space<hbm>> -> memref<32xi32, #tpu.memory_space<hbm>>
      %dma_start3A_311 = tpu.memref_slice %arg3[%run_scoped3A, %mul3A_34] : memref<50x1024xi32, #tpu.memory_space<hbm>> -> memref<1x32xi32, #tpu.memory_space<hbm>>
      %dma_start3A_312 = tpu.memref_squeeze %dma_start3A_311 : memref<1x32xi32, #tpu.memory_space<hbm>> -> memref<32xi32, #tpu.memory_space<hbm>>
      tpu.enqueue_dma source(%dma_start3A_312 : memref<32xi32, #tpu.memory_space<hbm>>) target(%arg8 : memref<32xi32, #tpu.memory_space<vmem>>) target_semaphore(%run_scoped3A_308 : memref<!tpu.dma_semaphore, #tpu.memory_space<semaphore_mem>>)
      %dma_wait3A_313 = tpu.memref_slice %arg3[%run_scoped3A, %mul3A_34] : memref<50x1024xi32, #tpu.memory_space<hbm>> -> memref<1x32xi32, #tpu.memory_space<hbm>>
      %dma_wait3A_314 = tpu.memref_squeeze %dma_wait3A_313 : memref<1x32xi32, #tpu.memory_space<hbm>> -> memref<32xi32, #tpu.memory_space<hbm>>
      %dma_wait3A_315 = tpu.memref_slice %arg3[%run_scoped3A, %mul3A_34] : memref<50x1024xi32, #tpu.memory_space<hbm>> -> memref<1x32xi32, #tpu.memory_space<hbm>>
      %dma_wait3A_316 = tpu.memref_squeeze %dma_wait3A_315 : memref<1x32xi32, #tpu.memory_space<hbm>> -> memref<32xi32, #tpu.memory_space<hbm>>
      tpu.wait_dma2 semaphore(%run_scoped3A_308 : memref<!tpu.dma_semaphore, #tpu.memory_space<semaphore_mem>>) src(%dma_wait3A_316 : memref<32xi32, #tpu.memory_space<hbm>>) dst(%arg8 : memref<32xi32, #tpu.memory_space<vmem>>)
      tpu.yield
    }) : () -> ()
    %run_scoped3A_37 = arith.constant 0 : i32
    "tpu.region"() ({
      %run_scoped3A_308 = tpu.sem_alloc : memref<!tpu.dma_semaphore, #tpu.memory_space<semaphore_mem>>
      %dma_start3A_309 = tpu.memref_slice %arg4[%run_scoped3A_37, %mul3A_34] : memref<50x1024xi32, #tpu.memory_space<hbm>> -> memref<1x32xi32, #tpu.memory_space<hbm>>
      %dma_start3A_310 = tpu.memref_squeeze %dma_start3A_309 : memref<1x32xi32, #tpu.memory_space<hbm>> -> memref<32xi32, #tpu.memory_space<hbm>>
      %dma_start3A_311 = tpu.memref_slice %arg4[%run_scoped3A_37, %mul3A_34] : memref<50x1024xi32, #tpu.memory_space<hbm>> -> memref<1x32xi32, #tpu.memory_space<hbm>>
      %dma_start3A_312 = tpu.memref_squeeze %dma_start3A_311 : memref<1x32xi32, #tpu.memory_space<hbm>> -> memref<32xi32, #tpu.memory_space<hbm>>
      tpu.enqueue_dma source(%dma_start3A_312 : memref<32xi32, #tpu.memory_space<hbm>>) target(%arg10 : memref<32xi32, #tpu.memory_space<vmem>>) target_semaphore(%run_scoped3A_308 : memref<!tpu.dma_semaphore, #tpu.memory_space<semaphore_mem>>)
      %dma_wait3A_313 = tpu.memref_slice %arg4[%run_scoped3A_37, %mul3A_34] : memref<50x1024xi32, #tpu.memory_space<hbm>> -> memref<1x32xi32, #tpu.memory_space<hbm>>
      %dma_wait3A_314 = tpu.memref_squeeze %dma_wait3A_313 : memref<1x32xi32, #tpu.memory_space<hbm>> -> memref<32xi32, #tpu.memory_space<hbm>>
      %dma_wait3A_315 = tpu.memref_slice %arg4[%run_scoped3A_37, %mul3A_34] : memref<50x1024xi32, #tpu.memory_space<hbm>> -> memref<1x32xi32, #tpu.memory_space<hbm>>
      %dma_wait3A_316 = tpu.memref_squeeze %dma_wait3A_315 : memref<1x32xi32, #tpu.memory_space<hbm>> -> memref<32xi32, #tpu.memory_space<hbm>>
      tpu.wait_dma2 semaphore(%run_scoped3A_308 : memref<!tpu.dma_semaphore, #tpu.memory_space<semaphore_mem>>) src(%dma_wait3A_316 : memref<32xi32, #tpu.memory_space<hbm>>) dst(%arg10 : memref<32xi32, #tpu.memory_space<vmem>>)
      tpu.yield
    }) : () -> ()
    %dma_start3A = arith.constant 0 : i32
    %dma_start3A_38 = arith.constant 0 : i32
    %dma_start3A_39 = tpu.memref_slice %arg2[%dma_start3A, %dma_start3A_38] : memref<1000x1000xf32, #tpu.memory_space<hbm>> -> memref<1000x1000xf32, #tpu.memory_space<hbm>>
    tpu.enqueue_indirect_dma source(%dma_start3A_39 : memref<1000x1000xf32, #tpu.memory_space<hbm>>) target(%arg13 : memref<32x1000xf32, #tpu.memory_space<vmem>>) offsets(%arg8 : memref<32xi32, #tpu.memory_space<vmem>>) semaphore(%arg18 : memref<!tpu.dma_semaphore, #tpu.memory_space<semaphore_mem>>)
    %run_scoped3A_40 = arith.constant 1 : i32
    "tpu.region"() ({
      %run_scoped3A_308 = tpu.sem_alloc : memref<!tpu.dma_semaphore, #tpu.memory_space<semaphore_mem>>
      %dma_start3A_309 = tpu.memref_slice %arg3[%run_scoped3A_40, %mul3A_34] : memref<50x1024xi32, #tpu.memory_space<hbm>> -> memref<1x32xi32, #tpu.memory_space<hbm>>
      %dma_start3A_310 = tpu.memref_squeeze %dma_start3A_309 : memref<1x32xi32, #tpu.memory_space<hbm>> -> memref<32xi32, #tpu.memory_space<hbm>>
      %dma_start3A_311 = tpu.memref_slice %arg3[%run_scoped3A_40, %mul3A_34] : memref<50x1024xi32, #tpu.memory_space<hbm>> -> memref<1x32xi32, #tpu.memory_space<hbm>>
      %dma_start3A_312 = tpu.memref_squeeze %dma_start3A_311 : memref<1x32xi32, #tpu.memory_space<hbm>> -> memref<32xi32, #tpu.memory_space<hbm>>
      tpu.enqueue_dma source(%dma_start3A_312 : memref<32xi32, #tpu.memory_space<hbm>>) target(%arg9 : memref<32xi32, #tpu.memory_space<vmem>>) target_semaphore(%run_scoped3A_308 : memref<!tpu.dma_semaphore, #tpu.memory_space<semaphore_mem>>)
      %dma_wait3A_313 = tpu.memref_slice %arg3[%run_scoped3A_40, %mul3A_34] : memref<50x1024xi32, #tpu.memory_space<hbm>> -> memref<1x32xi32, #tpu.memory_space<hbm>>
      %dma_wait3A_314 = tpu.memref_squeeze %dma_wait3A_313 : memref<1x32xi32, #tpu.memory_space<hbm>> -> memref<32xi32, #tpu.memory_space<hbm>>
      %dma_wait3A_315 = tpu.memref_slice %arg3[%run_scoped3A_40, %mul3A_34] : memref<50x1024xi32, #tpu.memory_space<hbm>> -> memref<1x32xi32, #tpu.memory_space<hbm>>
      %dma_wait3A_316 = tpu.memref_squeeze %dma_wait3A_315 : memref<1x32xi32, #tpu.memory_space<hbm>> -> memref<32xi32, #tpu.memory_space<hbm>>
      tpu.wait_dma2 semaphore(%run_scoped3A_308 : memref<!tpu.dma_semaphore, #tpu.memory_space<semaphore_mem>>) src(%dma_wait3A_316 : memref<32xi32, #tpu.memory_space<hbm>>) dst(%arg9 : memref<32xi32, #tpu.memory_space<vmem>>)
      tpu.yield
    }) : () -> ()
    %run_scoped3A_41 = arith.constant 1 : i32
    "tpu.region"() ({
      %run_scoped3A_308 = tpu.sem_alloc : memref<!tpu.dma_semaphore, #tpu.memory_space<semaphore_mem>>
      %dma_start3A_309 = tpu.memref_slice %arg4[%run_scoped3A_41, %mul3A_34] : memref<50x1024xi32, #tpu.memory_space<hbm>> -> memref<1x32xi32, #tpu.memory_space<hbm>>
      %dma_start3A_310 = tpu.memref_squeeze %dma_start3A_309 : memref<1x32xi32, #tpu.memory_space<hbm>> -> memref<32xi32, #tpu.memory_space<hbm>>
      %dma_start3A_311 = tpu.memref_slice %arg4[%run_scoped3A_41, %mul3A_34] : memref<50x1024xi32, #tpu.memory_space<hbm>> -> memref<1x32xi32, #tpu.memory_space<hbm>>
      %dma_start3A_312 = tpu.memref_squeeze %dma_start3A_311 : memref<1x32xi32, #tpu.memory_space<hbm>> -> memref<32xi32, #tpu.memory_space<hbm>>
      tpu.enqueue_dma source(%dma_start3A_312 : memref<32xi32, #tpu.memory_space<hbm>>) target(%arg11 : memref<32xi32, #tpu.memory_space<vmem>>) target_semaphore(%run_scoped3A_308 : memref<!tpu.dma_semaphore, #tpu.memory_space<semaphore_mem>>)
      %dma_wait3A_313 = tpu.memref_slice %arg4[%run_scoped3A_41, %mul3A_34] : memref<50x1024xi32, #tpu.memory_space<hbm>> -> memref<1x32xi32, #tpu.memory_space<hbm>>
      %dma_wait3A_314 = tpu.memref_squeeze %dma_wait3A_313 : memref<1x32xi32, #tpu.memory_space<hbm>> -> memref<32xi32, #tpu.memory_space<hbm>>
      %dma_wait3A_315 = tpu.memref_slice %arg4[%run_scoped3A_41, %mul3A_34] : memref<50x1024xi32, #tpu.memory_space<hbm>> -> memref<1x32xi32, #tpu.memory_space<hbm>>
      %dma_wait3A_316 = tpu.memref_squeeze %dma_wait3A_315 : memref<1x32xi32, #tpu.memory_space<hbm>> -> memref<32xi32, #tpu.memory_space<hbm>>
      tpu.wait_dma2 semaphore(%run_scoped3A_308 : memref<!tpu.dma_semaphore, #tpu.memory_space<semaphore_mem>>) src(%dma_wait3A_316 : memref<32xi32, #tpu.memory_space<hbm>>) dst(%arg11 : memref<32xi32, #tpu.memory_space<vmem>>)
      tpu.yield
    }) : () -> ()
    %dma_start3A_42 = arith.constant 0 : i32
    %dma_start3A_43 = arith.constant 0 : i32
    %dma_start3A_44 = tpu.memref_slice %arg2[%dma_start3A_42, %dma_start3A_43] : memref<1000x1000xf32, #tpu.memory_space<hbm>> -> memref<1000x1000xf32, #tpu.memory_space<hbm>>
    tpu.enqueue_indirect_dma source(%dma_start3A_44 : memref<1000x1000xf32, #tpu.memory_space<hbm>>) target(%arg14 : memref<32x1000xf32, #tpu.memory_space<vmem>>) offsets(%arg9 : memref<32xi32, #tpu.memory_space<vmem>>) semaphore(%arg19 : memref<!tpu.dma_semaphore, #tpu.memory_space<semaphore_mem>>)
    %dma_wait3A = arith.constant 0 : i32
    %dma_wait3A_45 = arith.constant 0 : i32
    %dma_wait3A_46 = tpu.memref_slice %arg2[%dma_wait3A, %dma_wait3A_45] : memref<1000x1000xf32, #tpu.memory_space<hbm>> -> memref<1000x1000xf32, #tpu.memory_space<hbm>>
    tpu.wait_indirect_dma semaphore(%arg18 : memref<!tpu.dma_semaphore, #tpu.memory_space<semaphore_mem>>) src(%dma_wait3A_46 : memref<1000x1000xf32, #tpu.memory_space<hbm>>) dst(%arg13 : memref<32x1000xf32, #tpu.memory_space<vmem>>)
    %get3A = arith.constant 0 : index
    %get3A_47 = tpu.vector_load %arg8[%get3A] {strides = array<i32>} : memref<32xi32, #tpu.memory_space<vmem>>, vector<16xi32>,
    %get3A_48 = arith.constant 0 : index
    %get3A_49 = tpu.vector_load %arg10[%get3A_48] {strides = array<i32>} : memref<32xi32, #tpu.memory_space<vmem>>, vector<16xi32>,
    %add3A_50 = arith.constant 0 : i32
    %add3A_51 = vector.broadcast %add3A_50 : i32 to vector<16xi32>
    %add3A_52 = arith.addi %iota3A, %add3A_51 : vector<16xi32>
    %gather3A = tpu.vector_load_idx %arg13[%add3A_52, %get3A_49] : memref<32x1000xf32, #tpu.memory_space<vmem>>[vector<16xi32>, vector<16xi32>], vector<16xf32>,
    %gather3A_53 = tpu.vector_load_idx %arg12[%get3A_47] : memref<1000xf32, #tpu.memory_space<vmem>>[vector<16xi32>], vector<16xf32>,
    %get3A_54 = arith.constant 0 : index
    %get3A_55 = tpu.vector_load %arg17[%get3A_54] {strides = array<i32>} : memref<16xf32, #tpu.memory_space<vmem>>, vector<16xf32>,
    %sub3A_56 = arith.subf %gather3A_53, %gather3A : vector<16xf32>
    %add3A_57 = arith.addf %get3A_55, %sub3A_56 : vector<16xf32>
    %swap3A_58 = arith.constant 0 : index
    %swap3A_59 = tpu.vector_load %arg17[%swap3A_58] {strides = array<i32>} : memref<16xf32, #tpu.memory_space<vmem>>, vector<16xf32>,
    tpu.vector_store %arg17[%swap3A_58], %add3A_57 {strides = array<i32>} : memref<16xf32, #tpu.memory_space<vmem>>, vector<16xf32>,
    %get3A_60 = arith.constant 16 : index
    %get3A_61 = tpu.vector_load %arg8[%get3A_60] {strides = array<i32>} : memref<32xi32, #tpu.memory_space<vmem>>, vector<16xi32>,
    %get3A_62 = arith.constant 16 : index
    %get3A_63 = tpu.vector_load %arg10[%get3A_62] {strides = array<i32>} : memref<32xi32, #tpu.memory_space<vmem>>, vector<16xi32>,
    %add3A_64 = arith.constant 16 : i32
    %add3A_65 = vector.broadcast %add3A_64 : i32 to vector<16xi32>
    %add3A_66 = arith.addi %iota3A, %add3A_65 : vector<16xi32>
    %gather3A_67 = tpu.vector_load_idx %arg13[%add3A_66, %get3A_63] : memref<32x1000xf32, #tpu.memory_space<vmem>>[vector<16xi32>, vector<16xi32>], vector<16xf32>,
    %gather3A_68 = tpu.vector_load_idx %arg12[%get3A_61] : memref<1000xf32, #tpu.memory_space<vmem>>[vector<16xi32>], vector<16xf32>,
    %get3A_69 = arith.constant 0 : index
    %get3A_70 = tpu.vector_load %arg17[%get3A_69] {strides = array<i32>} : memref<16xf32, #tpu.memory_space<vmem>>, vector<16xf32>,
    %sub3A_71 = arith.subf %gather3A_68, %gather3A_67 : vector<16xf32>
    %add3A_72 = arith.addf %get3A_70, %sub3A_71 : vector<16xf32>
    %swap3A_73 = arith.constant 0 : index
    %swap3A_74 = tpu.vector_load %arg17[%swap3A_73] {strides = array<i32>} : memref<16xf32, #tpu.memory_space<vmem>>, vector<16xf32>,
    tpu.vector_store %arg17[%swap3A_73], %add3A_72 {strides = array<i32>} : memref<16xf32, #tpu.memory_space<vmem>>, vector<16xf32>,
    %dma_start3A_75 = arith.constant 2 : i32
    %dma_start3A_76 = tpu.memref_slice %arg3[%dma_start3A_75, %mul3A_34] : memref<50x1024xi32, #tpu.memory_space<hbm>> -> memref<1x32xi32, #tpu.memory_space<hbm>>
    %dma_start3A_77 = tpu.memref_squeeze %dma_start3A_76 : memref<1x32xi32, #tpu.memory_space<hbm>> -> memref<32xi32, #tpu.memory_space<hbm>>
    %dma_start3A_78 = tpu.memref_slice %arg3[%dma_start3A_75, %mul3A_34] : memref<50x1024xi32, #tpu.memory_space<hbm>> -> memref<1x32xi32, #tpu.memory_space<hbm>>
    %dma_start3A_79 = tpu.memref_squeeze %dma_start3A_78 : memref<1x32xi32, #tpu.memory_space<hbm>> -> memref<32xi32, #tpu.memory_space<hbm>>
    tpu.enqueue_dma source(%dma_start3A_79 : memref<32xi32, #tpu.memory_space<hbm>>) target(%arg8 : memref<32xi32, #tpu.memory_space<vmem>>) target_semaphore(%arg22 : memref<!tpu.dma_semaphore, #tpu.memory_space<semaphore_mem>>)
    %dma_start3A_80 = arith.constant 2 : i32
    %dma_start3A_81 = tpu.memref_slice %arg4[%dma_start3A_80, %mul3A_34] : memref<50x1024xi32, #tpu.memory_space<hbm>> -> memref<1x32xi32, #tpu.memory_space<hbm>>
    %dma_start3A_82 = tpu.memref_squeeze %dma_start3A_81 : memref<1x32xi32, #tpu.memory_space<hbm>> -> memref<32xi32, #tpu.memory_space<hbm>>
    %dma_start3A_83 = tpu.memref_slice %arg4[%dma_start3A_80, %mul3A_34] : memref<50x1024xi32, #tpu.memory_space<hbm>> -> memref<1x32xi32, #tpu.memory_space<hbm>>
    %dma_start3A_84 = tpu.memref_squeeze %dma_start3A_83 : memref<1x32xi32, #tpu.memory_space<hbm>> -> memref<32xi32, #tpu.memory_space<hbm>>
    tpu.enqueue_dma source(%dma_start3A_84 : memref<32xi32, #tpu.memory_space<hbm>>) target(%arg10 : memref<32xi32, #tpu.memory_space<vmem>>) target_semaphore(%arg22 : memref<!tpu.dma_semaphore, #tpu.memory_space<semaphore_mem>>)
    %parallel_loop3A = arith.constant 0 : i32
    %parallel_loop3A_85 = arith.constant 125 : i32
    %parallel_loop3A_86 = arith.constant 1 : i32
    scf.for %parallel_loop3A_308 = %parallel_loop3A to %parallel_loop3A_85 step %parallel_loop3A_86  : i32 {
      %parallel_loop3A_309 = arith.constant 0 : i32
      %parallel_loop3A_310 = vector.broadcast %parallel_loop3A_309 : i32 to vector<16xi32>
      %parallel_loop3A_311 = arith.constant 8 : i32
      %parallel_loop3A_312 = arith.muli %parallel_loop3A_308, %parallel_loop3A_311 : i32
      %parallel_loop3A_313 = arith.constant 0 : i32
      %parallel_loop3A_314 = arith.addi %parallel_loop3A_312, %parallel_loop3A_313 : i32
      %parallel_loop3A_315 = vector.broadcast %parallel_loop3A_314 : i32 to vector<16xi32>
      %parallel_loop3A_316 = arith.addi %parallel_loop3A_310, %parallel_loop3A_315 : vector<16xi32>
      %parallel_loop3A_317 = tpu.vector_load_idx %arg13[%iota3A, %parallel_loop3A_316] : memref<32x1000xf32, #tpu.memory_space<vmem>>[vector<16xi32>, vector<16xi32>], vector<16xf32>,
      %parallel_loop3A_318 = arith.constant 16 : i32
      %parallel_loop3A_319 = vector.broadcast %parallel_loop3A_318 : i32 to vector<16xi32>
      %parallel_loop3A_320 = arith.addi %iota3A, %parallel_loop3A_319 : vector<16xi32>
      %parallel_loop3A_321 = tpu.vector_load_idx %arg13[%parallel_loop3A_320, %parallel_loop3A_316] : memref<32x1000xf32, #tpu.memory_space<vmem>>[vector<16xi32>, vector<16xi32>], vector<16xf32>,
      %parallel_loop3A_322 = arith.constant 0 : i32
      %parallel_loop3A_323 = vector.broadcast %parallel_loop3A_322 : i32 to vector<16xi32>
      %parallel_loop3A_324 = arith.constant 8 : i32
      %parallel_loop3A_325 = arith.muli %parallel_loop3A_308, %parallel_loop3A_324 : i32
      %parallel_loop3A_326 = arith.constant 1 : i32
      %parallel_loop3A_327 = arith.addi %parallel_loop3A_325, %parallel_loop3A_326 : i32
      %parallel_loop3A_328 = vector.broadcast %parallel_loop3A_327 : i32 to vector<16xi32>
      %parallel_loop3A_329 = arith.addi %parallel_loop3A_323, %parallel_loop3A_328 : vector<16xi32>
      %parallel_loop3A_330 = tpu.vector_load_idx %arg13[%iota3A, %parallel_loop3A_329] : memref<32x1000xf32, #tpu.memory_space<vmem>>[vector<16xi32>, vector<16xi32>], vector<16xf32>,
      %parallel_loop3A_331 = arith.constant 16 : i32
      %parallel_loop3A_332 = vector.broadcast %parallel_loop3A_331 : i32 to vector<16xi32>
      %parallel_loop3A_333 = arith.addi %iota3A, %parallel_loop3A_332 : vector<16xi32>
      %parallel_loop3A_334 = tpu.vector_load_idx %arg13[%parallel_loop3A_333, %parallel_loop3A_329] : memref<32x1000xf32, #tpu.memory_space<vmem>>[vector<16xi32>, vector<16xi32>], vector<16xf32>,
      %parallel_loop3A_335 = arith.constant 0 : i32
      %parallel_loop3A_336 = vector.broadcast %parallel_loop3A_335 : i32 to vector<16xi32>
      %parallel_loop3A_337 = arith.constant 8 : i32
      %parallel_loop3A_338 = arith.muli %parallel_loop3A_308, %parallel_loop3A_337 : i32
      %parallel_loop3A_339 = arith.constant 2 : i32
      %parallel_loop3A_340 = arith.addi %parallel_loop3A_338, %parallel_loop3A_339 : i32
      %parallel_loop3A_341 = vector.broadcast %parallel_loop3A_340 : i32 to vector<16xi32>
      %parallel_loop3A_342 = arith.addi %parallel_loop3A_336, %parallel_loop3A_341 : vector<16xi32>
      %parallel_loop3A_343 = tpu.vector_load_idx %arg13[%iota3A, %parallel_loop3A_342] : memref<32x1000xf32, #tpu.memory_space<vmem>>[vector<16xi32>, vector<16xi32>], vector<16xf32>,
      %parallel_loop3A_344 = arith.constant 16 : i32
      %parallel_loop3A_345 = vector.broadcast %parallel_loop3A_344 : i32 to vector<16xi32>
      %parallel_loop3A_346 = arith.addi %iota3A, %parallel_loop3A_345 : vector<16xi32>
      %parallel_loop3A_347 = tpu.vector_load_idx %arg13[%parallel_loop3A_346, %parallel_loop3A_342] : memref<32x1000xf32, #tpu.memory_space<vmem>>[vector<16xi32>, vector<16xi32>], vector<16xf32>,
      %parallel_loop3A_348 = arith.constant 0 : i32
      %parallel_loop3A_349 = vector.broadcast %parallel_loop3A_348 : i32 to vector<16xi32>
      %parallel_loop3A_350 = arith.constant 8 : i32
      %parallel_loop3A_351 = arith.muli %parallel_loop3A_308, %parallel_loop3A_350 : i32
      %parallel_loop3A_352 = arith.constant 3 : i32
      %parallel_loop3A_353 = arith.addi %parallel_loop3A_351, %parallel_loop3A_352 : i32
      %parallel_loop3A_354 = vector.broadcast %parallel_loop3A_353 : i32 to vector<16xi32>
      %parallel_loop3A_355 = arith.addi %parallel_loop3A_349, %parallel_loop3A_354 : vector<16xi32>
      %parallel_loop3A_356 = tpu.vector_load_idx %arg13[%iota3A, %parallel_loop3A_355] : memref<32x1000xf32, #tpu.memory_space<vmem>>[vector<16xi32>, vector<16xi32>], vector<16xf32>,
      %parallel_loop3A_357 = arith.constant 16 : i32
      %parallel_loop3A_358 = vector.broadcast %parallel_loop3A_357 : i32 to vector<16xi32>
      %parallel_loop3A_359 = arith.addi %iota3A, %parallel_loop3A_358 : vector<16xi32>
      %parallel_loop3A_360 = tpu.vector_load_idx %arg13[%parallel_loop3A_359, %parallel_loop3A_355] : memref<32x1000xf32, #tpu.memory_space<vmem>>[vector<16xi32>, vector<16xi32>], vector<16xf32>,
      %parallel_loop3A_361 = arith.constant 0 : i32
      %parallel_loop3A_362 = vector.broadcast %parallel_loop3A_361 : i32 to vector<16xi32>
      %parallel_loop3A_363 = arith.constant 8 : i32
      %parallel_loop3A_364 = arith.muli %parallel_loop3A_308, %parallel_loop3A_363 : i32
      %parallel_loop3A_365 = arith.constant 4 : i32
      %parallel_loop3A_366 = arith.addi %parallel_loop3A_364, %parallel_loop3A_365 : i32
      %parallel_loop3A_367 = vector.broadcast %parallel_loop3A_366 : i32 to vector<16xi32>
      %parallel_loop3A_368 = arith.addi %parallel_loop3A_362, %parallel_loop3A_367 : vector<16xi32>
      %parallel_loop3A_369 = tpu.vector_load_idx %arg13[%iota3A, %parallel_loop3A_368] : memref<32x1000xf32, #tpu.memory_space<vmem>>[vector<16xi32>, vector<16xi32>], vector<16xf32>,
      %parallel_loop3A_370 = arith.constant 16 : i32
      %parallel_loop3A_371 = vector.broadcast %parallel_loop3A_370 : i32 to vector<16xi32>
      %parallel_loop3A_372 = arith.addi %iota3A, %parallel_loop3A_371 : vector<16xi32>
      %parallel_loop3A_373 = tpu.vector_load_idx %arg13[%parallel_loop3A_372, %parallel_loop3A_368] : memref<32x1000xf32, #tpu.memory_space<vmem>>[vector<16xi32>, vector<16xi32>], vector<16xf32>,
      %parallel_loop3A_374 = arith.constant 0 : i32
      %parallel_loop3A_375 = vector.broadcast %parallel_loop3A_374 : i32 to vector<16xi32>
      %parallel_loop3A_376 = arith.constant 8 : i32
      %parallel_loop3A_377 = arith.muli %parallel_loop3A_308, %parallel_loop3A_376 : i32
      %parallel_loop3A_378 = arith.constant 5 : i32
      %parallel_loop3A_379 = arith.addi %parallel_loop3A_377, %parallel_loop3A_378 : i32
      %parallel_loop3A_380 = vector.broadcast %parallel_loop3A_379 : i32 to vector<16xi32>
      %parallel_loop3A_381 = arith.addi %parallel_loop3A_375, %parallel_loop3A_380 : vector<16xi32>
      %parallel_loop3A_382 = tpu.vector_load_idx %arg13[%iota3A, %parallel_loop3A_381] : memref<32x1000xf32, #tpu.memory_space<vmem>>[vector<16xi32>, vector<16xi32>], vector<16xf32>,
      %parallel_loop3A_383 = arith.constant 16 : i32
      %parallel_loop3A_384 = vector.broadcast %parallel_loop3A_383 : i32 to vector<16xi32>
      %parallel_loop3A_385 = arith.addi %iota3A, %parallel_loop3A_384 : vector<16xi32>
      %parallel_loop3A_386 = tpu.vector_load_idx %arg13[%parallel_loop3A_385, %parallel_loop3A_381] : memref<32x1000xf32, #tpu.memory_space<vmem>>[vector<16xi32>, vector<16xi32>], vector<16xf32>,
      %parallel_loop3A_387 = arith.constant 0 : i32
      %parallel_loop3A_388 = vector.broadcast %parallel_loop3A_387 : i32 to vector<16xi32>
      %parallel_loop3A_389 = arith.constant 8 : i32
      %parallel_loop3A_390 = arith.muli %parallel_loop3A_308, %parallel_loop3A_389 : i32
      %parallel_loop3A_391 = arith.constant 6 : i32
      %parallel_loop3A_392 = arith.addi %parallel_loop3A_390, %parallel_loop3A_391 : i32
      %parallel_loop3A_393 = vector.broadcast %parallel_loop3A_392 : i32 to vector<16xi32>
      %parallel_loop3A_394 = arith.addi %parallel_loop3A_388, %parallel_loop3A_393 : vector<16xi32>
      %parallel_loop3A_395 = tpu.vector_load_idx %arg13[%iota3A, %parallel_loop3A_394] : memref<32x1000xf32, #tpu.memory_space<vmem>>[vector<16xi32>, vector<16xi32>], vector<16xf32>,
      %parallel_loop3A_396 = arith.constant 16 : i32
      %parallel_loop3A_397 = vector.broadcast %parallel_loop3A_396 : i32 to vector<16xi32>
      %parallel_loop3A_398 = arith.addi %iota3A, %parallel_loop3A_397 : vector<16xi32>
      %parallel_loop3A_399 = tpu.vector_load_idx %arg13[%parallel_loop3A_398, %parallel_loop3A_394] : memref<32x1000xf32, #tpu.memory_space<vmem>>[vector<16xi32>, vector<16xi32>], vector<16xf32>,
      %parallel_loop3A_400 = arith.constant 0 : i32
      %parallel_loop3A_401 = vector.broadcast %parallel_loop3A_400 : i32 to vector<16xi32>
      %parallel_loop3A_402 = arith.constant 8 : i32
      %parallel_loop3A_403 = arith.muli %parallel_loop3A_308, %parallel_loop3A_402 : i32
      %parallel_loop3A_404 = arith.constant 7 : i32
      %parallel_loop3A_405 = arith.addi %parallel_loop3A_403, %parallel_loop3A_404 : i32
      %parallel_loop3A_406 = vector.broadcast %parallel_loop3A_405 : i32 to vector<16xi32>
      %parallel_loop3A_407 = arith.addi %parallel_loop3A_401, %parallel_loop3A_406 : vector<16xi32>
      %parallel_loop3A_408 = tpu.vector_load_idx %arg13[%iota3A, %parallel_loop3A_407] : memref<32x1000xf32, #tpu.memory_space<vmem>>[vector<16xi32>, vector<16xi32>], vector<16xf32>,
      %parallel_loop3A_409 = arith.constant 16 : i32
      %parallel_loop3A_410 = vector.broadcast %parallel_loop3A_409 : i32 to vector<16xi32>
      %parallel_loop3A_411 = arith.addi %iota3A, %parallel_loop3A_410 : vector<16xi32>
      %parallel_loop3A_412 = tpu.vector_load_idx %arg13[%parallel_loop3A_411, %parallel_loop3A_407] : memref<32x1000xf32, #tpu.memory_space<vmem>>[vector<16xi32>, vector<16xi32>], vector<16xf32>,
      %parallel_loop3A_413 = arith.constant 0 : i32
      %parallel_loop3A_414 = arith.index_cast %parallel_loop3A_308 : i32 to index
      %parallel_loop3A_415 = arith.index_cast %parallel_loop3A_413 : i32 to index
      %parallel_loop3A_416 = arith.constant 0 : index
      %parallel_loop3A_417 = tpu.vector_load %arg15[%parallel_loop3A_414, %parallel_loop3A_415, %parallel_loop3A_416] {strides = array<i32>} : memref<125x8x32xf32, #tpu.memory_space<vmem>>, vector<16xf32>,
      tpu.vector_store %arg15[%parallel_loop3A_414, %parallel_loop3A_415, %parallel_loop3A_416], %parallel_loop3A_317 {strides = array<i32>} : memref<125x8x32xf32, #tpu.memory_space<vmem>>, vector<16xf32>,
      %parallel_loop3A_418 = arith.constant 0 : i32
      %parallel_loop3A_419 = arith.index_cast %parallel_loop3A_308 : i32 to index
      %parallel_loop3A_420 = arith.index_cast %parallel_loop3A_418 : i32 to index
      %parallel_loop3A_421 = arith.constant 16 : index
      %parallel_loop3A_422 = tpu.vector_load %arg15[%parallel_loop3A_419, %parallel_loop3A_420, %parallel_loop3A_421] {strides = array<i32>} : memref<125x8x32xf32, #tpu.memory_space<vmem>>, vector<16xf32>,
      tpu.vector_store %arg15[%parallel_loop3A_419, %parallel_loop3A_420, %parallel_loop3A_421], %parallel_loop3A_321 {strides = array<i32>} : memref<125x8x32xf32, #tpu.memory_space<vmem>>, vector<16xf32>,
      %parallel_loop3A_423 = arith.constant 1 : i32
      %parallel_loop3A_424 = arith.index_cast %parallel_loop3A_308 : i32 to index
      %parallel_loop3A_425 = arith.index_cast %parallel_loop3A_423 : i32 to index
      %parallel_loop3A_426 = arith.constant 0 : index
      %parallel_loop3A_427 = tpu.vector_load %arg15[%parallel_loop3A_424, %parallel_loop3A_425, %parallel_loop3A_426] {strides = array<i32>} : memref<125x8x32xf32, #tpu.memory_space<vmem>>, vector<16xf32>,
      tpu.vector_store %arg15[%parallel_loop3A_424, %parallel_loop3A_425, %parallel_loop3A_426], %parallel_loop3A_330 {strides = array<i32>} : memref<125x8x32xf32, #tpu.memory_space<vmem>>, vector<16xf32>,
      %parallel_loop3A_428 = arith.constant 1 : i32
      %parallel_loop3A_429 = arith.index_cast %parallel_loop3A_308 : i32 to index
      %parallel_loop3A_430 = arith.index_cast %parallel_loop3A_428 : i32 to index
      %parallel_loop3A_431 = arith.constant 16 : index
      %parallel_loop3A_432 = tpu.vector_load %arg15[%parallel_loop3A_429, %parallel_loop3A_430, %parallel_loop3A_431] {strides = array<i32>} : memref<125x8x32xf32, #tpu.memory_space<vmem>>, vector<16xf32>,
      tpu.vector_store %arg15[%parallel_loop3A_429, %parallel_loop3A_430, %parallel_loop3A_431], %parallel_loop3A_334 {strides = array<i32>} : memref<125x8x32xf32, #tpu.memory_space<vmem>>, vector<16xf32>,
      %parallel_loop3A_433 = arith.constant 2 : i32
      %parallel_loop3A_434 = arith.index_cast %parallel_loop3A_308 : i32 to index
      %parallel_loop3A_435 = arith.index_cast %parallel_loop3A_433 : i32 to index
      %parallel_loop3A_436 = arith.constant 0 : index
      %parallel_loop3A_437 = tpu.vector_load %arg15[%parallel_loop3A_434, %parallel_loop3A_435, %parallel_loop3A_436] {strides = array<i32>} : memref<125x8x32xf32, #tpu.memory_space<vmem>>, vector<16xf32>,
      tpu.vector_store %arg15[%parallel_loop3A_434, %parallel_loop3A_435, %parallel_loop3A_436], %parallel_loop3A_343 {strides = array<i32>} : memref<125x8x32xf32, #tpu.memory_space<vmem>>, vector<16xf32>,
      %parallel_loop3A_438 = arith.constant 2 : i32
      %parallel_loop3A_439 = arith.index_cast %parallel_loop3A_308 : i32 to index
      %parallel_loop3A_440 = arith.index_cast %parallel_loop3A_438 : i32 to index
      %parallel_loop3A_441 = arith.constant 16 : index
      %parallel_loop3A_442 = tpu.vector_load %arg15[%parallel_loop3A_439, %parallel_loop3A_440, %parallel_loop3A_441] {strides = array<i32>} : memref<125x8x32xf32, #tpu.memory_space<vmem>>, vector<16xf32>,
      tpu.vector_store %arg15[%parallel_loop3A_439, %parallel_loop3A_440, %parallel_loop3A_441], %parallel_loop3A_347 {strides = array<i32>} : memref<125x8x32xf32, #tpu.memory_space<vmem>>, vector<16xf32>,
      %parallel_loop3A_443 = arith.constant 3 : i32
      %parallel_loop3A_444 = arith.index_cast %parallel_loop3A_308 : i32 to index
      %parallel_loop3A_445 = arith.index_cast %parallel_loop3A_443 : i32 to index
      %parallel_loop3A_446 = arith.constant 0 : index
      %parallel_loop3A_447 = tpu.vector_load %arg15[%parallel_loop3A_444, %parallel_loop3A_445, %parallel_loop3A_446] {strides = array<i32>} : memref<125x8x32xf32, #tpu.memory_space<vmem>>, vector<16xf32>,
      tpu.vector_store %arg15[%parallel_loop3A_444, %parallel_loop3A_445, %parallel_loop3A_446], %parallel_loop3A_356 {strides = array<i32>} : memref<125x8x32xf32, #tpu.memory_space<vmem>>, vector<16xf32>,
      %parallel_loop3A_448 = arith.constant 3 : i32
      %parallel_loop3A_449 = arith.index_cast %parallel_loop3A_308 : i32 to index
      %parallel_loop3A_450 = arith.index_cast %parallel_loop3A_448 : i32 to index
      %parallel_loop3A_451 = arith.constant 16 : index
      %parallel_loop3A_452 = tpu.vector_load %arg15[%parallel_loop3A_449, %parallel_loop3A_450, %parallel_loop3A_451] {strides = array<i32>} : memref<125x8x32xf32, #tpu.memory_space<vmem>>, vector<16xf32>,
      tpu.vector_store %arg15[%parallel_loop3A_449, %parallel_loop3A_450, %parallel_loop3A_451], %parallel_loop3A_360 {strides = array<i32>} : memref<125x8x32xf32, #tpu.memory_space<vmem>>, vector<16xf32>,
      %parallel_loop3A_453 = arith.constant 4 : i32
      %parallel_loop3A_454 = arith.index_cast %parallel_loop3A_308 : i32 to index
      %parallel_loop3A_455 = arith.index_cast %parallel_loop3A_453 : i32 to index
      %parallel_loop3A_456 = arith.constant 0 : index
      %parallel_loop3A_457 = tpu.vector_load %arg15[%parallel_loop3A_454, %parallel_loop3A_455, %parallel_loop3A_456] {strides = array<i32>} : memref<125x8x32xf32, #tpu.memory_space<vmem>>, vector<16xf32>,
      tpu.vector_store %arg15[%parallel_loop3A_454, %parallel_loop3A_455, %parallel_loop3A_456], %parallel_loop3A_369 {strides = array<i32>} : memref<125x8x32xf32, #tpu.memory_space<vmem>>, vector<16xf32>,
      %parallel_loop3A_458 = arith.constant 4 : i32
      %parallel_loop3A_459 = arith.index_cast %parallel_loop3A_308 : i32 to index
      %parallel_loop3A_460 = arith.index_cast %parallel_loop3A_458 : i32 to index
      %parallel_loop3A_461 = arith.constant 16 : index
      %parallel_loop3A_462 = tpu.vector_load %arg15[%parallel_loop3A_459, %parallel_loop3A_460, %parallel_loop3A_461] {strides = array<i32>} : memref<125x8x32xf32, #tpu.memory_space<vmem>>, vector<16xf32>,
      tpu.vector_store %arg15[%parallel_loop3A_459, %parallel_loop3A_460, %parallel_loop3A_461], %parallel_loop3A_373 {strides = array<i32>} : memref<125x8x32xf32, #tpu.memory_space<vmem>>, vector<16xf32>,
      %parallel_loop3A_463 = arith.constant 5 : i32
      %parallel_loop3A_464 = arith.index_cast %parallel_loop3A_308 : i32 to index
      %parallel_loop3A_465 = arith.index_cast %parallel_loop3A_463 : i32 to index
      %parallel_loop3A_466 = arith.constant 0 : index
      %parallel_loop3A_467 = tpu.vector_load %arg15[%parallel_loop3A_464, %parallel_loop3A_465, %parallel_loop3A_466] {strides = array<i32>} : memref<125x8x32xf32, #tpu.memory_space<vmem>>, vector<16xf32>,
      tpu.vector_store %arg15[%parallel_loop3A_464, %parallel_loop3A_465, %parallel_loop3A_466], %parallel_loop3A_382 {strides = array<i32>} : memref<125x8x32xf32, #tpu.memory_space<vmem>>, vector<16xf32>,
      %parallel_loop3A_468 = arith.constant 5 : i32
      %parallel_loop3A_469 = arith.index_cast %parallel_loop3A_308 : i32 to index
      %parallel_loop3A_470 = arith.index_cast %parallel_loop3A_468 : i32 to index
      %parallel_loop3A_471 = arith.constant 16 : index
      %parallel_loop3A_472 = tpu.vector_load %arg15[%parallel_loop3A_469, %parallel_loop3A_470, %parallel_loop3A_471] {strides = array<i32>} : memref<125x8x32xf32, #tpu.memory_space<vmem>>, vector<16xf32>,
      tpu.vector_store %arg15[%parallel_loop3A_469, %parallel_loop3A_470, %parallel_loop3A_471], %parallel_loop3A_386 {strides = array<i32>} : memref<125x8x32xf32, #tpu.memory_space<vmem>>, vector<16xf32>,
      %parallel_loop3A_473 = arith.constant 6 : i32
      %parallel_loop3A_474 = arith.index_cast %parallel_loop3A_308 : i32 to index
      %parallel_loop3A_475 = arith.index_cast %parallel_loop3A_473 : i32 to index
      %parallel_loop3A_476 = arith.constant 0 : index
      %parallel_loop3A_477 = tpu.vector_load %arg15[%parallel_loop3A_474, %parallel_loop3A_475, %parallel_loop3A_476] {strides = array<i32>} : memref<125x8x32xf32, #tpu.memory_space<vmem>>, vector<16xf32>,
      tpu.vector_store %arg15[%parallel_loop3A_474, %parallel_loop3A_475, %parallel_loop3A_476], %parallel_loop3A_395 {strides = array<i32>} : memref<125x8x32xf32, #tpu.memory_space<vmem>>, vector<16xf32>,
      %parallel_loop3A_478 = arith.constant 6 : i32
      %parallel_loop3A_479 = arith.index_cast %parallel_loop3A_308 : i32 to index
      %parallel_loop3A_480 = arith.index_cast %parallel_loop3A_478 : i32 to index
      %parallel_loop3A_481 = arith.constant 16 : index
      %parallel_loop3A_482 = tpu.vector_load %arg15[%parallel_loop3A_479, %parallel_loop3A_480, %parallel_loop3A_481] {strides = array<i32>} : memref<125x8x32xf32, #tpu.memory_space<vmem>>, vector<16xf32>,
      tpu.vector_store %arg15[%parallel_loop3A_479, %parallel_loop3A_480, %parallel_loop3A_481], %parallel_loop3A_399 {strides = array<i32>} : memref<125x8x32xf32, #tpu.memory_space<vmem>>, vector<16xf32>,
      %parallel_loop3A_483 = arith.constant 7 : i32
      %parallel_loop3A_484 = arith.index_cast %parallel_loop3A_308 : i32 to index
      %parallel_loop3A_485 = arith.index_cast %parallel_loop3A_483 : i32 to index
      %parallel_loop3A_486 = arith.constant 0 : index
      %parallel_loop3A_487 = tpu.vector_load %arg15[%parallel_loop3A_484, %parallel_loop3A_485, %parallel_loop3A_486] {strides = array<i32>} : memref<125x8x32xf32, #tpu.memory_space<vmem>>, vector<16xf32>,
      tpu.vector_store %arg15[%parallel_loop3A_484, %parallel_loop3A_485, %parallel_loop3A_486], %parallel_loop3A_408 {strides = array<i32>} : memref<125x8x32xf32, #tpu.memory_space<vmem>>, vector<16xf32>,
      %parallel_loop3A_488 = arith.constant 7 : i32
      %parallel_loop3A_489 = arith.index_cast %parallel_loop3A_308 : i32 to index
      %parallel_loop3A_490 = arith.index_cast %parallel_loop3A_488 : i32 to index
      %parallel_loop3A_491 = arith.constant 16 : index
      %parallel_loop3A_492 = tpu.vector_load %arg15[%parallel_loop3A_489, %parallel_loop3A_490, %parallel_loop3A_491] {strides = array<i32>} : memref<125x8x32xf32, #tpu.memory_space<vmem>>, vector<16xf32>,
      tpu.vector_store %arg15[%parallel_loop3A_489, %parallel_loop3A_490, %parallel_loop3A_491], %parallel_loop3A_412 {strides = array<i32>} : memref<125x8x32xf32, #tpu.memory_space<vmem>>, vector<16xf32>,
    } {sc.loop_unroll_factor = 2 : i64, sc.parallel_access}
    %dma_wait3A_87 = arith.constant 0 : i32
    %dma_wait3A_88 = tpu.memref_slice %arg3[%dma_wait3A_87, %mul3A_34] : memref<50x1024xi32, #tpu.memory_space<hbm>> -> memref<1x32xi32, #tpu.memory_space<hbm>>
    %dma_wait3A_89 = tpu.memref_squeeze %dma_wait3A_88 : memref<1x32xi32, #tpu.memory_space<hbm>> -> memref<32xi32, #tpu.memory_space<hbm>>
    %dma_wait3A_90 = tpu.memref_slice %arg3[%dma_wait3A_87, %mul3A_34] : memref<50x1024xi32, #tpu.memory_space<hbm>> -> memref<1x32xi32, #tpu.memory_space<hbm>>
    %dma_wait3A_91 = tpu.memref_squeeze %dma_wait3A_90 : memref<1x32xi32, #tpu.memory_space<hbm>> -> memref<32xi32, #tpu.memory_space<hbm>>
    tpu.wait_dma2 semaphore(%arg22 : memref<!tpu.dma_semaphore, #tpu.memory_space<semaphore_mem>>) src(%dma_wait3A_91 : memref<32xi32, #tpu.memory_space<hbm>>) dst(%arg8 : memref<32xi32, #tpu.memory_space<vmem>>)
    %dma_wait3A_92 = arith.constant 0 : i32
    %dma_wait3A_93 = tpu.memref_slice %arg4[%dma_wait3A_92, %mul3A_34] : memref<50x1024xi32, #tpu.memory_space<hbm>> -> memref<1x32xi32, #tpu.memory_space<hbm>>
    %dma_wait3A_94 = tpu.memref_squeeze %dma_wait3A_93 : memref<1x32xi32, #tpu.memory_space<hbm>> -> memref<32xi32, #tpu.memory_space<hbm>>
    %dma_wait3A_95 = tpu.memref_slice %arg4[%dma_wait3A_92, %mul3A_34] : memref<50x1024xi32, #tpu.memory_space<hbm>> -> memref<1x32xi32, #tpu.memory_space<hbm>>
    %dma_wait3A_96 = tpu.memref_squeeze %dma_wait3A_95 : memref<1x32xi32, #tpu.memory_space<hbm>> -> memref<32xi32, #tpu.memory_space<hbm>>
    tpu.wait_dma2 semaphore(%arg22 : memref<!tpu.dma_semaphore, #tpu.memory_space<semaphore_mem>>) src(%dma_wait3A_96 : memref<32xi32, #tpu.memory_space<hbm>>) dst(%arg10 : memref<32xi32, #tpu.memory_space<vmem>>)
    %dma_start3A_97 = arith.constant 0 : i32
    %dma_start3A_98 = arith.constant 0 : i32
    %dma_start3A_99 = tpu.memref_slice %arg2[%dma_start3A_97, %dma_start3A_98] : memref<1000x1000xf32, #tpu.memory_space<hbm>> -> memref<1000x1000xf32, #tpu.memory_space<hbm>>
    tpu.enqueue_indirect_dma source(%dma_start3A_99 : memref<1000x1000xf32, #tpu.memory_space<hbm>>) target(%arg13 : memref<32x1000xf32, #tpu.memory_space<vmem>>) offsets(%arg8 : memref<32xi32, #tpu.memory_space<vmem>>) semaphore(%arg18 : memref<!tpu.dma_semaphore, #tpu.memory_space<semaphore_mem>>)
    %dma_start3A_100 = arith.constant 0 : i32
    %dma_start3A_101 = arith.constant 0 : i32
    %dma_start3A_102 = arith.constant 0 : i32
    %dma_start3A_103 = tpu.memref_slice %arg6[%dma_start3A_100, %dma_start3A_101, %select_n3A, %dma_start3A_102, %mul3A_32] : memref<50x125x8x8x128xf32, #tpu.memory_space<hbm>> -> memref<1x125x1x8x32xf32, #tpu.memory_space<hbm>>
    %dma_start3A_104 = tpu.memref_squeeze %dma_start3A_103 : memref<1x125x1x8x32xf32, #tpu.memory_space<hbm>> -> memref<125x8x32xf32, #tpu.memory_space<hbm>>
    %dma_start3A_105 = arith.constant 0 : i32
    %dma_start3A_106 = arith.constant 0 : i32
    %dma_start3A_107 = tpu.memref_slice %arg6[%dma_start3A_100, %dma_start3A_105, %select_n3A, %dma_start3A_106, %mul3A_32] : memref<50x125x8x8x128xf32, #tpu.memory_space<hbm>> -> memref<1x125x1x8x32xf32, #tpu.memory_space<hbm>>
    %dma_start3A_108 = tpu.memref_squeeze %dma_start3A_107 : memref<1x125x1x8x32xf32, #tpu.memory_space<hbm>> -> memref<125x8x32xf32, #tpu.memory_space<hbm>>
    tpu.enqueue_dma source(%arg15 : memref<125x8x32xf32, #tpu.memory_space<vmem>>) target(%dma_start3A_108 : memref<125x8x32xf32, #tpu.memory_space<hbm>>) target_semaphore(%arg20 : memref<!tpu.dma_semaphore, #tpu.memory_space<semaphore_mem>>)
    %dma_wait3A_109 = arith.constant 0 : i32
    %dma_wait3A_110 = arith.constant 0 : i32
    %dma_wait3A_111 = tpu.memref_slice %arg2[%dma_wait3A_109, %dma_wait3A_110] : memref<1000x1000xf32, #tpu.memory_space<hbm>> -> memref<1000x1000xf32, #tpu.memory_space<hbm>>
    tpu.wait_indirect_dma semaphore(%arg19 : memref<!tpu.dma_semaphore, #tpu.memory_space<semaphore_mem>>) src(%dma_wait3A_111 : memref<1000x1000xf32, #tpu.memory_space<hbm>>) dst(%arg14 : memref<32x1000xf32, #tpu.memory_space<vmem>>)
    %get3A_112 = arith.constant 0 : index
    %get3A_113 = tpu.vector_load %arg9[%get3A_112] {strides = array<i32>} : memref<32xi32, #tpu.memory_space<vmem>>, vector<16xi32>,
    %get3A_114 = arith.constant 0 : index
    %get3A_115 = tpu.vector_load %arg11[%get3A_114] {strides = array<i32>} : memref<32xi32, #tpu.memory_space<vmem>>, vector<16xi32>,
    %add3A_116 = arith.constant 0 : i32
    %add3A_117 = vector.broadcast %add3A_116 : i32 to vector<16xi32>
    %add3A_118 = arith.addi %iota3A, %add3A_117 : vector<16xi32>
    %gather3A_119 = tpu.vector_load_idx %arg14[%add3A_118, %get3A_115] : memref<32x1000xf32, #tpu.memory_space<vmem>>[vector<16xi32>, vector<16xi32>], vector<16xf32>,
    %gather3A_120 = tpu.vector_load_idx %arg12[%get3A_113] : memref<1000xf32, #tpu.memory_space<vmem>>[vector<16xi32>], vector<16xf32>,
    %get3A_121 = arith.constant 0 : index
    %get3A_122 = tpu.vector_load %arg17[%get3A_121] {strides = array<i32>} : memref<16xf32, #tpu.memory_space<vmem>>, vector<16xf32>,
    %sub3A_123 = arith.subf %gather3A_120, %gather3A_119 : vector<16xf32>
    %add3A_124 = arith.addf %get3A_122, %sub3A_123 : vector<16xf32>
    %swap3A_125 = arith.constant 0 : index
    %swap3A_126 = tpu.vector_load %arg17[%swap3A_125] {strides = array<i32>} : memref<16xf32, #tpu.memory_space<vmem>>, vector<16xf32>,
    tpu.vector_store %arg17[%swap3A_125], %add3A_124 {strides = array<i32>} : memref<16xf32, #tpu.memory_space<vmem>>, vector<16xf32>,
    %get3A_127 = arith.constant 16 : index
    %get3A_128 = tpu.vector_load %arg9[%get3A_127] {strides = array<i32>} : memref<32xi32, #tpu.memory_space<vmem>>, vector<16xi32>,
    %get3A_129 = arith.constant 16 : index
    %get3A_130 = tpu.vector_load %arg11[%get3A_129] {strides = array<i32>} : memref<32xi32, #tpu.memory_space<vmem>>, vector<16xi32>,
    %add3A_131 = arith.constant 16 : i32
    %add3A_132 = vector.broadcast %add3A_131 : i32 to vector<16xi32>
    %add3A_133 = arith.addi %iota3A, %add3A_132 : vector<16xi32>
    %gather3A_134 = tpu.vector_load_idx %arg14[%add3A_133, %get3A_130] : memref<32x1000xf32, #tpu.memory_space<vmem>>[vector<16xi32>, vector<16xi32>], vector<16xf32>,
    %gather3A_135 = tpu.vector_load_idx %arg12[%get3A_128] : memref<1000xf32, #tpu.memory_space<vmem>>[vector<16xi32>], vector<16xf32>,
    %get3A_136 = arith.constant 0 : index
    %get3A_137 = tpu.vector_load %arg17[%get3A_136] {strides = array<i32>} : memref<16xf32, #tpu.memory_space<vmem>>, vector<16xf32>,
    %sub3A_138 = arith.subf %gather3A_135, %gather3A_134 : vector<16xf32>
    %add3A_139 = arith.addf %get3A_137, %sub3A_138 : vector<16xf32>
    %swap3A_140 = arith.constant 0 : index
    %swap3A_141 = tpu.vector_load %arg17[%swap3A_140] {strides = array<i32>} : memref<16xf32, #tpu.memory_space<vmem>>, vector<16xf32>,
    tpu.vector_store %arg17[%swap3A_140], %add3A_139 {strides = array<i32>} : memref<16xf32, #tpu.memory_space<vmem>>, vector<16xf32>,
    %dma_start3A_142 = arith.constant 3 : i32
    %dma_start3A_143 = tpu.memref_slice %arg3[%dma_start3A_142, %mul3A_34] : memref<50x1024xi32, #tpu.memory_space<hbm>> -> memref<1x32xi32, #tpu.memory_space<hbm>>
    %dma_start3A_144 = tpu.memref_squeeze %dma_start3A_143 : memref<1x32xi32, #tpu.memory_space<hbm>> -> memref<32xi32, #tpu.memory_space<hbm>>
    %dma_start3A_145 = tpu.memref_slice %arg3[%dma_start3A_142, %mul3A_34] : memref<50x1024xi32, #tpu.memory_space<hbm>> -> memref<1x32xi32, #tpu.memory_space<hbm>>
    %dma_start3A_146 = tpu.memref_squeeze %dma_start3A_145 : memref<1x32xi32, #tpu.memory_space<hbm>> -> memref<32xi32, #tpu.memory_space<hbm>>
    tpu.enqueue_dma source(%dma_start3A_146 : memref<32xi32, #tpu.memory_space<hbm>>) target(%arg9 : memref<32xi32, #tpu.memory_space<vmem>>) target_semaphore(%arg23 : memref<!tpu.dma_semaphore, #tpu.memory_space<semaphore_mem>>)
    %dma_start3A_147 = arith.constant 3 : i32
    %dma_start3A_148 = tpu.memref_slice %arg4[%dma_start3A_147, %mul3A_34] : memref<50x1024xi32, #tpu.memory_space<hbm>> -> memref<1x32xi32, #tpu.memory_space<hbm>>
    %dma_start3A_149 = tpu.memref_squeeze %dma_start3A_148 : memref<1x32xi32, #tpu.memory_space<hbm>> -> memref<32xi32, #tpu.memory_space<hbm>>
    %dma_start3A_150 = tpu.memref_slice %arg4[%dma_start3A_147, %mul3A_34] : memref<50x1024xi32, #tpu.memory_space<hbm>> -> memref<1x32xi32, #tpu.memory_space<hbm>>
    %dma_start3A_151 = tpu.memref_squeeze %dma_start3A_150 : memref<1x32xi32, #tpu.memory_space<hbm>> -> memref<32xi32, #tpu.memory_space<hbm>>
    tpu.enqueue_dma source(%dma_start3A_151 : memref<32xi32, #tpu.memory_space<hbm>>) target(%arg11 : memref<32xi32, #tpu.memory_space<vmem>>) target_semaphore(%arg23 : memref<!tpu.dma_semaphore, #tpu.memory_space<semaphore_mem>>)
    %parallel_loop3A_152 = arith.constant 0 : i32
    %parallel_loop3A_153 = arith.constant 125 : i32
    %parallel_loop3A_154 = arith.constant 1 : i32
    scf.for %parallel_loop3A_308 = %parallel_loop3A_152 to %parallel_loop3A_153 step %parallel_loop3A_154  : i32 {
      %parallel_loop3A_309 = arith.constant 0 : i32
      %parallel_loop3A_310 = vector.broadcast %parallel_loop3A_309 : i32 to vector<16xi32>
      %parallel_loop3A_311 = arith.constant 8 : i32
      %parallel_loop3A_312 = arith.muli %parallel_loop3A_308, %parallel_loop3A_311 : i32
      %parallel_loop3A_313 = arith.constant 0 : i32
      %parallel_loop3A_314 = arith.addi %parallel_loop3A_312, %parallel_loop3A_313 : i32
      %parallel_loop3A_315 = vector.broadcast %parallel_loop3A_314 : i32 to vector<16xi32>
      %parallel_loop3A_316 = arith.addi %parallel_loop3A_310, %parallel_loop3A_315 : vector<16xi32>
      %parallel_loop3A_317 = tpu.vector_load_idx %arg14[%iota3A, %parallel_loop3A_316] : memref<32x1000xf32, #tpu.memory_space<vmem>>[vector<16xi32>, vector<16xi32>], vector<16xf32>,
      %parallel_loop3A_318 = arith.constant 16 : i32
      %parallel_loop3A_319 = vector.broadcast %parallel_loop3A_318 : i32 to vector<16xi32>
      %parallel_loop3A_320 = arith.addi %iota3A, %parallel_loop3A_319 : vector<16xi32>
      %parallel_loop3A_321 = tpu.vector_load_idx %arg14[%parallel_loop3A_320, %parallel_loop3A_316] : memref<32x1000xf32, #tpu.memory_space<vmem>>[vector<16xi32>, vector<16xi32>], vector<16xf32>,
      %parallel_loop3A_322 = arith.constant 0 : i32
      %parallel_loop3A_323 = vector.broadcast %parallel_loop3A_322 : i32 to vector<16xi32>
      %parallel_loop3A_324 = arith.constant 8 : i32
      %parallel_loop3A_325 = arith.muli %parallel_loop3A_308, %parallel_loop3A_324 : i32
      %parallel_loop3A_326 = arith.constant 1 : i32
      %parallel_loop3A_327 = arith.addi %parallel_loop3A_325, %parallel_loop3A_326 : i32
      %parallel_loop3A_328 = vector.broadcast %parallel_loop3A_327 : i32 to vector<16xi32>
      %parallel_loop3A_329 = arith.addi %parallel_loop3A_323, %parallel_loop3A_328 : vector<16xi32>
      %parallel_loop3A_330 = tpu.vector_load_idx %arg14[%iota3A, %parallel_loop3A_329] : memref<32x1000xf32, #tpu.memory_space<vmem>>[vector<16xi32>, vector<16xi32>], vector<16xf32>,
      %parallel_loop3A_331 = arith.constant 16 : i32
      %parallel_loop3A_332 = vector.broadcast %parallel_loop3A_331 : i32 to vector<16xi32>
      %parallel_loop3A_333 = arith.addi %iota3A, %parallel_loop3A_332 : vector<16xi32>
      %parallel_loop3A_334 = tpu.vector_load_idx %arg14[%parallel_loop3A_333, %parallel_loop3A_329] : memref<32x1000xf32, #tpu.memory_space<vmem>>[vector<16xi32>, vector<16xi32>], vector<16xf32>,
      %parallel_loop3A_335 = arith.constant 0 : i32
      %parallel_loop3A_336 = vector.broadcast %parallel_loop3A_335 : i32 to vector<16xi32>
      %parallel_loop3A_337 = arith.constant 8 : i32
      %parallel_loop3A_338 = arith.muli %parallel_loop3A_308, %parallel_loop3A_337 : i32
      %parallel_loop3A_339 = arith.constant 2 : i32
      %parallel_loop3A_340 = arith.addi %parallel_loop3A_338, %parallel_loop3A_339 : i32
      %parallel_loop3A_341 = vector.broadcast %parallel_loop3A_340 : i32 to vector<16xi32>
      %parallel_loop3A_342 = arith.addi %parallel_loop3A_336, %parallel_loop3A_341 : vector<16xi32>
      %parallel_loop3A_343 = tpu.vector_load_idx %arg14[%iota3A, %parallel_loop3A_342] : memref<32x1000xf32, #tpu.memory_space<vmem>>[vector<16xi32>, vector<16xi32>], vector<16xf32>,
      %parallel_loop3A_344 = arith.constant 16 : i32
      %parallel_loop3A_345 = vector.broadcast %parallel_loop3A_344 : i32 to vector<16xi32>
      %parallel_loop3A_346 = arith.addi %iota3A, %parallel_loop3A_345 : vector<16xi32>
      %parallel_loop3A_347 = tpu.vector_load_idx %arg14[%parallel_loop3A_346, %parallel_loop3A_342] : memref<32x1000xf32, #tpu.memory_space<vmem>>[vector<16xi32>, vector<16xi32>], vector<16xf32>,
      %parallel_loop3A_348 = arith.constant 0 : i32
      %parallel_loop3A_349 = vector.broadcast %parallel_loop3A_348 : i32 to vector<16xi32>
      %parallel_loop3A_350 = arith.constant 8 : i32
      %parallel_loop3A_351 = arith.muli %parallel_loop3A_308, %parallel_loop3A_350 : i32
      %parallel_loop3A_352 = arith.constant 3 : i32
      %parallel_loop3A_353 = arith.addi %parallel_loop3A_351, %parallel_loop3A_352 : i32
      %parallel_loop3A_354 = vector.broadcast %parallel_loop3A_353 : i32 to vector<16xi32>
      %parallel_loop3A_355 = arith.addi %parallel_loop3A_349, %parallel_loop3A_354 : vector<16xi32>
      %parallel_loop3A_356 = tpu.vector_load_idx %arg14[%iota3A, %parallel_loop3A_355] : memref<32x1000xf32, #tpu.memory_space<vmem>>[vector<16xi32>, vector<16xi32>], vector<16xf32>,
      %parallel_loop3A_357 = arith.constant 16 : i32
      %parallel_loop3A_358 = vector.broadcast %parallel_loop3A_357 : i32 to vector<16xi32>
      %parallel_loop3A_359 = arith.addi %iota3A, %parallel_loop3A_358 : vector<16xi32>
      %parallel_loop3A_360 = tpu.vector_load_idx %arg14[%parallel_loop3A_359, %parallel_loop3A_355] : memref<32x1000xf32, #tpu.memory_space<vmem>>[vector<16xi32>, vector<16xi32>], vector<16xf32>,
      %parallel_loop3A_361 = arith.constant 0 : i32
      %parallel_loop3A_362 = vector.broadcast %parallel_loop3A_361 : i32 to vector<16xi32>
      %parallel_loop3A_363 = arith.constant 8 : i32
      %parallel_loop3A_364 = arith.muli %parallel_loop3A_308, %parallel_loop3A_363 : i32
      %parallel_loop3A_365 = arith.constant 4 : i32
      %parallel_loop3A_366 = arith.addi %parallel_loop3A_364, %parallel_loop3A_365 : i32
      %parallel_loop3A_367 = vector.broadcast %parallel_loop3A_366 : i32 to vector<16xi32>
      %parallel_loop3A_368 = arith.addi %parallel_loop3A_362, %parallel_loop3A_367 : vector<16xi32>
      %parallel_loop3A_369 = tpu.vector_load_idx %arg14[%iota3A, %parallel_loop3A_368] : memref<32x1000xf32, #tpu.memory_space<vmem>>[vector<16xi32>, vector<16xi32>], vector<16xf32>,
      %parallel_loop3A_370 = arith.constant 16 : i32
      %parallel_loop3A_371 = vector.broadcast %parallel_loop3A_370 : i32 to vector<16xi32>
      %parallel_loop3A_372 = arith.addi %iota3A, %parallel_loop3A_371 : vector<16xi32>
      %parallel_loop3A_373 = tpu.vector_load_idx %arg14[%parallel_loop3A_372, %parallel_loop3A_368] : memref<32x1000xf32, #tpu.memory_space<vmem>>[vector<16xi32>, vector<16xi32>], vector<16xf32>,
      %parallel_loop3A_374 = arith.constant 0 : i32
      %parallel_loop3A_375 = vector.broadcast %parallel_loop3A_374 : i32 to vector<16xi32>
      %parallel_loop3A_376 = arith.constant 8 : i32
      %parallel_loop3A_377 = arith.muli %parallel_loop3A_308, %parallel_loop3A_376 : i32
      %parallel_loop3A_378 = arith.constant 5 : i32
      %parallel_loop3A_379 = arith.addi %parallel_loop3A_377, %parallel_loop3A_378 : i32
      %parallel_loop3A_380 = vector.broadcast %parallel_loop3A_379 : i32 to vector<16xi32>
      %parallel_loop3A_381 = arith.addi %parallel_loop3A_375, %parallel_loop3A_380 : vector<16xi32>
      %parallel_loop3A_382 = tpu.vector_load_idx %arg14[%iota3A, %parallel_loop3A_381] : memref<32x1000xf32, #tpu.memory_space<vmem>>[vector<16xi32>, vector<16xi32>], vector<16xf32>,
      %parallel_loop3A_383 = arith.constant 16 : i32
      %parallel_loop3A_384 = vector.broadcast %parallel_loop3A_383 : i32 to vector<16xi32>
      %parallel_loop3A_385 = arith.addi %iota3A, %parallel_loop3A_384 : vector<16xi32>
      %parallel_loop3A_386 = tpu.vector_load_idx %arg14[%parallel_loop3A_385, %parallel_loop3A_381] : memref<32x1000xf32, #tpu.memory_space<vmem>>[vector<16xi32>, vector<16xi32>], vector<16xf32>,
      %parallel_loop3A_387 = arith.constant 0 : i32
      %parallel_loop3A_388 = vector.broadcast %parallel_loop3A_387 : i32 to vector<16xi32>
      %parallel_loop3A_389 = arith.constant 8 : i32
      %parallel_loop3A_390 = arith.muli %parallel_loop3A_308, %parallel_loop3A_389 : i32
      %parallel_loop3A_391 = arith.constant 6 : i32
      %parallel_loop3A_392 = arith.addi %parallel_loop3A_390, %parallel_loop3A_391 : i32
      %parallel_loop3A_393 = vector.broadcast %parallel_loop3A_392 : i32 to vector<16xi32>
      %parallel_loop3A_394 = arith.addi %parallel_loop3A_388, %parallel_loop3A_393 : vector<16xi32>
      %parallel_loop3A_395 = tpu.vector_load_idx %arg14[%iota3A, %parallel_loop3A_394] : memref<32x1000xf32, #tpu.memory_space<vmem>>[vector<16xi32>, vector<16xi32>], vector<16xf32>,
      %parallel_loop3A_396 = arith.constant 16 : i32
      %parallel_loop3A_397 = vector.broadcast %parallel_loop3A_396 : i32 to vector<16xi32>
      %parallel_loop3A_398 = arith.addi %iota3A, %parallel_loop3A_397 : vector<16xi32>
      %parallel_loop3A_399 = tpu.vector_load_idx %arg14[%parallel_loop3A_398, %parallel_loop3A_394] : memref<32x1000xf32, #tpu.memory_space<vmem>>[vector<16xi32>, vector<16xi32>], vector<16xf32>,
      %parallel_loop3A_400 = arith.constant 0 : i32
      %parallel_loop3A_401 = vector.broadcast %parallel_loop3A_400 : i32 to vector<16xi32>
      %parallel_loop3A_402 = arith.constant 8 : i32
      %parallel_loop3A_403 = arith.muli %parallel_loop3A_308, %parallel_loop3A_402 : i32
      %parallel_loop3A_404 = arith.constant 7 : i32
      %parallel_loop3A_405 = arith.addi %parallel_loop3A_403, %parallel_loop3A_404 : i32
      %parallel_loop3A_406 = vector.broadcast %parallel_loop3A_405 : i32 to vector<16xi32>
      %parallel_loop3A_407 = arith.addi %parallel_loop3A_401, %parallel_loop3A_406 : vector<16xi32>
      %parallel_loop3A_408 = tpu.vector_load_idx %arg14[%iota3A, %parallel_loop3A_407] : memref<32x1000xf32, #tpu.memory_space<vmem>>[vector<16xi32>, vector<16xi32>], vector<16xf32>,
      %parallel_loop3A_409 = arith.constant 16 : i32
      %parallel_loop3A_410 = vector.broadcast %parallel_loop3A_409 : i32 to vector<16xi32>
      %parallel_loop3A_411 = arith.addi %iota3A, %parallel_loop3A_410 : vector<16xi32>
      %parallel_loop3A_412 = tpu.vector_load_idx %arg14[%parallel_loop3A_411, %parallel_loop3A_407] : memref<32x1000xf32, #tpu.memory_space<vmem>>[vector<16xi32>, vector<16xi32>], vector<16xf32>,
      %parallel_loop3A_413 = arith.constant 0 : i32
      %parallel_loop3A_414 = arith.index_cast %parallel_loop3A_308 : i32 to index
      %parallel_loop3A_415 = arith.index_cast %parallel_loop3A_413 : i32 to index
      %parallel_loop3A_416 = arith.constant 0 : index
      %parallel_loop3A_417 = tpu.vector_load %arg16[%parallel_loop3A_414, %parallel_loop3A_415, %parallel_loop3A_416] {strides = array<i32>} : memref<125x8x32xf32, #tpu.memory_space<vmem>>, vector<16xf32>,
      tpu.vector_store %arg16[%parallel_loop3A_414, %parallel_loop3A_415, %parallel_loop3A_416], %parallel_loop3A_317 {strides = array<i32>} : memref<125x8x32xf32, #tpu.memory_space<vmem>>, vector<16xf32>,
      %parallel_loop3A_418 = arith.constant 0 : i32
      %parallel_loop3A_419 = arith.index_cast %parallel_loop3A_308 : i32 to index
      %parallel_loop3A_420 = arith.index_cast %parallel_loop3A_418 : i32 to index
      %parallel_loop3A_421 = arith.constant 16 : index
      %parallel_loop3A_422 = tpu.vector_load %arg16[%parallel_loop3A_419, %parallel_loop3A_420, %parallel_loop3A_421] {strides = array<i32>} : memref<125x8x32xf32, #tpu.memory_space<vmem>>, vector<16xf32>,
      tpu.vector_store %arg16[%parallel_loop3A_419, %parallel_loop3A_420, %parallel_loop3A_421], %parallel_loop3A_321 {strides = array<i32>} : memref<125x8x32xf32, #tpu.memory_space<vmem>>, vector<16xf32>,
      %parallel_loop3A_423 = arith.constant 1 : i32
      %parallel_loop3A_424 = arith.index_cast %parallel_loop3A_308 : i32 to index
      %parallel_loop3A_425 = arith.index_cast %parallel_loop3A_423 : i32 to index
      %parallel_loop3A_426 = arith.constant 0 : index
      %parallel_loop3A_427 = tpu.vector_load %arg16[%parallel_loop3A_424, %parallel_loop3A_425, %parallel_loop3A_426] {strides = array<i32>} : memref<125x8x32xf32, #tpu.memory_space<vmem>>, vector<16xf32>,
      tpu.vector_store %arg16[%parallel_loop3A_424, %parallel_loop3A_425, %parallel_loop3A_426], %parallel_loop3A_330 {strides = array<i32>} : memref<125x8x32xf32, #tpu.memory_space<vmem>>, vector<16xf32>,
      %parallel_loop3A_428 = arith.constant 1 : i32
      %parallel_loop3A_429 = arith.index_cast %parallel_loop3A_308 : i32 to index
      %parallel_loop3A_430 = arith.index_cast %parallel_loop3A_428 : i32 to index
      %parallel_loop3A_431 = arith.constant 16 : index
      %parallel_loop3A_432 = tpu.vector_load %arg16[%parallel_loop3A_429, %parallel_loop3A_430, %parallel_loop3A_431] {strides = array<i32>} : memref<125x8x32xf32, #tpu.memory_space<vmem>>, vector<16xf32>,
      tpu.vector_store %arg16[%parallel_loop3A_429, %parallel_loop3A_430, %parallel_loop3A_431], %parallel_loop3A_334 {strides = array<i32>} : memref<125x8x32xf32, #tpu.memory_space<vmem>>, vector<16xf32>,
      %parallel_loop3A_433 = arith.constant 2 : i32
      %parallel_loop3A_434 = arith.index_cast %parallel_loop3A_308 : i32 to index
      %parallel_loop3A_435 = arith.index_cast %parallel_loop3A_433 : i32 to index
      %parallel_loop3A_436 = arith.constant 0 : index
      %parallel_loop3A_437 = tpu.vector_load %arg16[%parallel_loop3A_434, %parallel_loop3A_435, %parallel_loop3A_436] {strides = array<i32>} : memref<125x8x32xf32, #tpu.memory_space<vmem>>, vector<16xf32>,
      tpu.vector_store %arg16[%parallel_loop3A_434, %parallel_loop3A_435, %parallel_loop3A_436], %parallel_loop3A_343 {strides = array<i32>} : memref<125x8x32xf32, #tpu.memory_space<vmem>>, vector<16xf32>,
      %parallel_loop3A_438 = arith.constant 2 : i32
      %parallel_loop3A_439 = arith.index_cast %parallel_loop3A_308 : i32 to index
      %parallel_loop3A_440 = arith.index_cast %parallel_loop3A_438 : i32 to index
      %parallel_loop3A_441 = arith.constant 16 : index
      %parallel_loop3A_442 = tpu.vector_load %arg16[%parallel_loop3A_439, %parallel_loop3A_440, %parallel_loop3A_441] {strides = array<i32>} : memref<125x8x32xf32, #tpu.memory_space<vmem>>, vector<16xf32>,
      tpu.vector_store %arg16[%parallel_loop3A_439, %parallel_loop3A_440, %parallel_loop3A_441], %parallel_loop3A_347 {strides = array<i32>} : memref<125x8x32xf32, #tpu.memory_space<vmem>>, vector<16xf32>,
      %parallel_loop3A_443 = arith.constant 3 : i32
      %parallel_loop3A_444 = arith.index_cast %parallel_loop3A_308 : i32 to index
      %parallel_loop3A_445 = arith.index_cast %parallel_loop3A_443 : i32 to index
      %parallel_loop3A_446 = arith.constant 0 : index
      %parallel_loop3A_447 = tpu.vector_load %arg16[%parallel_loop3A_444, %parallel_loop3A_445, %parallel_loop3A_446] {strides = array<i32>} : memref<125x8x32xf32, #tpu.memory_space<vmem>>, vector<16xf32>,
      tpu.vector_store %arg16[%parallel_loop3A_444, %parallel_loop3A_445, %parallel_loop3A_446], %parallel_loop3A_356 {strides = array<i32>} : memref<125x8x32xf32, #tpu.memory_space<vmem>>, vector<16xf32>,
      %parallel_loop3A_448 = arith.constant 3 : i32
      %parallel_loop3A_449 = arith.index_cast %parallel_loop3A_308 : i32 to index
      %parallel_loop3A_450 = arith.index_cast %parallel_loop3A_448 : i32 to index
      %parallel_loop3A_451 = arith.constant 16 : index
      %parallel_loop3A_452 = tpu.vector_load %arg16[%parallel_loop3A_449, %parallel_loop3A_450, %parallel_loop3A_451] {strides = array<i32>} : memref<125x8x32xf32, #tpu.memory_space<vmem>>, vector<16xf32>,
      tpu.vector_store %arg16[%parallel_loop3A_449, %parallel_loop3A_450, %parallel_loop3A_451], %parallel_loop3A_360 {strides = array<i32>} : memref<125x8x32xf32, #tpu.memory_space<vmem>>, vector<16xf32>,
      %parallel_loop3A_453 = arith.constant 4 : i32
      %parallel_loop3A_454 = arith.index_cast %parallel_loop3A_308 : i32 to index
      %parallel_loop3A_455 = arith.index_cast %parallel_loop3A_453 : i32 to index
      %parallel_loop3A_456 = arith.constant 0 : index
      %parallel_loop3A_457 = tpu.vector_load %arg16[%parallel_loop3A_454, %parallel_loop3A_455, %parallel_loop3A_456] {strides = array<i32>} : memref<125x8x32xf32, #tpu.memory_space<vmem>>, vector<16xf32>,
      tpu.vector_store %arg16[%parallel_loop3A_454, %parallel_loop3A_455, %parallel_loop3A_456], %parallel_loop3A_369 {strides = array<i32>} : memref<125x8x32xf32, #tpu.memory_space<vmem>>, vector<16xf32>,
      %parallel_loop3A_458 = arith.constant 4 : i32
      %parallel_loop3A_459 = arith.index_cast %parallel_loop3A_308 : i32 to index
      %parallel_loop3A_460 = arith.index_cast %parallel_loop3A_458 : i32 to index
      %parallel_loop3A_461 = arith.constant 16 : index
      %parallel_loop3A_462 = tpu.vector_load %arg16[%parallel_loop3A_459, %parallel_loop3A_460, %parallel_loop3A_461] {strides = array<i32>} : memref<125x8x32xf32, #tpu.memory_space<vmem>>, vector<16xf32>,
      tpu.vector_store %arg16[%parallel_loop3A_459, %parallel_loop3A_460, %parallel_loop3A_461], %parallel_loop3A_373 {strides = array<i32>} : memref<125x8x32xf32, #tpu.memory_space<vmem>>, vector<16xf32>,
      %parallel_loop3A_463 = arith.constant 5 : i32
      %parallel_loop3A_464 = arith.index_cast %parallel_loop3A_308 : i32 to index
      %parallel_loop3A_465 = arith.index_cast %parallel_loop3A_463 : i32 to index
      %parallel_loop3A_466 = arith.constant 0 : index
      %parallel_loop3A_467 = tpu.vector_load %arg16[%parallel_loop3A_464, %parallel_loop3A_465, %parallel_loop3A_466] {strides = array<i32>} : memref<125x8x32xf32, #tpu.memory_space<vmem>>, vector<16xf32>,
      tpu.vector_store %arg16[%parallel_loop3A_464, %parallel_loop3A_465, %parallel_loop3A_466], %parallel_loop3A_382 {strides = array<i32>} : memref<125x8x32xf32, #tpu.memory_space<vmem>>, vector<16xf32>,
      %parallel_loop3A_468 = arith.constant 5 : i32
      %parallel_loop3A_469 = arith.index_cast %parallel_loop3A_308 : i32 to index
      %parallel_loop3A_470 = arith.index_cast %parallel_loop3A_468 : i32 to index
      %parallel_loop3A_471 = arith.constant 16 : index
      %parallel_loop3A_472 = tpu.vector_load %arg16[%parallel_loop3A_469, %parallel_loop3A_470, %parallel_loop3A_471] {strides = array<i32>} : memref<125x8x32xf32, #tpu.memory_space<vmem>>, vector<16xf32>,
      tpu.vector_store %arg16[%parallel_loop3A_469, %parallel_loop3A_470, %parallel_loop3A_471], %parallel_loop3A_386 {strides = array<i32>} : memref<125x8x32xf32, #tpu.memory_space<vmem>>, vector<16xf32>,
      %parallel_loop3A_473 = arith.constant 6 : i32
      %parallel_loop3A_474 = arith.index_cast %parallel_loop3A_308 : i32 to index
      %parallel_loop3A_475 = arith.index_cast %parallel_loop3A_473 : i32 to index
      %parallel_loop3A_476 = arith.constant 0 : index
      %parallel_loop3A_477 = tpu.vector_load %arg16[%parallel_loop3A_474, %parallel_loop3A_475, %parallel_loop3A_476] {strides = array<i32>} : memref<125x8x32xf32, #tpu.memory_space<vmem>>, vector<16xf32>,
      tpu.vector_store %arg16[%parallel_loop3A_474, %parallel_loop3A_475, %parallel_loop3A_476], %parallel_loop3A_395 {strides = array<i32>} : memref<125x8x32xf32, #tpu.memory_space<vmem>>, vector<16xf32>,
      %parallel_loop3A_478 = arith.constant 6 : i32
      %parallel_loop3A_479 = arith.index_cast %parallel_loop3A_308 : i32 to index
      %parallel_loop3A_480 = arith.index_cast %parallel_loop3A_478 : i32 to index
      %parallel_loop3A_481 = arith.constant 16 : index
      %parallel_loop3A_482 = tpu.vector_load %arg16[%parallel_loop3A_479, %parallel_loop3A_480, %parallel_loop3A_481] {strides = array<i32>} : memref<125x8x32xf32, #tpu.memory_space<vmem>>, vector<16xf32>,
      tpu.vector_store %arg16[%parallel_loop3A_479, %parallel_loop3A_480, %parallel_loop3A_481], %parallel_loop3A_399 {strides = array<i32>} : memref<125x8x32xf32, #tpu.memory_space<vmem>>, vector<16xf32>,
      %parallel_loop3A_483 = arith.constant 7 : i32
      %parallel_loop3A_484 = arith.index_cast %parallel_loop3A_308 : i32 to index
      %parallel_loop3A_485 = arith.index_cast %parallel_loop3A_483 : i32 to index
      %parallel_loop3A_486 = arith.constant 0 : index
      %parallel_loop3A_487 = tpu.vector_load %arg16[%parallel_loop3A_484, %parallel_loop3A_485, %parallel_loop3A_486] {strides = array<i32>} : memref<125x8x32xf32, #tpu.memory_space<vmem>>, vector<16xf32>,
      tpu.vector_store %arg16[%parallel_loop3A_484, %parallel_loop3A_485, %parallel_loop3A_486], %parallel_loop3A_408 {strides = array<i32>} : memref<125x8x32xf32, #tpu.memory_space<vmem>>, vector<16xf32>,
      %parallel_loop3A_488 = arith.constant 7 : i32
      %parallel_loop3A_489 = arith.index_cast %parallel_loop3A_308 : i32 to index
      %parallel_loop3A_490 = arith.index_cast %parallel_loop3A_488 : i32 to index
      %parallel_loop3A_491 = arith.constant 16 : index
      %parallel_loop3A_492 = tpu.vector_load %arg16[%parallel_loop3A_489, %parallel_loop3A_490, %parallel_loop3A_491] {strides = array<i32>} : memref<125x8x32xf32, #tpu.memory_space<vmem>>, vector<16xf32>,
      tpu.vector_store %arg16[%parallel_loop3A_489, %parallel_loop3A_490, %parallel_loop3A_491], %parallel_loop3A_412 {strides = array<i32>} : memref<125x8x32xf32, #tpu.memory_space<vmem>>, vector<16xf32>,
    } {sc.loop_unroll_factor = 2 : i64, sc.parallel_access}
    %dma_wait3A_155 = arith.constant 0 : i32
    %dma_wait3A_156 = tpu.memref_slice %arg3[%dma_wait3A_155, %mul3A_34] : memref<50x1024xi32, #tpu.memory_space<hbm>> -> memref<1x32xi32, #tpu.memory_space<hbm>>
    %dma_wait3A_157 = tpu.memref_squeeze %dma_wait3A_156 : memref<1x32xi32, #tpu.memory_space<hbm>> -> memref<32xi32, #tpu.memory_space<hbm>>
    %dma_wait3A_158 = tpu.memref_slice %arg3[%dma_wait3A_155, %mul3A_34] : memref<50x1024xi32, #tpu.memory_space<hbm>> -> memref<1x32xi32, #tpu.memory_space<hbm>>
    %dma_wait3A_159 = tpu.memref_squeeze %dma_wait3A_158 : memref<1x32xi32, #tpu.memory_space<hbm>> -> memref<32xi32, #tpu.memory_space<hbm>>
    tpu.wait_dma2 semaphore(%arg23 : memref<!tpu.dma_semaphore, #tpu.memory_space<semaphore_mem>>) src(%dma_wait3A_159 : memref<32xi32, #tpu.memory_space<hbm>>) dst(%arg9 : memref<32xi32, #tpu.memory_space<vmem>>)
    %dma_wait3A_160 = arith.constant 0 : i32
    %dma_wait3A_161 = tpu.memref_slice %arg4[%dma_wait3A_160, %mul3A_34] : memref<50x1024xi32, #tpu.memory_space<hbm>> -> memref<1x32xi32, #tpu.memory_space<hbm>>
    %dma_wait3A_162 = tpu.memref_squeeze %dma_wait3A_161 : memref<1x32xi32, #tpu.memory_space<hbm>> -> memref<32xi32, #tpu.memory_space<hbm>>
    %dma_wait3A_163 = tpu.memref_slice %arg4[%dma_wait3A_160, %mul3A_34] : memref<50x1024xi32, #tpu.memory_space<hbm>> -> memref<1x32xi32, #tpu.memory_space<hbm>>
    %dma_wait3A_164 = tpu.memref_squeeze %dma_wait3A_163 : memref<1x32xi32, #tpu.memory_space<hbm>> -> memref<32xi32, #tpu.memory_space<hbm>>
    tpu.wait_dma2 semaphore(%arg23 : memref<!tpu.dma_semaphore, #tpu.memory_space<semaphore_mem>>) src(%dma_wait3A_164 : memref<32xi32, #tpu.memory_space<hbm>>) dst(%arg11 : memref<32xi32, #tpu.memory_space<vmem>>)
    %dma_start3A_165 = arith.constant 0 : i32
    %dma_start3A_166 = arith.constant 0 : i32
    %dma_start3A_167 = tpu.memref_slice %arg2[%dma_start3A_165, %dma_start3A_166] : memref<1000x1000xf32, #tpu.memory_space<hbm>> -> memref<1000x1000xf32, #tpu.memory_space<hbm>>
    tpu.enqueue_indirect_dma source(%dma_start3A_167 : memref<1000x1000xf32, #tpu.memory_space<hbm>>) target(%arg14 : memref<32x1000xf32, #tpu.memory_space<vmem>>) offsets(%arg9 : memref<32xi32, #tpu.memory_space<vmem>>) semaphore(%arg19 : memref<!tpu.dma_semaphore, #tpu.memory_space<semaphore_mem>>)
    %dma_start3A_168 = arith.constant 1 : i32
    %dma_start3A_169 = arith.constant 0 : i32
    %dma_start3A_170 = arith.constant 0 : i32
    %dma_start3A_171 = tpu.memref_slice %arg6[%dma_start3A_168, %dma_start3A_169, %select_n3A, %dma_start3A_170, %mul3A_32] : memref<50x125x8x8x128xf32, #tpu.memory_space<hbm>> -> memref<1x125x1x8x32xf32, #tpu.memory_space<hbm>>
    %dma_start3A_172 = tpu.memref_squeeze %dma_start3A_171 : memref<1x125x1x8x32xf32, #tpu.memory_space<hbm>> -> memref<125x8x32xf32, #tpu.memory_space<hbm>>
    %dma_start3A_173 = arith.constant 0 : i32
    %dma_start3A_174 = arith.constant 0 : i32
    %dma_start3A_175 = tpu.memref_slice %arg6[%dma_start3A_168, %dma_start3A_173, %select_n3A, %dma_start3A_174, %mul3A_32] : memref<50x125x8x8x128xf32, #tpu.memory_space<hbm>> -> memref<1x125x1x8x32xf32, #tpu.memory_space<hbm>>
    %dma_start3A_176 = tpu.memref_squeeze %dma_start3A_175 : memref<1x125x1x8x32xf32, #tpu.memory_space<hbm>> -> memref<125x8x32xf32, #tpu.memory_space<hbm>>
    tpu.enqueue_dma source(%arg16 : memref<125x8x32xf32, #tpu.memory_space<vmem>>) target(%dma_start3A_176 : memref<125x8x32xf32, #tpu.memory_space<hbm>>) target_semaphore(%arg21 : memref<!tpu.dma_semaphore, #tpu.memory_space<semaphore_mem>>)
    %scan3A = arith.constant 0 : i32
    %scan3A_177 = arith.constant 1 : i32
    %scan3A_178 = arith.constant 23 : i32
    %scan3A_179 = arith.addi %scan3A_177, %scan3A_178 : i32
    %scan3A_180 = arith.constant 1 : i32
    scf.for %scan3A_308 = %scan3A_177 to %scan3A_179 step %scan3A_180  : i32 {
      %mul3A_309 = arith.constant 2 : i32
      %mul3A_310 = arith.muli %mul3A_309, %scan3A_308 : i32
      %add3A_311 = arith.constant 2 : i32
      %add3A_312 = arith.addi %mul3A_310, %add3A_311 : i32
      %dma_wait3A_313 = arith.constant 0 : i32
      %dma_wait3A_314 = arith.constant 0 : i32
      %dma_wait3A_315 = tpu.memref_slice %arg2[%dma_wait3A_313, %dma_wait3A_314] : memref<1000x1000xf32, #tpu.memory_space<hbm>> -> memref<1000x1000xf32, #tpu.memory_space<hbm>>
      tpu.wait_indirect_dma semaphore(%arg18 : memref<!tpu.dma_semaphore, #tpu.memory_space<semaphore_mem>>) src(%dma_wait3A_315 : memref<1000x1000xf32, #tpu.memory_space<hbm>>) dst(%arg13 : memref<32x1000xf32, #tpu.memory_space<vmem>>)
      %get3A_316 = arith.constant 0 : index
      %get3A_317 = tpu.vector_load %arg8[%get3A_316] {strides = array<i32>} : memref<32xi32, #tpu.memory_space<vmem>>, vector<16xi32>,
      %get3A_318 = arith.constant 0 : index
      %get3A_319 = tpu.vector_load %arg10[%get3A_318] {strides = array<i32>} : memref<32xi32, #tpu.memory_space<vmem>>, vector<16xi32>,
      %add3A_320 = arith.constant 0 : i32
      %add3A_321 = vector.broadcast %add3A_320 : i32 to vector<16xi32>
      %add3A_322 = arith.addi %iota3A, %add3A_321 : vector<16xi32>
      %gather3A_323 = tpu.vector_load_idx %arg13[%add3A_322, %get3A_319] : memref<32x1000xf32, #tpu.memory_space<vmem>>[vector<16xi32>, vector<16xi32>], vector<16xf32>,
      %gather3A_324 = tpu.vector_load_idx %arg12[%get3A_317] : memref<1000xf32, #tpu.memory_space<vmem>>[vector<16xi32>], vector<16xf32>,
      %get3A_325 = arith.constant 0 : index
      %get3A_326 = tpu.vector_load %arg17[%get3A_325] {strides = array<i32>} : memref<16xf32, #tpu.memory_space<vmem>>, vector<16xf32>,
      %sub3A_327 = arith.subf %gather3A_324, %gather3A_323 : vector<16xf32>
      %add3A_328 = arith.addf %get3A_326, %sub3A_327 : vector<16xf32>
      %swap3A_329 = arith.constant 0 : index
      %swap3A_330 = tpu.vector_load %arg17[%swap3A_329] {strides = array<i32>} : memref<16xf32, #tpu.memory_space<vmem>>, vector<16xf32>,
      tpu.vector_store %arg17[%swap3A_329], %add3A_328 {strides = array<i32>} : memref<16xf32, #tpu.memory_space<vmem>>, vector<16xf32>,
      %get3A_331 = arith.constant 16 : index
      %get3A_332 = tpu.vector_load %arg8[%get3A_331] {strides = array<i32>} : memref<32xi32, #tpu.memory_space<vmem>>, vector<16xi32>,
      %get3A_333 = arith.constant 16 : index
      %get3A_334 = tpu.vector_load %arg10[%get3A_333] {strides = array<i32>} : memref<32xi32, #tpu.memory_space<vmem>>, vector<16xi32>,
      %add3A_335 = arith.constant 16 : i32
      %add3A_336 = vector.broadcast %add3A_335 : i32 to vector<16xi32>
      %add3A_337 = arith.addi %iota3A, %add3A_336 : vector<16xi32>
      %gather3A_338 = tpu.vector_load_idx %arg13[%add3A_337, %get3A_334] : memref<32x1000xf32, #tpu.memory_space<vmem>>[vector<16xi32>, vector<16xi32>], vector<16xf32>,
      %gather3A_339 = tpu.vector_load_idx %arg12[%get3A_332] : memref<1000xf32, #tpu.memory_space<vmem>>[vector<16xi32>], vector<16xf32>,
      %get3A_340 = arith.constant 0 : index
      %get3A_341 = tpu.vector_load %arg17[%get3A_340] {strides = array<i32>} : memref<16xf32, #tpu.memory_space<vmem>>, vector<16xf32>,
      %sub3A_342 = arith.subf %gather3A_339, %gather3A_338 : vector<16xf32>
      %add3A_343 = arith.addf %get3A_341, %sub3A_342 : vector<16xf32>
      %swap3A_344 = arith.constant 0 : index
      %swap3A_345 = tpu.vector_load %arg17[%swap3A_344] {strides = array<i32>} : memref<16xf32, #tpu.memory_space<vmem>>, vector<16xf32>,
      tpu.vector_store %arg17[%swap3A_344], %add3A_343 {strides = array<i32>} : memref<16xf32, #tpu.memory_space<vmem>>, vector<16xf32>,
      %dma_start3A_346 = tpu.memref_slice %arg3[%add3A_312, %mul3A_34] : memref<50x1024xi32, #tpu.memory_space<hbm>> -> memref<1x32xi32, #tpu.memory_space<hbm>>
      %dma_start3A_347 = tpu.memref_squeeze %dma_start3A_346 : memref<1x32xi32, #tpu.memory_space<hbm>> -> memref<32xi32, #tpu.memory_space<hbm>>
      %dma_start3A_348 = tpu.memref_slice %arg3[%add3A_312, %mul3A_34] : memref<50x1024xi32, #tpu.memory_space<hbm>> -> memref<1x32xi32, #tpu.memory_space<hbm>>
      %dma_start3A_349 = tpu.memref_squeeze %dma_start3A_348 : memref<1x32xi32, #tpu.memory_space<hbm>> -> memref<32xi32, #tpu.memory_space<hbm>>
      tpu.enqueue_dma source(%dma_start3A_349 : memref<32xi32, #tpu.memory_space<hbm>>) target(%arg8 : memref<32xi32, #tpu.memory_space<vmem>>) target_semaphore(%arg22 : memref<!tpu.dma_semaphore, #tpu.memory_space<semaphore_mem>>)
      %dma_start3A_350 = tpu.memref_slice %arg4[%add3A_312, %mul3A_34] : memref<50x1024xi32, #tpu.memory_space<hbm>> -> memref<1x32xi32, #tpu.memory_space<hbm>>
      %dma_start3A_351 = tpu.memref_squeeze %dma_start3A_350 : memref<1x32xi32, #tpu.memory_space<hbm>> -> memref<32xi32, #tpu.memory_space<hbm>>
      %dma_start3A_352 = tpu.memref_slice %arg4[%add3A_312, %mul3A_34] : memref<50x1024xi32, #tpu.memory_space<hbm>> -> memref<1x32xi32, #tpu.memory_space<hbm>>
      %dma_start3A_353 = tpu.memref_squeeze %dma_start3A_352 : memref<1x32xi32, #tpu.memory_space<hbm>> -> memref<32xi32, #tpu.memory_space<hbm>>
      tpu.enqueue_dma source(%dma_start3A_353 : memref<32xi32, #tpu.memory_space<hbm>>) target(%arg10 : memref<32xi32, #tpu.memory_space<vmem>>) target_semaphore(%arg22 : memref<!tpu.dma_semaphore, #tpu.memory_space<semaphore_mem>>)
      %dma_wait3A_354 = arith.constant 0 : i32
      %dma_wait3A_355 = arith.constant 0 : i32
      %dma_wait3A_356 = tpu.memref_slice %arg6[%mul3A_310, %dma_wait3A_354, %select_n3A, %dma_wait3A_355, %mul3A_32] : memref<50x125x8x8x128xf32, #tpu.memory_space<hbm>> -> memref<1x125x1x8x32xf32, #tpu.memory_space<hbm>>
      %dma_wait3A_357 = tpu.memref_squeeze %dma_wait3A_356 : memref<1x125x1x8x32xf32, #tpu.memory_space<hbm>> -> memref<125x8x32xf32, #tpu.memory_space<hbm>>
      %dma_wait3A_358 = arith.constant 0 : i32
      %dma_wait3A_359 = arith.constant 0 : i32
      %dma_wait3A_360 = tpu.memref_slice %arg6[%mul3A_310, %dma_wait3A_358, %select_n3A, %dma_wait3A_359, %mul3A_32] : memref<50x125x8x8x128xf32, #tpu.memory_space<hbm>> -> memref<1x125x1x8x32xf32, #tpu.memory_space<hbm>>
      %dma_wait3A_361 = tpu.memref_squeeze %dma_wait3A_360 : memref<1x125x1x8x32xf32, #tpu.memory_space<hbm>> -> memref<125x8x32xf32, #tpu.memory_space<hbm>>
      tpu.wait_dma2 semaphore(%arg20 : memref<!tpu.dma_semaphore, #tpu.memory_space<semaphore_mem>>) src(%arg15 : memref<125x8x32xf32, #tpu.memory_space<vmem>>) dst(%dma_wait3A_361 : memref<125x8x32xf32, #tpu.memory_space<hbm>>)
      %parallel_loop3A_362 = arith.constant 0 : i32
      %parallel_loop3A_363 = arith.constant 125 : i32
      %parallel_loop3A_364 = arith.constant 1 : i32
      scf.for %parallel_loop3A_463 = %parallel_loop3A_362 to %parallel_loop3A_363 step %parallel_loop3A_364  : i32 {
        %parallel_loop3A_464 = arith.constant 0 : i32
        %parallel_loop3A_465 = vector.broadcast %parallel_loop3A_464 : i32 to vector<16xi32>
        %parallel_loop3A_466 = arith.constant 8 : i32
        %parallel_loop3A_467 = arith.muli %parallel_loop3A_463, %parallel_loop3A_466 : i32
        %parallel_loop3A_468 = arith.constant 0 : i32
        %parallel_loop3A_469 = arith.addi %parallel_loop3A_467, %parallel_loop3A_468 : i32
        %parallel_loop3A_470 = vector.broadcast %parallel_loop3A_469 : i32 to vector<16xi32>
        %parallel_loop3A_471 = arith.addi %parallel_loop3A_465, %parallel_loop3A_470 : vector<16xi32>
        %parallel_loop3A_472 = tpu.vector_load_idx %arg13[%iota3A, %parallel_loop3A_471] : memref<32x1000xf32, #tpu.memory_space<vmem>>[vector<16xi32>, vector<16xi32>], vector<16xf32>,
        %parallel_loop3A_473 = arith.constant 16 : i32
        %parallel_loop3A_474 = vector.broadcast %parallel_loop3A_473 : i32 to vector<16xi32>
        %parallel_loop3A_475 = arith.addi %iota3A, %parallel_loop3A_474 : vector<16xi32>
        %parallel_loop3A_476 = tpu.vector_load_idx %arg13[%parallel_loop3A_475, %parallel_loop3A_471] : memref<32x1000xf32, #tpu.memory_space<vmem>>[vector<16xi32>, vector<16xi32>], vector<16xf32>,
        %parallel_loop3A_477 = arith.constant 0 : i32
        %parallel_loop3A_478 = vector.broadcast %parallel_loop3A_477 : i32 to vector<16xi32>
        %parallel_loop3A_479 = arith.constant 8 : i32
        %parallel_loop3A_480 = arith.muli %parallel_loop3A_463, %parallel_loop3A_479 : i32
        %parallel_loop3A_481 = arith.constant 1 : i32
        %parallel_loop3A_482 = arith.addi %parallel_loop3A_480, %parallel_loop3A_481 : i32
        %parallel_loop3A_483 = vector.broadcast %parallel_loop3A_482 : i32 to vector<16xi32>
        %parallel_loop3A_484 = arith.addi %parallel_loop3A_478, %parallel_loop3A_483 : vector<16xi32>
        %parallel_loop3A_485 = tpu.vector_load_idx %arg13[%iota3A, %parallel_loop3A_484] : memref<32x1000xf32, #tpu.memory_space<vmem>>[vector<16xi32>, vector<16xi32>], vector<16xf32>,
        %parallel_loop3A_486 = arith.constant 16 : i32
        %parallel_loop3A_487 = vector.broadcast %parallel_loop3A_486 : i32 to vector<16xi32>
        %parallel_loop3A_488 = arith.addi %iota3A, %parallel_loop3A_487 : vector<16xi32>
        %parallel_loop3A_489 = tpu.vector_load_idx %arg13[%parallel_loop3A_488, %parallel_loop3A_484] : memref<32x1000xf32, #tpu.memory_space<vmem>>[vector<16xi32>, vector<16xi32>], vector<16xf32>,
        %parallel_loop3A_490 = arith.constant 0 : i32
        %parallel_loop3A_491 = vector.broadcast %parallel_loop3A_490 : i32 to vector<16xi32>
        %parallel_loop3A_492 = arith.constant 8 : i32
        %parallel_loop3A_493 = arith.muli %parallel_loop3A_463, %parallel_loop3A_492 : i32
        %parallel_loop3A_494 = arith.constant 2 : i32
        %parallel_loop3A_495 = arith.addi %parallel_loop3A_493, %parallel_loop3A_494 : i32
        %parallel_loop3A_496 = vector.broadcast %parallel_loop3A_495 : i32 to vector<16xi32>
        %parallel_loop3A_497 = arith.addi %parallel_loop3A_491, %parallel_loop3A_496 : vector<16xi32>
        %parallel_loop3A_498 = tpu.vector_load_idx %arg13[%iota3A, %parallel_loop3A_497] : memref<32x1000xf32, #tpu.memory_space<vmem>>[vector<16xi32>, vector<16xi32>], vector<16xf32>,
        %parallel_loop3A_499 = arith.constant 16 : i32
        %parallel_loop3A_500 = vector.broadcast %parallel_loop3A_499 : i32 to vector<16xi32>
        %parallel_loop3A_501 = arith.addi %iota3A, %parallel_loop3A_500 : vector<16xi32>
        %parallel_loop3A_502 = tpu.vector_load_idx %arg13[%parallel_loop3A_501, %parallel_loop3A_497] : memref<32x1000xf32, #tpu.memory_space<vmem>>[vector<16xi32>, vector<16xi32>], vector<16xf32>,
        %parallel_loop3A_503 = arith.constant 0 : i32
        %parallel_loop3A_504 = vector.broadcast %parallel_loop3A_503 : i32 to vector<16xi32>
        %parallel_loop3A_505 = arith.constant 8 : i32
        %parallel_loop3A_506 = arith.muli %parallel_loop3A_463, %parallel_loop3A_505 : i32
        %parallel_loop3A_507 = arith.constant 3 : i32
        %parallel_loop3A_508 = arith.addi %parallel_loop3A_506, %parallel_loop3A_507 : i32
        %parallel_loop3A_509 = vector.broadcast %parallel_loop3A_508 : i32 to vector<16xi32>
        %parallel_loop3A_510 = arith.addi %parallel_loop3A_504, %parallel_loop3A_509 : vector<16xi32>
        %parallel_loop3A_511 = tpu.vector_load_idx %arg13[%iota3A, %parallel_loop3A_510] : memref<32x1000xf32, #tpu.memory_space<vmem>>[vector<16xi32>, vector<16xi32>], vector<16xf32>,
        %parallel_loop3A_512 = arith.constant 16 : i32
        %parallel_loop3A_513 = vector.broadcast %parallel_loop3A_512 : i32 to vector<16xi32>
        %parallel_loop3A_514 = arith.addi %iota3A, %parallel_loop3A_513 : vector<16xi32>
        %parallel_loop3A_515 = tpu.vector_load_idx %arg13[%parallel_loop3A_514, %parallel_loop3A_510] : memref<32x1000xf32, #tpu.memory_space<vmem>>[vector<16xi32>, vector<16xi32>], vector<16xf32>,
        %parallel_loop3A_516 = arith.constant 0 : i32
        %parallel_loop3A_517 = vector.broadcast %parallel_loop3A_516 : i32 to vector<16xi32>
        %parallel_loop3A_518 = arith.constant 8 : i32
        %parallel_loop3A_519 = arith.muli %parallel_loop3A_463, %parallel_loop3A_518 : i32
        %parallel_loop3A_520 = arith.constant 4 : i32
        %parallel_loop3A_521 = arith.addi %parallel_loop3A_519, %parallel_loop3A_520 : i32
        %parallel_loop3A_522 = vector.broadcast %parallel_loop3A_521 : i32 to vector<16xi32>
        %parallel_loop3A_523 = arith.addi %parallel_loop3A_517, %parallel_loop3A_522 : vector<16xi32>
        %parallel_loop3A_524 = tpu.vector_load_idx %arg13[%iota3A, %parallel_loop3A_523] : memref<32x1000xf32, #tpu.memory_space<vmem>>[vector<16xi32>, vector<16xi32>], vector<16xf32>,
        %parallel_loop3A_525 = arith.constant 16 : i32
        %parallel_loop3A_526 = vector.broadcast %parallel_loop3A_525 : i32 to vector<16xi32>
        %parallel_loop3A_527 = arith.addi %iota3A, %parallel_loop3A_526 : vector<16xi32>
        %parallel_loop3A_528 = tpu.vector_load_idx %arg13[%parallel_loop3A_527, %parallel_loop3A_523] : memref<32x1000xf32, #tpu.memory_space<vmem>>[vector<16xi32>, vector<16xi32>], vector<16xf32>,
        %parallel_loop3A_529 = arith.constant 0 : i32
        %parallel_loop3A_530 = vector.broadcast %parallel_loop3A_529 : i32 to vector<16xi32>
        %parallel_loop3A_531 = arith.constant 8 : i32
        %parallel_loop3A_532 = arith.muli %parallel_loop3A_463, %parallel_loop3A_531 : i32
        %parallel_loop3A_533 = arith.constant 5 : i32
        %parallel_loop3A_534 = arith.addi %parallel_loop3A_532, %parallel_loop3A_533 : i32
        %parallel_loop3A_535 = vector.broadcast %parallel_loop3A_534 : i32 to vector<16xi32>
        %parallel_loop3A_536 = arith.addi %parallel_loop3A_530, %parallel_loop3A_535 : vector<16xi32>
        %parallel_loop3A_537 = tpu.vector_load_idx %arg13[%iota3A, %parallel_loop3A_536] : memref<32x1000xf32, #tpu.memory_space<vmem>>[vector<16xi32>, vector<16xi32>], vector<16xf32>,
        %parallel_loop3A_538 = arith.constant 16 : i32
        %parallel_loop3A_539 = vector.broadcast %parallel_loop3A_538 : i32 to vector<16xi32>
        %parallel_loop3A_540 = arith.addi %iota3A, %parallel_loop3A_539 : vector<16xi32>
        %parallel_loop3A_541 = tpu.vector_load_idx %arg13[%parallel_loop3A_540, %parallel_loop3A_536] : memref<32x1000xf32, #tpu.memory_space<vmem>>[vector<16xi32>, vector<16xi32>], vector<16xf32>,
        %parallel_loop3A_542 = arith.constant 0 : i32
        %parallel_loop3A_543 = vector.broadcast %parallel_loop3A_542 : i32 to vector<16xi32>
        %parallel_loop3A_544 = arith.constant 8 : i32
        %parallel_loop3A_545 = arith.muli %parallel_loop3A_463, %parallel_loop3A_544 : i32
        %parallel_loop3A_546 = arith.constant 6 : i32
        %parallel_loop3A_547 = arith.addi %parallel_loop3A_545, %parallel_loop3A_546 : i32
        %parallel_loop3A_548 = vector.broadcast %parallel_loop3A_547 : i32 to vector<16xi32>
        %parallel_loop3A_549 = arith.addi %parallel_loop3A_543, %parallel_loop3A_548 : vector<16xi32>
        %parallel_loop3A_550 = tpu.vector_load_idx %arg13[%iota3A, %parallel_loop3A_549] : memref<32x1000xf32, #tpu.memory_space<vmem>>[vector<16xi32>, vector<16xi32>], vector<16xf32>,
        %parallel_loop3A_551 = arith.constant 16 : i32
        %parallel_loop3A_552 = vector.broadcast %parallel_loop3A_551 : i32 to vector<16xi32>
        %parallel_loop3A_553 = arith.addi %iota3A, %parallel_loop3A_552 : vector<16xi32>
        %parallel_loop3A_554 = tpu.vector_load_idx %arg13[%parallel_loop3A_553, %parallel_loop3A_549] : memref<32x1000xf32, #tpu.memory_space<vmem>>[vector<16xi32>, vector<16xi32>], vector<16xf32>,
        %parallel_loop3A_555 = arith.constant 0 : i32
        %parallel_loop3A_556 = vector.broadcast %parallel_loop3A_555 : i32 to vector<16xi32>
        %parallel_loop3A_557 = arith.constant 8 : i32
        %parallel_loop3A_558 = arith.muli %parallel_loop3A_463, %parallel_loop3A_557 : i32
        %parallel_loop3A_559 = arith.constant 7 : i32
        %parallel_loop3A_560 = arith.addi %parallel_loop3A_558, %parallel_loop3A_559 : i32
        %parallel_loop3A_561 = vector.broadcast %parallel_loop3A_560 : i32 to vector<16xi32>
        %parallel_loop3A_562 = arith.addi %parallel_loop3A_556, %parallel_loop3A_561 : vector<16xi32>
        %parallel_loop3A_563 = tpu.vector_load_idx %arg13[%iota3A, %parallel_loop3A_562] : memref<32x1000xf32, #tpu.memory_space<vmem>>[vector<16xi32>, vector<16xi32>], vector<16xf32>,
        %parallel_loop3A_564 = arith.constant 16 : i32
        %parallel_loop3A_565 = vector.broadcast %parallel_loop3A_564 : i32 to vector<16xi32>
        %parallel_loop3A_566 = arith.addi %iota3A, %parallel_loop3A_565 : vector<16xi32>
        %parallel_loop3A_567 = tpu.vector_load_idx %arg13[%parallel_loop3A_566, %parallel_loop3A_562] : memref<32x1000xf32, #tpu.memory_space<vmem>>[vector<16xi32>, vector<16xi32>], vector<16xf32>,
        %parallel_loop3A_568 = arith.constant 0 : i32
        %parallel_loop3A_569 = arith.index_cast %parallel_loop3A_463 : i32 to index
        %parallel_loop3A_570 = arith.index_cast %parallel_loop3A_568 : i32 to index
        %parallel_loop3A_571 = arith.constant 0 : index
        %parallel_loop3A_572 = tpu.vector_load %arg15[%parallel_loop3A_569, %parallel_loop3A_570, %parallel_loop3A_571] {strides = array<i32>} : memref<125x8x32xf32, #tpu.memory_space<vmem>>, vector<16xf32>,
        tpu.vector_store %arg15[%parallel_loop3A_569, %parallel_loop3A_570, %parallel_loop3A_571], %parallel_loop3A_472 {strides = array<i32>} : memref<125x8x32xf32, #tpu.memory_space<vmem>>, vector<16xf32>,
        %parallel_loop3A_573 = arith.constant 0 : i32
        %parallel_loop3A_574 = arith.index_cast %parallel_loop3A_463 : i32 to index
        %parallel_loop3A_575 = arith.index_cast %parallel_loop3A_573 : i32 to index
        %parallel_loop3A_576 = arith.constant 16 : index
        %parallel_loop3A_577 = tpu.vector_load %arg15[%parallel_loop3A_574, %parallel_loop3A_575, %parallel_loop3A_576] {strides = array<i32>} : memref<125x8x32xf32, #tpu.memory_space<vmem>>, vector<16xf32>,
        tpu.vector_store %arg15[%parallel_loop3A_574, %parallel_loop3A_575, %parallel_loop3A_576], %parallel_loop3A_476 {strides = array<i32>} : memref<125x8x32xf32, #tpu.memory_space<vmem>>, vector<16xf32>,
        %parallel_loop3A_578 = arith.constant 1 : i32
        %parallel_loop3A_579 = arith.index_cast %parallel_loop3A_463 : i32 to index
        %parallel_loop3A_580 = arith.index_cast %parallel_loop3A_578 : i32 to index
        %parallel_loop3A_581 = arith.constant 0 : index
        %parallel_loop3A_582 = tpu.vector_load %arg15[%parallel_loop3A_579, %parallel_loop3A_580, %parallel_loop3A_581] {strides = array<i32>} : memref<125x8x32xf32, #tpu.memory_space<vmem>>, vector<16xf32>,
        tpu.vector_store %arg15[%parallel_loop3A_579, %parallel_loop3A_580, %parallel_loop3A_581], %parallel_loop3A_485 {strides = array<i32>} : memref<125x8x32xf32, #tpu.memory_space<vmem>>, vector<16xf32>,
        %parallel_loop3A_583 = arith.constant 1 : i32
        %parallel_loop3A_584 = arith.index_cast %parallel_loop3A_463 : i32 to index
        %parallel_loop3A_585 = arith.index_cast %parallel_loop3A_583 : i32 to index
        %parallel_loop3A_586 = arith.constant 16 : index
        %parallel_loop3A_587 = tpu.vector_load %arg15[%parallel_loop3A_584, %parallel_loop3A_585, %parallel_loop3A_586] {strides = array<i32>} : memref<125x8x32xf32, #tpu.memory_space<vmem>>, vector<16xf32>,
        tpu.vector_store %arg15[%parallel_loop3A_584, %parallel_loop3A_585, %parallel_loop3A_586], %parallel_loop3A_489 {strides = array<i32>} : memref<125x8x32xf32, #tpu.memory_space<vmem>>, vector<16xf32>,
        %parallel_loop3A_588 = arith.constant 2 : i32
        %parallel_loop3A_589 = arith.index_cast %parallel_loop3A_463 : i32 to index
        %parallel_loop3A_590 = arith.index_cast %parallel_loop3A_588 : i32 to index
        %parallel_loop3A_591 = arith.constant 0 : index
        %parallel_loop3A_592 = tpu.vector_load %arg15[%parallel_loop3A_589, %parallel_loop3A_590, %parallel_loop3A_591] {strides = array<i32>} : memref<125x8x32xf32, #tpu.memory_space<vmem>>, vector<16xf32>,
        tpu.vector_store %arg15[%parallel_loop3A_589, %parallel_loop3A_590, %parallel_loop3A_591], %parallel_loop3A_498 {strides = array<i32>} : memref<125x8x32xf32, #tpu.memory_space<vmem>>, vector<16xf32>,
        %parallel_loop3A_593 = arith.constant 2 : i32
        %parallel_loop3A_594 = arith.index_cast %parallel_loop3A_463 : i32 to index
        %parallel_loop3A_595 = arith.index_cast %parallel_loop3A_593 : i32 to index
        %parallel_loop3A_596 = arith.constant 16 : index
        %parallel_loop3A_597 = tpu.vector_load %arg15[%parallel_loop3A_594, %parallel_loop3A_595, %parallel_loop3A_596] {strides = array<i32>} : memref<125x8x32xf32, #tpu.memory_space<vmem>>, vector<16xf32>,
        tpu.vector_store %arg15[%parallel_loop3A_594, %parallel_loop3A_595, %parallel_loop3A_596], %parallel_loop3A_502 {strides = array<i32>} : memref<125x8x32xf32, #tpu.memory_space<vmem>>, vector<16xf32>,
        %parallel_loop3A_598 = arith.constant 3 : i32
        %parallel_loop3A_599 = arith.index_cast %parallel_loop3A_463 : i32 to index
        %parallel_loop3A_600 = arith.index_cast %parallel_loop3A_598 : i32 to index
        %parallel_loop3A_601 = arith.constant 0 : index
        %parallel_loop3A_602 = tpu.vector_load %arg15[%parallel_loop3A_599, %parallel_loop3A_600, %parallel_loop3A_601] {strides = array<i32>} : memref<125x8x32xf32, #tpu.memory_space<vmem>>, vector<16xf32>,
        tpu.vector_store %arg15[%parallel_loop3A_599, %parallel_loop3A_600, %parallel_loop3A_601], %parallel_loop3A_511 {strides = array<i32>} : memref<125x8x32xf32, #tpu.memory_space<vmem>>, vector<16xf32>,
        %parallel_loop3A_603 = arith.constant 3 : i32
        %parallel_loop3A_604 = arith.index_cast %parallel_loop3A_463 : i32 to index
        %parallel_loop3A_605 = arith.index_cast %parallel_loop3A_603 : i32 to index
        %parallel_loop3A_606 = arith.constant 16 : index
        %parallel_loop3A_607 = tpu.vector_load %arg15[%parallel_loop3A_604, %parallel_loop3A_605, %parallel_loop3A_606] {strides = array<i32>} : memref<125x8x32xf32, #tpu.memory_space<vmem>>, vector<16xf32>,
        tpu.vector_store %arg15[%parallel_loop3A_604, %parallel_loop3A_605, %parallel_loop3A_606], %parallel_loop3A_515 {strides = array<i32>} : memref<125x8x32xf32, #tpu.memory_space<vmem>>, vector<16xf32>,
        %parallel_loop3A_608 = arith.constant 4 : i32
        %parallel_loop3A_609 = arith.index_cast %parallel_loop3A_463 : i32 to index
        %parallel_loop3A_610 = arith.index_cast %parallel_loop3A_608 : i32 to index
        %parallel_loop3A_611 = arith.constant 0 : index
        %parallel_loop3A_612 = tpu.vector_load %arg15[%parallel_loop3A_609, %parallel_loop3A_610, %parallel_loop3A_611] {strides = array<i32>} : memref<125x8x32xf32, #tpu.memory_space<vmem>>, vector<16xf32>,
        tpu.vector_store %arg15[%parallel_loop3A_609, %parallel_loop3A_610, %parallel_loop3A_611], %parallel_loop3A_524 {strides = array<i32>} : memref<125x8x32xf32, #tpu.memory_space<vmem>>, vector<16xf32>,
        %parallel_loop3A_613 = arith.constant 4 : i32
        %parallel_loop3A_614 = arith.index_cast %parallel_loop3A_463 : i32 to index
        %parallel_loop3A_615 = arith.index_cast %parallel_loop3A_613 : i32 to index
        %parallel_loop3A_616 = arith.constant 16 : index
        %parallel_loop3A_617 = tpu.vector_load %arg15[%parallel_loop3A_614, %parallel_loop3A_615, %parallel_loop3A_616] {strides = array<i32>} : memref<125x8x32xf32, #tpu.memory_space<vmem>>, vector<16xf32>,
        tpu.vector_store %arg15[%parallel_loop3A_614, %parallel_loop3A_615, %parallel_loop3A_616], %parallel_loop3A_528 {strides = array<i32>} : memref<125x8x32xf32, #tpu.memory_space<vmem>>, vector<16xf32>,
        %parallel_loop3A_618 = arith.constant 5 : i32
        %parallel_loop3A_619 = arith.index_cast %parallel_loop3A_463 : i32 to index
        %parallel_loop3A_620 = arith.index_cast %parallel_loop3A_618 : i32 to index
        %parallel_loop3A_621 = arith.constant 0 : index
        %parallel_loop3A_622 = tpu.vector_load %arg15[%parallel_loop3A_619, %parallel_loop3A_620, %parallel_loop3A_621] {strides = array<i32>} : memref<125x8x32xf32, #tpu.memory_space<vmem>>, vector<16xf32>,
        tpu.vector_store %arg15[%parallel_loop3A_619, %parallel_loop3A_620, %parallel_loop3A_621], %parallel_loop3A_537 {strides = array<i32>} : memref<125x8x32xf32, #tpu.memory_space<vmem>>, vector<16xf32>,
        %parallel_loop3A_623 = arith.constant 5 : i32
        %parallel_loop3A_624 = arith.index_cast %parallel_loop3A_463 : i32 to index
        %parallel_loop3A_625 = arith.index_cast %parallel_loop3A_623 : i32 to index
        %parallel_loop3A_626 = arith.constant 16 : index
        %parallel_loop3A_627 = tpu.vector_load %arg15[%parallel_loop3A_624, %parallel_loop3A_625, %parallel_loop3A_626] {strides = array<i32>} : memref<125x8x32xf32, #tpu.memory_space<vmem>>, vector<16xf32>,
        tpu.vector_store %arg15[%parallel_loop3A_624, %parallel_loop3A_625, %parallel_loop3A_626], %parallel_loop3A_541 {strides = array<i32>} : memref<125x8x32xf32, #tpu.memory_space<vmem>>, vector<16xf32>,
        %parallel_loop3A_628 = arith.constant 6 : i32
        %parallel_loop3A_629 = arith.index_cast %parallel_loop3A_463 : i32 to index
        %parallel_loop3A_630 = arith.index_cast %parallel_loop3A_628 : i32 to index
        %parallel_loop3A_631 = arith.constant 0 : index
        %parallel_loop3A_632 = tpu.vector_load %arg15[%parallel_loop3A_629, %parallel_loop3A_630, %parallel_loop3A_631] {strides = array<i32>} : memref<125x8x32xf32, #tpu.memory_space<vmem>>, vector<16xf32>,
        tpu.vector_store %arg15[%parallel_loop3A_629, %parallel_loop3A_630, %parallel_loop3A_631], %parallel_loop3A_550 {strides = array<i32>} : memref<125x8x32xf32, #tpu.memory_space<vmem>>, vector<16xf32>,
        %parallel_loop3A_633 = arith.constant 6 : i32
        %parallel_loop3A_634 = arith.index_cast %parallel_loop3A_463 : i32 to index
        %parallel_loop3A_635 = arith.index_cast %parallel_loop3A_633 : i32 to index
        %parallel_loop3A_636 = arith.constant 16 : index
        %parallel_loop3A_637 = tpu.vector_load %arg15[%parallel_loop3A_634, %parallel_loop3A_635, %parallel_loop3A_636] {strides = array<i32>} : memref<125x8x32xf32, #tpu.memory_space<vmem>>, vector<16xf32>,
        tpu.vector_store %arg15[%parallel_loop3A_634, %parallel_loop3A_635, %parallel_loop3A_636], %parallel_loop3A_554 {strides = array<i32>} : memref<125x8x32xf32, #tpu.memory_space<vmem>>, vector<16xf32>,
        %parallel_loop3A_638 = arith.constant 7 : i32
        %parallel_loop3A_639 = arith.index_cast %parallel_loop3A_463 : i32 to index
        %parallel_loop3A_640 = arith.index_cast %parallel_loop3A_638 : i32 to index
        %parallel_loop3A_641 = arith.constant 0 : index
        %parallel_loop3A_642 = tpu.vector_load %arg15[%parallel_loop3A_639, %parallel_loop3A_640, %parallel_loop3A_641] {strides = array<i32>} : memref<125x8x32xf32, #tpu.memory_space<vmem>>, vector<16xf32>,
        tpu.vector_store %arg15[%parallel_loop3A_639, %parallel_loop3A_640, %parallel_loop3A_641], %parallel_loop3A_563 {strides = array<i32>} : memref<125x8x32xf32, #tpu.memory_space<vmem>>, vector<16xf32>,
        %parallel_loop3A_643 = arith.constant 7 : i32
        %parallel_loop3A_644 = arith.index_cast %parallel_loop3A_463 : i32 to index
        %parallel_loop3A_645 = arith.index_cast %parallel_loop3A_643 : i32 to index
        %parallel_loop3A_646 = arith.constant 16 : index
        %parallel_loop3A_647 = tpu.vector_load %arg15[%parallel_loop3A_644, %parallel_loop3A_645, %parallel_loop3A_646] {strides = array<i32>} : memref<125x8x32xf32, #tpu.memory_space<vmem>>, vector<16xf32>,
        tpu.vector_store %arg15[%parallel_loop3A_644, %parallel_loop3A_645, %parallel_loop3A_646], %parallel_loop3A_567 {strides = array<i32>} : memref<125x8x32xf32, #tpu.memory_space<vmem>>, vector<16xf32>,
      } {sc.loop_unroll_factor = 2 : i64, sc.parallel_access}
      %dma_wait3A_365 = arith.constant 0 : i32
      %dma_wait3A_366 = tpu.memref_slice %arg3[%dma_wait3A_365, %mul3A_34] : memref<50x1024xi32, #tpu.memory_space<hbm>> -> memref<1x32xi32, #tpu.memory_space<hbm>>
      %dma_wait3A_367 = tpu.memref_squeeze %dma_wait3A_366 : memref<1x32xi32, #tpu.memory_space<hbm>> -> memref<32xi32, #tpu.memory_space<hbm>>
      %dma_wait3A_368 = tpu.memref_slice %arg3[%dma_wait3A_365, %mul3A_34] : memref<50x1024xi32, #tpu.memory_space<hbm>> -> memref<1x32xi32, #tpu.memory_space<hbm>>
      %dma_wait3A_369 = tpu.memref_squeeze %dma_wait3A_368 : memref<1x32xi32, #tpu.memory_space<hbm>> -> memref<32xi32, #tpu.memory_space<hbm>>
      tpu.wait_dma2 semaphore(%arg22 : memref<!tpu.dma_semaphore, #tpu.memory_space<semaphore_mem>>) src(%dma_wait3A_369 : memref<32xi32, #tpu.memory_space<hbm>>) dst(%arg8 : memref<32xi32, #tpu.memory_space<vmem>>)
      %dma_wait3A_370 = arith.constant 0 : i32
      %dma_wait3A_371 = tpu.memref_slice %arg4[%dma_wait3A_370, %mul3A_34] : memref<50x1024xi32, #tpu.memory_space<hbm>> -> memref<1x32xi32, #tpu.memory_space<hbm>>
      %dma_wait3A_372 = tpu.memref_squeeze %dma_wait3A_371 : memref<1x32xi32, #tpu.memory_space<hbm>> -> memref<32xi32, #tpu.memory_space<hbm>>
      %dma_wait3A_373 = tpu.memref_slice %arg4[%dma_wait3A_370, %mul3A_34] : memref<50x1024xi32, #tpu.memory_space<hbm>> -> memref<1x32xi32, #tpu.memory_space<hbm>>
      %dma_wait3A_374 = tpu.memref_squeeze %dma_wait3A_373 : memref<1x32xi32, #tpu.memory_space<hbm>> -> memref<32xi32, #tpu.memory_space<hbm>>
      tpu.wait_dma2 semaphore(%arg22 : memref<!tpu.dma_semaphore, #tpu.memory_space<semaphore_mem>>) src(%dma_wait3A_374 : memref<32xi32, #tpu.memory_space<hbm>>) dst(%arg10 : memref<32xi32, #tpu.memory_space<vmem>>)
      %dma_start3A_375 = arith.constant 0 : i32
      %dma_start3A_376 = arith.constant 0 : i32
      %dma_start3A_377 = tpu.memref_slice %arg2[%dma_start3A_375, %dma_start3A_376] : memref<1000x1000xf32, #tpu.memory_space<hbm>> -> memref<1000x1000xf32, #tpu.memory_space<hbm>>
      tpu.enqueue_indirect_dma source(%dma_start3A_377 : memref<1000x1000xf32, #tpu.memory_space<hbm>>) target(%arg13 : memref<32x1000xf32, #tpu.memory_space<vmem>>) offsets(%arg8 : memref<32xi32, #tpu.memory_space<vmem>>) semaphore(%arg18 : memref<!tpu.dma_semaphore, #tpu.memory_space<semaphore_mem>>)
      %dma_start3A_378 = arith.constant 0 : i32
      %dma_start3A_379 = arith.constant 0 : i32
      %dma_start3A_380 = tpu.memref_slice %arg6[%mul3A_310, %dma_start3A_378, %select_n3A, %dma_start3A_379, %mul3A_32] : memref<50x125x8x8x128xf32, #tpu.memory_space<hbm>> -> memref<1x125x1x8x32xf32, #tpu.memory_space<hbm>>
      %dma_start3A_381 = tpu.memref_squeeze %dma_start3A_380 : memref<1x125x1x8x32xf32, #tpu.memory_space<hbm>> -> memref<125x8x32xf32, #tpu.memory_space<hbm>>
      %dma_start3A_382 = arith.constant 0 : i32
      %dma_start3A_383 = arith.constant 0 : i32
      %dma_start3A_384 = tpu.memref_slice %arg6[%mul3A_310, %dma_start3A_382, %select_n3A, %dma_start3A_383, %mul3A_32] : memref<50x125x8x8x128xf32, #tpu.memory_space<hbm>> -> memref<1x125x1x8x32xf32, #tpu.memory_space<hbm>>
      %dma_start3A_385 = tpu.memref_squeeze %dma_start3A_384 : memref<1x125x1x8x32xf32, #tpu.memory_space<hbm>> -> memref<125x8x32xf32, #tpu.memory_space<hbm>>
      tpu.enqueue_dma source(%arg15 : memref<125x8x32xf32, #tpu.memory_space<vmem>>) target(%dma_start3A_385 : memref<125x8x32xf32, #tpu.memory_space<hbm>>) target_semaphore(%arg20 : memref<!tpu.dma_semaphore, #tpu.memory_space<semaphore_mem>>)
      %add3A_386 = arith.constant 1 : i32
      %add3A_387 = arith.addi %mul3A_310, %add3A_386 : i32
      %add3A_388 = arith.constant 3 : i32
      %add3A_389 = arith.addi %mul3A_310, %add3A_388 : i32
      %dma_wait3A_390 = arith.constant 0 : i32
      %dma_wait3A_391 = arith.constant 0 : i32
      %dma_wait3A_392 = tpu.memref_slice %arg2[%dma_wait3A_390, %dma_wait3A_391] : memref<1000x1000xf32, #tpu.memory_space<hbm>> -> memref<1000x1000xf32, #tpu.memory_space<hbm>>
      tpu.wait_indirect_dma semaphore(%arg19 : memref<!tpu.dma_semaphore, #tpu.memory_space<semaphore_mem>>) src(%dma_wait3A_392 : memref<1000x1000xf32, #tpu.memory_space<hbm>>) dst(%arg14 : memref<32x1000xf32, #tpu.memory_space<vmem>>)
      %get3A_393 = arith.constant 0 : index
      %get3A_394 = tpu.vector_load %arg9[%get3A_393] {strides = array<i32>} : memref<32xi32, #tpu.memory_space<vmem>>, vector<16xi32>,
      %get3A_395 = arith.constant 0 : index
      %get3A_396 = tpu.vector_load %arg11[%get3A_395] {strides = array<i32>} : memref<32xi32, #tpu.memory_space<vmem>>, vector<16xi32>,
      %add3A_397 = arith.constant 0 : i32
      %add3A_398 = vector.broadcast %add3A_397 : i32 to vector<16xi32>
      %add3A_399 = arith.addi %iota3A, %add3A_398 : vector<16xi32>
      %gather3A_400 = tpu.vector_load_idx %arg14[%add3A_399, %get3A_396] : memref<32x1000xf32, #tpu.memory_space<vmem>>[vector<16xi32>, vector<16xi32>], vector<16xf32>,
      %gather3A_401 = tpu.vector_load_idx %arg12[%get3A_394] : memref<1000xf32, #tpu.memory_space<vmem>>[vector<16xi32>], vector<16xf32>,
      %get3A_402 = arith.constant 0 : index
      %get3A_403 = tpu.vector_load %arg17[%get3A_402] {strides = array<i32>} : memref<16xf32, #tpu.memory_space<vmem>>, vector<16xf32>,
      %sub3A_404 = arith.subf %gather3A_401, %gather3A_400 : vector<16xf32>
      %add3A_405 = arith.addf %get3A_403, %sub3A_404 : vector<16xf32>
      %swap3A_406 = arith.constant 0 : index
      %swap3A_407 = tpu.vector_load %arg17[%swap3A_406] {strides = array<i32>} : memref<16xf32, #tpu.memory_space<vmem>>, vector<16xf32>,
      tpu.vector_store %arg17[%swap3A_406], %add3A_405 {strides = array<i32>} : memref<16xf32, #tpu.memory_space<vmem>>, vector<16xf32>,
      %get3A_408 = arith.constant 16 : index
      %get3A_409 = tpu.vector_load %arg9[%get3A_408] {strides = array<i32>} : memref<32xi32, #tpu.memory_space<vmem>>, vector<16xi32>,
      %get3A_410 = arith.constant 16 : index
      %get3A_411 = tpu.vector_load %arg11[%get3A_410] {strides = array<i32>} : memref<32xi32, #tpu.memory_space<vmem>>, vector<16xi32>,
      %add3A_412 = arith.constant 16 : i32
      %add3A_413 = vector.broadcast %add3A_412 : i32 to vector<16xi32>
      %add3A_414 = arith.addi %iota3A, %add3A_413 : vector<16xi32>
      %gather3A_415 = tpu.vector_load_idx %arg14[%add3A_414, %get3A_411] : memref<32x1000xf32, #tpu.memory_space<vmem>>[vector<16xi32>, vector<16xi32>], vector<16xf32>,
      %gather3A_416 = tpu.vector_load_idx %arg12[%get3A_409] : memref<1000xf32, #tpu.memory_space<vmem>>[vector<16xi32>], vector<16xf32>,
      %get3A_417 = arith.constant 0 : index
      %get3A_418 = tpu.vector_load %arg17[%get3A_417] {strides = array<i32>} : memref<16xf32, #tpu.memory_space<vmem>>, vector<16xf32>,
      %sub3A_419 = arith.subf %gather3A_416, %gather3A_415 : vector<16xf32>
      %add3A_420 = arith.addf %get3A_418, %sub3A_419 : vector<16xf32>
      %swap3A_421 = arith.constant 0 : index
      %swap3A_422 = tpu.vector_load %arg17[%swap3A_421] {strides = array<i32>} : memref<16xf32, #tpu.memory_space<vmem>>, vector<16xf32>,
      tpu.vector_store %arg17[%swap3A_421], %add3A_420 {strides = array<i32>} : memref<16xf32, #tpu.memory_space<vmem>>, vector<16xf32>,
      %dma_start3A_423 = tpu.memref_slice %arg3[%add3A_389, %mul3A_34] : memref<50x1024xi32, #tpu.memory_space<hbm>> -> memref<1x32xi32, #tpu.memory_space<hbm>>
      %dma_start3A_424 = tpu.memref_squeeze %dma_start3A_423 : memref<1x32xi32, #tpu.memory_space<hbm>> -> memref<32xi32, #tpu.memory_space<hbm>>
      %dma_start3A_425 = tpu.memref_slice %arg3[%add3A_389, %mul3A_34] : memref<50x1024xi32, #tpu.memory_space<hbm>> -> memref<1x32xi32, #tpu.memory_space<hbm>>
      %dma_start3A_426 = tpu.memref_squeeze %dma_start3A_425 : memref<1x32xi32, #tpu.memory_space<hbm>> -> memref<32xi32, #tpu.memory_space<hbm>>
      tpu.enqueue_dma source(%dma_start3A_426 : memref<32xi32, #tpu.memory_space<hbm>>) target(%arg9 : memref<32xi32, #tpu.memory_space<vmem>>) target_semaphore(%arg23 : memref<!tpu.dma_semaphore, #tpu.memory_space<semaphore_mem>>)
      %dma_start3A_427 = tpu.memref_slice %arg4[%add3A_389, %mul3A_34] : memref<50x1024xi32, #tpu.memory_space<hbm>> -> memref<1x32xi32, #tpu.memory_space<hbm>>
      %dma_start3A_428 = tpu.memref_squeeze %dma_start3A_427 : memref<1x32xi32, #tpu.memory_space<hbm>> -> memref<32xi32, #tpu.memory_space<hbm>>
      %dma_start3A_429 = tpu.memref_slice %arg4[%add3A_389, %mul3A_34] : memref<50x1024xi32, #tpu.memory_space<hbm>> -> memref<1x32xi32, #tpu.memory_space<hbm>>
      %dma_start3A_430 = tpu.memref_squeeze %dma_start3A_429 : memref<1x32xi32, #tpu.memory_space<hbm>> -> memref<32xi32, #tpu.memory_space<hbm>>
      tpu.enqueue_dma source(%dma_start3A_430 : memref<32xi32, #tpu.memory_space<hbm>>) target(%arg11 : memref<32xi32, #tpu.memory_space<vmem>>) target_semaphore(%arg23 : memref<!tpu.dma_semaphore, #tpu.memory_space<semaphore_mem>>)
      %dma_wait3A_431 = arith.constant 0 : i32
      %dma_wait3A_432 = arith.constant 0 : i32
      %dma_wait3A_433 = tpu.memref_slice %arg6[%add3A_387, %dma_wait3A_431, %select_n3A, %dma_wait3A_432, %mul3A_32] : memref<50x125x8x8x128xf32, #tpu.memory_space<hbm>> -> memref<1x125x1x8x32xf32, #tpu.memory_space<hbm>>
      %dma_wait3A_434 = tpu.memref_squeeze %dma_wait3A_433 : memref<1x125x1x8x32xf32, #tpu.memory_space<hbm>> -> memref<125x8x32xf32, #tpu.memory_space<hbm>>
      %dma_wait3A_435 = arith.constant 0 : i32
      %dma_wait3A_436 = arith.constant 0 : i32
      %dma_wait3A_437 = tpu.memref_slice %arg6[%add3A_387, %dma_wait3A_435, %select_n3A, %dma_wait3A_436, %mul3A_32] : memref<50x125x8x8x128xf32, #tpu.memory_space<hbm>> -> memref<1x125x1x8x32xf32, #tpu.memory_space<hbm>>
      %dma_wait3A_438 = tpu.memref_squeeze %dma_wait3A_437 : memref<1x125x1x8x32xf32, #tpu.memory_space<hbm>> -> memref<125x8x32xf32, #tpu.memory_space<hbm>>
      tpu.wait_dma2 semaphore(%arg21 : memref<!tpu.dma_semaphore, #tpu.memory_space<semaphore_mem>>) src(%arg16 : memref<125x8x32xf32, #tpu.memory_space<vmem>>) dst(%dma_wait3A_438 : memref<125x8x32xf32, #tpu.memory_space<hbm>>)
      %parallel_loop3A_439 = arith.constant 0 : i32
      %parallel_loop3A_440 = arith.constant 125 : i32
      %parallel_loop3A_441 = arith.constant 1 : i32
      scf.for %parallel_loop3A_463 = %parallel_loop3A_439 to %parallel_loop3A_440 step %parallel_loop3A_441  : i32 {
        %parallel_loop3A_464 = arith.constant 0 : i32
        %parallel_loop3A_465 = vector.broadcast %parallel_loop3A_464 : i32 to vector<16xi32>
        %parallel_loop3A_466 = arith.constant 8 : i32
        %parallel_loop3A_467 = arith.muli %parallel_loop3A_463, %parallel_loop3A_466 : i32
        %parallel_loop3A_468 = arith.constant 0 : i32
        %parallel_loop3A_469 = arith.addi %parallel_loop3A_467, %parallel_loop3A_468 : i32
        %parallel_loop3A_470 = vector.broadcast %parallel_loop3A_469 : i32 to vector<16xi32>
        %parallel_loop3A_471 = arith.addi %parallel_loop3A_465, %parallel_loop3A_470 : vector<16xi32>
        %parallel_loop3A_472 = tpu.vector_load_idx %arg14[%iota3A, %parallel_loop3A_471] : memref<32x1000xf32, #tpu.memory_space<vmem>>[vector<16xi32>, vector<16xi32>], vector<16xf32>,
        %parallel_loop3A_473 = arith.constant 16 : i32
        %parallel_loop3A_474 = vector.broadcast %parallel_loop3A_473 : i32 to vector<16xi32>
        %parallel_loop3A_475 = arith.addi %iota3A, %parallel_loop3A_474 : vector<16xi32>
        %parallel_loop3A_476 = tpu.vector_load_idx %arg14[%parallel_loop3A_475, %parallel_loop3A_471] : memref<32x1000xf32, #tpu.memory_space<vmem>>[vector<16xi32>, vector<16xi32>], vector<16xf32>,
        %parallel_loop3A_477 = arith.constant 0 : i32
        %parallel_loop3A_478 = vector.broadcast %parallel_loop3A_477 : i32 to vector<16xi32>
        %parallel_loop3A_479 = arith.constant 8 : i32
        %parallel_loop3A_480 = arith.muli %parallel_loop3A_463, %parallel_loop3A_479 : i32
        %parallel_loop3A_481 = arith.constant 1 : i32
        %parallel_loop3A_482 = arith.addi %parallel_loop3A_480, %parallel_loop3A_481 : i32
        %parallel_loop3A_483 = vector.broadcast %parallel_loop3A_482 : i32 to vector<16xi32>
        %parallel_loop3A_484 = arith.addi %parallel_loop3A_478, %parallel_loop3A_483 : vector<16xi32>
        %parallel_loop3A_485 = tpu.vector_load_idx %arg14[%iota3A, %parallel_loop3A_484] : memref<32x1000xf32, #tpu.memory_space<vmem>>[vector<16xi32>, vector<16xi32>], vector<16xf32>,
        %parallel_loop3A_486 = arith.constant 16 : i32
        %parallel_loop3A_487 = vector.broadcast %parallel_loop3A_486 : i32 to vector<16xi32>
        %parallel_loop3A_488 = arith.addi %iota3A, %parallel_loop3A_487 : vector<16xi32>
        %parallel_loop3A_489 = tpu.vector_load_idx %arg14[%parallel_loop3A_488, %parallel_loop3A_484] : memref<32x1000xf32, #tpu.memory_space<vmem>>[vector<16xi32>, vector<16xi32>], vector<16xf32>,
        %parallel_loop3A_490 = arith.constant 0 : i32
        %parallel_loop3A_491 = vector.broadcast %parallel_loop3A_490 : i32 to vector<16xi32>
        %parallel_loop3A_492 = arith.constant 8 : i32
        %parallel_loop3A_493 = arith.muli %parallel_loop3A_463, %parallel_loop3A_492 : i32
        %parallel_loop3A_494 = arith.constant 2 : i32
        %parallel_loop3A_495 = arith.addi %parallel_loop3A_493, %parallel_loop3A_494 : i32
        %parallel_loop3A_496 = vector.broadcast %parallel_loop3A_495 : i32 to vector<16xi32>
        %parallel_loop3A_497 = arith.addi %parallel_loop3A_491, %parallel_loop3A_496 : vector<16xi32>
        %parallel_loop3A_498 = tpu.vector_load_idx %arg14[%iota3A, %parallel_loop3A_497] : memref<32x1000xf32, #tpu.memory_space<vmem>>[vector<16xi32>, vector<16xi32>], vector<16xf32>,
        %parallel_loop3A_499 = arith.constant 16 : i32
        %parallel_loop3A_500 = vector.broadcast %parallel_loop3A_499 : i32 to vector<16xi32>
        %parallel_loop3A_501 = arith.addi %iota3A, %parallel_loop3A_500 : vector<16xi32>
        %parallel_loop3A_502 = tpu.vector_load_idx %arg14[%parallel_loop3A_501, %parallel_loop3A_497] : memref<32x1000xf32, #tpu.memory_space<vmem>>[vector<16xi32>, vector<16xi32>], vector<16xf32>,
        %parallel_loop3A_503 = arith.constant 0 : i32
        %parallel_loop3A_504 = vector.broadcast %parallel_loop3A_503 : i32 to vector<16xi32>
        %parallel_loop3A_505 = arith.constant 8 : i32
        %parallel_loop3A_506 = arith.muli %parallel_loop3A_463, %parallel_loop3A_505 : i32
        %parallel_loop3A_507 = arith.constant 3 : i32
        %parallel_loop3A_508 = arith.addi %parallel_loop3A_506, %parallel_loop3A_507 : i32
        %parallel_loop3A_509 = vector.broadcast %parallel_loop3A_508 : i32 to vector<16xi32>
        %parallel_loop3A_510 = arith.addi %parallel_loop3A_504, %parallel_loop3A_509 : vector<16xi32>
        %parallel_loop3A_511 = tpu.vector_load_idx %arg14[%iota3A, %parallel_loop3A_510] : memref<32x1000xf32, #tpu.memory_space<vmem>>[vector<16xi32>, vector<16xi32>], vector<16xf32>,
        %parallel_loop3A_512 = arith.constant 16 : i32
        %parallel_loop3A_513 = vector.broadcast %parallel_loop3A_512 : i32 to vector<16xi32>
        %parallel_loop3A_514 = arith.addi %iota3A, %parallel_loop3A_513 : vector<16xi32>
        %parallel_loop3A_515 = tpu.vector_load_idx %arg14[%parallel_loop3A_514, %parallel_loop3A_510] : memref<32x1000xf32, #tpu.memory_space<vmem>>[vector<16xi32>, vector<16xi32>], vector<16xf32>,
        %parallel_loop3A_516 = arith.constant 0 : i32
        %parallel_loop3A_517 = vector.broadcast %parallel_loop3A_516 : i32 to vector<16xi32>
        %parallel_loop3A_518 = arith.constant 8 : i32
        %parallel_loop3A_519 = arith.muli %parallel_loop3A_463, %parallel_loop3A_518 : i32
        %parallel_loop3A_520 = arith.constant 4 : i32
        %parallel_loop3A_521 = arith.addi %parallel_loop3A_519, %parallel_loop3A_520 : i32
        %parallel_loop3A_522 = vector.broadcast %parallel_loop3A_521 : i32 to vector<16xi32>
        %parallel_loop3A_523 = arith.addi %parallel_loop3A_517, %parallel_loop3A_522 : vector<16xi32>
        %parallel_loop3A_524 = tpu.vector_load_idx %arg14[%iota3A, %parallel_loop3A_523] : memref<32x1000xf32, #tpu.memory_space<vmem>>[vector<16xi32>, vector<16xi32>], vector<16xf32>,
        %parallel_loop3A_525 = arith.constant 16 : i32
        %parallel_loop3A_526 = vector.broadcast %parallel_loop3A_525 : i32 to vector<16xi32>
        %parallel_loop3A_527 = arith.addi %iota3A, %parallel_loop3A_526 : vector<16xi32>
        %parallel_loop3A_528 = tpu.vector_load_idx %arg14[%parallel_loop3A_527, %parallel_loop3A_523] : memref<32x1000xf32, #tpu.memory_space<vmem>>[vector<16xi32>, vector<16xi32>], vector<16xf32>,
        %parallel_loop3A_529 = arith.constant 0 : i32
        %parallel_loop3A_530 = vector.broadcast %parallel_loop3A_529 : i32 to vector<16xi32>
        %parallel_loop3A_531 = arith.constant 8 : i32
        %parallel_loop3A_532 = arith.muli %parallel_loop3A_463, %parallel_loop3A_531 : i32
        %parallel_loop3A_533 = arith.constant 5 : i32
        %parallel_loop3A_534 = arith.addi %parallel_loop3A_532, %parallel_loop3A_533 : i32
        %parallel_loop3A_535 = vector.broadcast %parallel_loop3A_534 : i32 to vector<16xi32>
        %parallel_loop3A_536 = arith.addi %parallel_loop3A_530, %parallel_loop3A_535 : vector<16xi32>
        %parallel_loop3A_537 = tpu.vector_load_idx %arg14[%iota3A, %parallel_loop3A_536] : memref<32x1000xf32, #tpu.memory_space<vmem>>[vector<16xi32>, vector<16xi32>], vector<16xf32>,
        %parallel_loop3A_538 = arith.constant 16 : i32
        %parallel_loop3A_539 = vector.broadcast %parallel_loop3A_538 : i32 to vector<16xi32>
        %parallel_loop3A_540 = arith.addi %iota3A, %parallel_loop3A_539 : vector<16xi32>
        %parallel_loop3A_541 = tpu.vector_load_idx %arg14[%parallel_loop3A_540, %parallel_loop3A_536] : memref<32x1000xf32, #tpu.memory_space<vmem>>[vector<16xi32>, vector<16xi32>], vector<16xf32>,
        %parallel_loop3A_542 = arith.constant 0 : i32
        %parallel_loop3A_543 = vector.broadcast %parallel_loop3A_542 : i32 to vector<16xi32>
        %parallel_loop3A_544 = arith.constant 8 : i32
        %parallel_loop3A_545 = arith.muli %parallel_loop3A_463, %parallel_loop3A_544 : i32
        %parallel_loop3A_546 = arith.constant 6 : i32
        %parallel_loop3A_547 = arith.addi %parallel_loop3A_545, %parallel_loop3A_546 : i32
        %parallel_loop3A_548 = vector.broadcast %parallel_loop3A_547 : i32 to vector<16xi32>
        %parallel_loop3A_549 = arith.addi %parallel_loop3A_543, %parallel_loop3A_548 : vector<16xi32>
        %parallel_loop3A_550 = tpu.vector_load_idx %arg14[%iota3A, %parallel_loop3A_549] : memref<32x1000xf32, #tpu.memory_space<vmem>>[vector<16xi32>, vector<16xi32>], vector<16xf32>,
        %parallel_loop3A_551 = arith.constant 16 : i32
        %parallel_loop3A_552 = vector.broadcast %parallel_loop3A_551 : i32 to vector<16xi32>
        %parallel_loop3A_553 = arith.addi %iota3A, %parallel_loop3A_552 : vector<16xi32>
        %parallel_loop3A_554 = tpu.vector_load_idx %arg14[%parallel_loop3A_553, %parallel_loop3A_549] : memref<32x1000xf32, #tpu.memory_space<vmem>>[vector<16xi32>, vector<16xi32>], vector<16xf32>,
        %parallel_loop3A_555 = arith.constant 0 : i32
        %parallel_loop3A_556 = vector.broadcast %parallel_loop3A_555 : i32 to vector<16xi32>
        %parallel_loop3A_557 = arith.constant 8 : i32
        %parallel_loop3A_558 = arith.muli %parallel_loop3A_463, %parallel_loop3A_557 : i32
        %parallel_loop3A_559 = arith.constant 7 : i32
        %parallel_loop3A_560 = arith.addi %parallel_loop3A_558, %parallel_loop3A_559 : i32
        %parallel_loop3A_561 = vector.broadcast %parallel_loop3A_560 : i32 to vector<16xi32>
        %parallel_loop3A_562 = arith.addi %parallel_loop3A_556, %parallel_loop3A_561 : vector<16xi32>
        %parallel_loop3A_563 = tpu.vector_load_idx %arg14[%iota3A, %parallel_loop3A_562] : memref<32x1000xf32, #tpu.memory_space<vmem>>[vector<16xi32>, vector<16xi32>], vector<16xf32>,
        %parallel_loop3A_564 = arith.constant 16 : i32
        %parallel_loop3A_565 = vector.broadcast %parallel_loop3A_564 : i32 to vector<16xi32>
        %parallel_loop3A_566 = arith.addi %iota3A, %parallel_loop3A_565 : vector<16xi32>
        %parallel_loop3A_567 = tpu.vector_load_idx %arg14[%parallel_loop3A_566, %parallel_loop3A_562] : memref<32x1000xf32, #tpu.memory_space<vmem>>[vector<16xi32>, vector<16xi32>], vector<16xf32>,
        %parallel_loop3A_568 = arith.constant 0 : i32
        %parallel_loop3A_569 = arith.index_cast %parallel_loop3A_463 : i32 to index
        %parallel_loop3A_570 = arith.index_cast %parallel_loop3A_568 : i32 to index
        %parallel_loop3A_571 = arith.constant 0 : index
        %parallel_loop3A_572 = tpu.vector_load %arg16[%parallel_loop3A_569, %parallel_loop3A_570, %parallel_loop3A_571] {strides = array<i32>} : memref<125x8x32xf32, #tpu.memory_space<vmem>>, vector<16xf32>,
        tpu.vector_store %arg16[%parallel_loop3A_569, %parallel_loop3A_570, %parallel_loop3A_571], %parallel_loop3A_472 {strides = array<i32>} : memref<125x8x32xf32, #tpu.memory_space<vmem>>, vector<16xf32>,
        %parallel_loop3A_573 = arith.constant 0 : i32
        %parallel_loop3A_574 = arith.index_cast %parallel_loop3A_463 : i32 to index
        %parallel_loop3A_575 = arith.index_cast %parallel_loop3A_573 : i32 to index
        %parallel_loop3A_576 = arith.constant 16 : index
        %parallel_loop3A_577 = tpu.vector_load %arg16[%parallel_loop3A_574, %parallel_loop3A_575, %parallel_loop3A_576] {strides = array<i32>} : memref<125x8x32xf32, #tpu.memory_space<vmem>>, vector<16xf32>,
        tpu.vector_store %arg16[%parallel_loop3A_574, %parallel_loop3A_575, %parallel_loop3A_576], %parallel_loop3A_476 {strides = array<i32>} : memref<125x8x32xf32, #tpu.memory_space<vmem>>, vector<16xf32>,
        %parallel_loop3A_578 = arith.constant 1 : i32
        %parallel_loop3A_579 = arith.index_cast %parallel_loop3A_463 : i32 to index
        %parallel_loop3A_580 = arith.index_cast %parallel_loop3A_578 : i32 to index
        %parallel_loop3A_581 = arith.constant 0 : index
        %parallel_loop3A_582 = tpu.vector_load %arg16[%parallel_loop3A_579, %parallel_loop3A_580, %parallel_loop3A_581] {strides = array<i32>} : memref<125x8x32xf32, #tpu.memory_space<vmem>>, vector<16xf32>,
        tpu.vector_store %arg16[%parallel_loop3A_579, %parallel_loop3A_580, %parallel_loop3A_581], %parallel_loop3A_485 {strides = array<i32>} : memref<125x8x32xf32, #tpu.memory_space<vmem>>, vector<16xf32>,
        %parallel_loop3A_583 = arith.constant 1 : i32
        %parallel_loop3A_584 = arith.index_cast %parallel_loop3A_463 : i32 to index
        %parallel_loop3A_585 = arith.index_cast %parallel_loop3A_583 : i32 to index
        %parallel_loop3A_586 = arith.constant 16 : index
        %parallel_loop3A_587 = tpu.vector_load %arg16[%parallel_loop3A_584, %parallel_loop3A_585, %parallel_loop3A_586] {strides = array<i32>} : memref<125x8x32xf32, #tpu.memory_space<vmem>>, vector<16xf32>,
        tpu.vector_store %arg16[%parallel_loop3A_584, %parallel_loop3A_585, %parallel_loop3A_586], %parallel_loop3A_489 {strides = array<i32>} : memref<125x8x32xf32, #tpu.memory_space<vmem>>, vector<16xf32>,
        %parallel_loop3A_588 = arith.constant 2 : i32
        %parallel_loop3A_589 = arith.index_cast %parallel_loop3A_463 : i32 to index
        %parallel_loop3A_590 = arith.index_cast %parallel_loop3A_588 : i32 to index
        %parallel_loop3A_591 = arith.constant 0 : index
        %parallel_loop3A_592 = tpu.vector_load %arg16[%parallel_loop3A_589, %parallel_loop3A_590, %parallel_loop3A_591] {strides = array<i32>} : memref<125x8x32xf32, #tpu.memory_space<vmem>>, vector<16xf32>,
        tpu.vector_store %arg16[%parallel_loop3A_589, %parallel_loop3A_590, %parallel_loop3A_591], %parallel_loop3A_498 {strides = array<i32>} : memref<125x8x32xf32, #tpu.memory_space<vmem>>, vector<16xf32>,
        %parallel_loop3A_593 = arith.constant 2 : i32
        %parallel_loop3A_594 = arith.index_cast %parallel_loop3A_463 : i32 to index
        %parallel_loop3A_595 = arith.index_cast %parallel_loop3A_593 : i32 to index
        %parallel_loop3A_596 = arith.constant 16 : index
        %parallel_loop3A_597 = tpu.vector_load %arg16[%parallel_loop3A_594, %parallel_loop3A_595, %parallel_loop3A_596] {strides = array<i32>} : memref<125x8x32xf32, #tpu.memory_space<vmem>>, vector<16xf32>,
        tpu.vector_store %arg16[%parallel_loop3A_594, %parallel_loop3A_595, %parallel_loop3A_596], %parallel_loop3A_502 {strides = array<i32>} : memref<125x8x32xf32, #tpu.memory_space<vmem>>, vector<16xf32>,
        %parallel_loop3A_598 = arith.constant 3 : i32
        %parallel_loop3A_599 = arith.index_cast %parallel_loop3A_463 : i32 to index
        %parallel_loop3A_600 = arith.index_cast %parallel_loop3A_598 : i32 to index
        %parallel_loop3A_601 = arith.constant 0 : index
        %parallel_loop3A_602 = tpu.vector_load %arg16[%parallel_loop3A_599, %parallel_loop3A_600, %parallel_loop3A_601] {strides = array<i32>} : memref<125x8x32xf32, #tpu.memory_space<vmem>>, vector<16xf32>,
        tpu.vector_store %arg16[%parallel_loop3A_599, %parallel_loop3A_600, %parallel_loop3A_601], %parallel_loop3A_511 {strides = array<i32>} : memref<125x8x32xf32, #tpu.memory_space<vmem>>, vector<16xf32>,
        %parallel_loop3A_603 = arith.constant 3 : i32
        %parallel_loop3A_604 = arith.index_cast %parallel_loop3A_463 : i32 to index
        %parallel_loop3A_605 = arith.index_cast %parallel_loop3A_603 : i32 to index
        %parallel_loop3A_606 = arith.constant 16 : index
        %parallel_loop3A_607 = tpu.vector_load %arg16[%parallel_loop3A_604, %parallel_loop3A_605, %parallel_loop3A_606] {strides = array<i32>} : memref<125x8x32xf32, #tpu.memory_space<vmem>>, vector<16xf32>,
        tpu.vector_store %arg16[%parallel_loop3A_604, %parallel_loop3A_605, %parallel_loop3A_606], %parallel_loop3A_515 {strides = array<i32>} : memref<125x8x32xf32, #tpu.memory_space<vmem>>, vector<16xf32>,
        %parallel_loop3A_608 = arith.constant 4 : i32
        %parallel_loop3A_609 = arith.index_cast %parallel_loop3A_463 : i32 to index
        %parallel_loop3A_610 = arith.index_cast %parallel_loop3A_608 : i32 to index
        %parallel_loop3A_611 = arith.constant 0 : index
        %parallel_loop3A_612 = tpu.vector_load %arg16[%parallel_loop3A_609, %parallel_loop3A_610, %parallel_loop3A_611] {strides = array<i32>} : memref<125x8x32xf32, #tpu.memory_space<vmem>>, vector<16xf32>,
        tpu.vector_store %arg16[%parallel_loop3A_609, %parallel_loop3A_610, %parallel_loop3A_611], %parallel_loop3A_524 {strides = array<i32>} : memref<125x8x32xf32, #tpu.memory_space<vmem>>, vector<16xf32>,
        %parallel_loop3A_613 = arith.constant 4 : i32
        %parallel_loop3A_614 = arith.index_cast %parallel_loop3A_463 : i32 to index
        %parallel_loop3A_615 = arith.index_cast %parallel_loop3A_613 : i32 to index
        %parallel_loop3A_616 = arith.constant 16 : index
        %parallel_loop3A_617 = tpu.vector_load %arg16[%parallel_loop3A_614, %parallel_loop3A_615, %parallel_loop3A_616] {strides = array<i32>} : memref<125x8x32xf32, #tpu.memory_space<vmem>>, vector<16xf32>,
        tpu.vector_store %arg16[%parallel_loop3A_614, %parallel_loop3A_615, %parallel_loop3A_616], %parallel_loop3A_528 {strides = array<i32>} : memref<125x8x32xf32, #tpu.memory_space<vmem>>, vector<16xf32>,
        %parallel_loop3A_618 = arith.constant 5 : i32
        %parallel_loop3A_619 = arith.index_cast %parallel_loop3A_463 : i32 to index
        %parallel_loop3A_620 = arith.index_cast %parallel_loop3A_618 : i32 to index
        %parallel_loop3A_621 = arith.constant 0 : index
        %parallel_loop3A_622 = tpu.vector_load %arg16[%parallel_loop3A_619, %parallel_loop3A_620, %parallel_loop3A_621] {strides = array<i32>} : memref<125x8x32xf32, #tpu.memory_space<vmem>>, vector<16xf32>,
        tpu.vector_store %arg16[%parallel_loop3A_619, %parallel_loop3A_620, %parallel_loop3A_621], %parallel_loop3A_537 {strides = array<i32>} : memref<125x8x32xf32, #tpu.memory_space<vmem>>, vector<16xf32>,
        %parallel_loop3A_623 = arith.constant 5 : i32
        %parallel_loop3A_624 = arith.index_cast %parallel_loop3A_463 : i32 to index
        %parallel_loop3A_625 = arith.index_cast %parallel_loop3A_623 : i32 to index
        %parallel_loop3A_626 = arith.constant 16 : index
        %parallel_loop3A_627 = tpu.vector_load %arg16[%parallel_loop3A_624, %parallel_loop3A_625, %parallel_loop3A_626] {strides = array<i32>} : memref<125x8x32xf32, #tpu.memory_space<vmem>>, vector<16xf32>,
        tpu.vector_store %arg16[%parallel_loop3A_624, %parallel_loop3A_625, %parallel_loop3A_626], %parallel_loop3A_541 {strides = array<i32>} : memref<125x8x32xf32, #tpu.memory_space<vmem>>, vector<16xf32>,
        %parallel_loop3A_628 = arith.constant 6 : i32
        %parallel_loop3A_629 = arith.index_cast %parallel_loop3A_463 : i32 to index
        %parallel_loop3A_630 = arith.index_cast %parallel_loop3A_628 : i32 to index
        %parallel_loop3A_631 = arith.constant 0 : index
        %parallel_loop3A_632 = tpu.vector_load %arg16[%parallel_loop3A_629, %parallel_loop3A_630, %parallel_loop3A_631] {strides = array<i32>} : memref<125x8x32xf32, #tpu.memory_space<vmem>>, vector<16xf32>,
        tpu.vector_store %arg16[%parallel_loop3A_629, %parallel_loop3A_630, %parallel_loop3A_631], %parallel_loop3A_550 {strides = array<i32>} : memref<125x8x32xf32, #tpu.memory_space<vmem>>, vector<16xf32>,
        %parallel_loop3A_633 = arith.constant 6 : i32
        %parallel_loop3A_634 = arith.index_cast %parallel_loop3A_463 : i32 to index
        %parallel_loop3A_635 = arith.index_cast %parallel_loop3A_633 : i32 to index
        %parallel_loop3A_636 = arith.constant 16 : index
        %parallel_loop3A_637 = tpu.vector_load %arg16[%parallel_loop3A_634, %parallel_loop3A_635, %parallel_loop3A_636] {strides = array<i32>} : memref<125x8x32xf32, #tpu.memory_space<vmem>>, vector<16xf32>,
        tpu.vector_store %arg16[%parallel_loop3A_634, %parallel_loop3A_635, %parallel_loop3A_636], %parallel_loop3A_554 {strides = array<i32>} : memref<125x8x32xf32, #tpu.memory_space<vmem>>, vector<16xf32>,
        %parallel_loop3A_638 = arith.constant 7 : i32
        %parallel_loop3A_639 = arith.index_cast %parallel_loop3A_463 : i32 to index
        %parallel_loop3A_640 = arith.index_cast %parallel_loop3A_638 : i32 to index
        %parallel_loop3A_641 = arith.constant 0 : index
        %parallel_loop3A_642 = tpu.vector_load %arg16[%parallel_loop3A_639, %parallel_loop3A_640, %parallel_loop3A_641] {strides = array<i32>} : memref<125x8x32xf32, #tpu.memory_space<vmem>>, vector<16xf32>,
        tpu.vector_store %arg16[%parallel_loop3A_639, %parallel_loop3A_640, %parallel_loop3A_641], %parallel_loop3A_563 {strides = array<i32>} : memref<125x8x32xf32, #tpu.memory_space<vmem>>, vector<16xf32>,
        %parallel_loop3A_643 = arith.constant 7 : i32
        %parallel_loop3A_644 = arith.index_cast %parallel_loop3A_463 : i32 to index
        %parallel_loop3A_645 = arith.index_cast %parallel_loop3A_643 : i32 to index
        %parallel_loop3A_646 = arith.constant 16 : index
        %parallel_loop3A_647 = tpu.vector_load %arg16[%parallel_loop3A_644, %parallel_loop3A_645, %parallel_loop3A_646] {strides = array<i32>} : memref<125x8x32xf32, #tpu.memory_space<vmem>>, vector<16xf32>,
        tpu.vector_store %arg16[%parallel_loop3A_644, %parallel_loop3A_645, %parallel_loop3A_646], %parallel_loop3A_567 {strides = array<i32>} : memref<125x8x32xf32, #tpu.memory_space<vmem>>, vector<16xf32>,
      } {sc.loop_unroll_factor = 2 : i64, sc.parallel_access}
      %dma_wait3A_442 = arith.constant 0 : i32
      %dma_wait3A_443 = tpu.memref_slice %arg3[%dma_wait3A_442, %mul3A_34] : memref<50x1024xi32, #tpu.memory_space<hbm>> -> memref<1x32xi32, #tpu.memory_space<hbm>>
      %dma_wait3A_444 = tpu.memref_squeeze %dma_wait3A_443 : memref<1x32xi32, #tpu.memory_space<hbm>> -> memref<32xi32, #tpu.memory_space<hbm>>
      %dma_wait3A_445 = tpu.memref_slice %arg3[%dma_wait3A_442, %mul3A_34] : memref<50x1024xi32, #tpu.memory_space<hbm>> -> memref<1x32xi32, #tpu.memory_space<hbm>>
      %dma_wait3A_446 = tpu.memref_squeeze %dma_wait3A_445 : memref<1x32xi32, #tpu.memory_space<hbm>> -> memref<32xi32, #tpu.memory_space<hbm>>
      tpu.wait_dma2 semaphore(%arg23 : memref<!tpu.dma_semaphore, #tpu.memory_space<semaphore_mem>>) src(%dma_wait3A_446 : memref<32xi32, #tpu.memory_space<hbm>>) dst(%arg9 : memref<32xi32, #tpu.memory_space<vmem>>)
      %dma_wait3A_447 = arith.constant 0 : i32
      %dma_wait3A_448 = tpu.memref_slice %arg4[%dma_wait3A_447, %mul3A_34] : memref<50x1024xi32, #tpu.memory_space<hbm>> -> memref<1x32xi32, #tpu.memory_space<hbm>>
      %dma_wait3A_449 = tpu.memref_squeeze %dma_wait3A_448 : memref<1x32xi32, #tpu.memory_space<hbm>> -> memref<32xi32, #tpu.memory_space<hbm>>
      %dma_wait3A_450 = tpu.memref_slice %arg4[%dma_wait3A_447, %mul3A_34] : memref<50x1024xi32, #tpu.memory_space<hbm>> -> memref<1x32xi32, #tpu.memory_space<hbm>>
      %dma_wait3A_451 = tpu.memref_squeeze %dma_wait3A_450 : memref<1x32xi32, #tpu.memory_space<hbm>> -> memref<32xi32, #tpu.memory_space<hbm>>
      tpu.wait_dma2 semaphore(%arg23 : memref<!tpu.dma_semaphore, #tpu.memory_space<semaphore_mem>>) src(%dma_wait3A_451 : memref<32xi32, #tpu.memory_space<hbm>>) dst(%arg11 : memref<32xi32, #tpu.memory_space<vmem>>)
      %dma_start3A_452 = arith.constant 0 : i32
      %dma_start3A_453 = arith.constant 0 : i32
      %dma_start3A_454 = tpu.memref_slice %arg2[%dma_start3A_452, %dma_start3A_453] : memref<1000x1000xf32, #tpu.memory_space<hbm>> -> memref<1000x1000xf32, #tpu.memory_space<hbm>>
      tpu.enqueue_indirect_dma source(%dma_start3A_454 : memref<1000x1000xf32, #tpu.memory_space<hbm>>) target(%arg14 : memref<32x1000xf32, #tpu.memory_space<vmem>>) offsets(%arg9 : memref<32xi32, #tpu.memory_space<vmem>>) semaphore(%arg19 : memref<!tpu.dma_semaphore, #tpu.memory_space<semaphore_mem>>)
      %dma_start3A_455 = arith.constant 0 : i32
      %dma_start3A_456 = arith.constant 0 : i32
      %dma_start3A_457 = tpu.memref_slice %arg6[%add3A_387, %dma_start3A_455, %select_n3A, %dma_start3A_456, %mul3A_32] : memref<50x125x8x8x128xf32, #tpu.memory_space<hbm>> -> memref<1x125x1x8x32xf32, #tpu.memory_space<hbm>>
      %dma_start3A_458 = tpu.memref_squeeze %dma_start3A_457 : memref<1x125x1x8x32xf32, #tpu.memory_space<hbm>> -> memref<125x8x32xf32, #tpu.memory_space<hbm>>
      %dma_start3A_459 = arith.constant 0 : i32
      %dma_start3A_460 = arith.constant 0 : i32
      %dma_start3A_461 = tpu.memref_slice %arg6[%add3A_387, %dma_start3A_459, %select_n3A, %dma_start3A_460, %mul3A_32] : memref<50x125x8x8x128xf32, #tpu.memory_space<hbm>> -> memref<1x125x1x8x32xf32, #tpu.memory_space<hbm>>
      %dma_start3A_462 = tpu.memref_squeeze %dma_start3A_461 : memref<1x125x1x8x32xf32, #tpu.memory_space<hbm>> -> memref<125x8x32xf32, #tpu.memory_space<hbm>>
      tpu.enqueue_dma source(%arg16 : memref<125x8x32xf32, #tpu.memory_space<vmem>>) target(%dma_start3A_462 : memref<125x8x32xf32, #tpu.memory_space<hbm>>) target_semaphore(%arg21 : memref<!tpu.dma_semaphore, #tpu.memory_space<semaphore_mem>>)
    }
    %scan3A_181 = arith.constant 23 : i32
    %dma_wait3A_182 = arith.constant 0 : i32
    %dma_wait3A_183 = arith.constant 0 : i32
    %dma_wait3A_184 = tpu.memref_slice %arg2[%dma_wait3A_182, %dma_wait3A_183] : memref<1000x1000xf32, #tpu.memory_space<hbm>> -> memref<1000x1000xf32, #tpu.memory_space<hbm>>
    tpu.wait_indirect_dma semaphore(%arg18 : memref<!tpu.dma_semaphore, #tpu.memory_space<semaphore_mem>>) src(%dma_wait3A_184 : memref<1000x1000xf32, #tpu.memory_space<hbm>>) dst(%arg13 : memref<32x1000xf32, #tpu.memory_space<vmem>>)
    %get3A_185 = arith.constant 0 : index
    %get3A_186 = tpu.vector_load %arg8[%get3A_185] {strides = array<i32>} : memref<32xi32, #tpu.memory_space<vmem>>, vector<16xi32>,
    %get3A_187 = arith.constant 0 : index
    %get3A_188 = tpu.vector_load %arg10[%get3A_187] {strides = array<i32>} : memref<32xi32, #tpu.memory_space<vmem>>, vector<16xi32>,
    %add3A_189 = arith.constant 0 : i32
    %add3A_190 = vector.broadcast %add3A_189 : i32 to vector<16xi32>
    %add3A_191 = arith.addi %iota3A, %add3A_190 : vector<16xi32>
    %gather3A_192 = tpu.vector_load_idx %arg13[%add3A_191, %get3A_188] : memref<32x1000xf32, #tpu.memory_space<vmem>>[vector<16xi32>, vector<16xi32>], vector<16xf32>,
    %gather3A_193 = tpu.vector_load_idx %arg12[%get3A_186] : memref<1000xf32, #tpu.memory_space<vmem>>[vector<16xi32>], vector<16xf32>,
    %get3A_194 = arith.constant 0 : index
    %get3A_195 = tpu.vector_load %arg17[%get3A_194] {strides = array<i32>} : memref<16xf32, #tpu.memory_space<vmem>>, vector<16xf32>,
    %sub3A_196 = arith.subf %gather3A_193, %gather3A_192 : vector<16xf32>
    %add3A_197 = arith.addf %get3A_195, %sub3A_196 : vector<16xf32>
    %swap3A_198 = arith.constant 0 : index
    %swap3A_199 = tpu.vector_load %arg17[%swap3A_198] {strides = array<i32>} : memref<16xf32, #tpu.memory_space<vmem>>, vector<16xf32>,
    tpu.vector_store %arg17[%swap3A_198], %add3A_197 {strides = array<i32>} : memref<16xf32, #tpu.memory_space<vmem>>, vector<16xf32>,
    %get3A_200 = arith.constant 16 : index
    %get3A_201 = tpu.vector_load %arg8[%get3A_200] {strides = array<i32>} : memref<32xi32, #tpu.memory_space<vmem>>, vector<16xi32>,
    %get3A_202 = arith.constant 16 : index
    %get3A_203 = tpu.vector_load %arg10[%get3A_202] {strides = array<i32>} : memref<32xi32, #tpu.memory_space<vmem>>, vector<16xi32>,
    %add3A_204 = arith.constant 16 : i32
    %add3A_205 = vector.broadcast %add3A_204 : i32 to vector<16xi32>
    %add3A_206 = arith.addi %iota3A, %add3A_205 : vector<16xi32>
    %gather3A_207 = tpu.vector_load_idx %arg13[%add3A_206, %get3A_203] : memref<32x1000xf32, #tpu.memory_space<vmem>>[vector<16xi32>, vector<16xi32>], vector<16xf32>,
    %gather3A_208 = tpu.vector_load_idx %arg12[%get3A_201] : memref<1000xf32, #tpu.memory_space<vmem>>[vector<16xi32>], vector<16xf32>,
    %get3A_209 = arith.constant 0 : index
    %get3A_210 = tpu.vector_load %arg17[%get3A_209] {strides = array<i32>} : memref<16xf32, #tpu.memory_space<vmem>>, vector<16xf32>,
    %sub3A_211 = arith.subf %gather3A_208, %gather3A_207 : vector<16xf32>
    %add3A_212 = arith.addf %get3A_210, %sub3A_211 : vector<16xf32>
    %swap3A_213 = arith.constant 0 : index
    %swap3A_214 = tpu.vector_load %arg17[%swap3A_213] {strides = array<i32>} : memref<16xf32, #tpu.memory_space<vmem>>, vector<16xf32>,
    tpu.vector_store %arg17[%swap3A_213], %add3A_212 {strides = array<i32>} : memref<16xf32, #tpu.memory_space<vmem>>, vector<16xf32>,
    %dma_wait3A_215 = arith.constant 48 : i32
    %dma_wait3A_216 = arith.constant 0 : i32
    %dma_wait3A_217 = arith.constant 0 : i32
    %dma_wait3A_218 = tpu.memref_slice %arg6[%dma_wait3A_215, %dma_wait3A_216, %select_n3A, %dma_wait3A_217, %mul3A_32] : memref<50x125x8x8x128xf32, #tpu.memory_space<hbm>> -> memref<1x125x1x8x32xf32, #tpu.memory_space<hbm>>
    %dma_wait3A_219 = tpu.memref_squeeze %dma_wait3A_218 : memref<1x125x1x8x32xf32, #tpu.memory_space<hbm>> -> memref<125x8x32xf32, #tpu.memory_space<hbm>>
    %dma_wait3A_220 = arith.constant 0 : i32
    %dma_wait3A_221 = arith.constant 0 : i32
    %dma_wait3A_222 = tpu.memref_slice %arg6[%dma_wait3A_215, %dma_wait3A_220, %select_n3A, %dma_wait3A_221, %mul3A_32] : memref<50x125x8x8x128xf32, #tpu.memory_space<hbm>> -> memref<1x125x1x8x32xf32, #tpu.memory_space<hbm>>
    %dma_wait3A_223 = tpu.memref_squeeze %dma_wait3A_222 : memref<1x125x1x8x32xf32, #tpu.memory_space<hbm>> -> memref<125x8x32xf32, #tpu.memory_space<hbm>>
    tpu.wait_dma2 semaphore(%arg20 : memref<!tpu.dma_semaphore, #tpu.memory_space<semaphore_mem>>) src(%arg15 : memref<125x8x32xf32, #tpu.memory_space<vmem>>) dst(%dma_wait3A_223 : memref<125x8x32xf32, #tpu.memory_space<hbm>>)
    %parallel_loop3A_224 = arith.constant 0 : i32
    %parallel_loop3A_225 = arith.constant 125 : i32
    %parallel_loop3A_226 = arith.constant 1 : i32
    scf.for %parallel_loop3A_308 = %parallel_loop3A_224 to %parallel_loop3A_225 step %parallel_loop3A_226  : i32 {
      %parallel_loop3A_309 = arith.constant 0 : i32
      %parallel_loop3A_310 = vector.broadcast %parallel_loop3A_309 : i32 to vector<16xi32>
      %parallel_loop3A_311 = arith.constant 8 : i32
      %parallel_loop3A_312 = arith.muli %parallel_loop3A_308, %parallel_loop3A_311 : i32
      %parallel_loop3A_313 = arith.constant 0 : i32
      %parallel_loop3A_314 = arith.addi %parallel_loop3A_312, %parallel_loop3A_313 : i32
      %parallel_loop3A_315 = vector.broadcast %parallel_loop3A_314 : i32 to vector<16xi32>
      %parallel_loop3A_316 = arith.addi %parallel_loop3A_310, %parallel_loop3A_315 : vector<16xi32>
      %parallel_loop3A_317 = tpu.vector_load_idx %arg13[%iota3A, %parallel_loop3A_316] : memref<32x1000xf32, #tpu.memory_space<vmem>>[vector<16xi32>, vector<16xi32>], vector<16xf32>,
      %parallel_loop3A_318 = arith.constant 16 : i32
      %parallel_loop3A_319 = vector.broadcast %parallel_loop3A_318 : i32 to vector<16xi32>
      %parallel_loop3A_320 = arith.addi %iota3A, %parallel_loop3A_319 : vector<16xi32>
      %parallel_loop3A_321 = tpu.vector_load_idx %arg13[%parallel_loop3A_320, %parallel_loop3A_316] : memref<32x1000xf32, #tpu.memory_space<vmem>>[vector<16xi32>, vector<16xi32>], vector<16xf32>,
      %parallel_loop3A_322 = arith.constant 0 : i32
      %parallel_loop3A_323 = vector.broadcast %parallel_loop3A_322 : i32 to vector<16xi32>
      %parallel_loop3A_324 = arith.constant 8 : i32
      %parallel_loop3A_325 = arith.muli %parallel_loop3A_308, %parallel_loop3A_324 : i32
      %parallel_loop3A_326 = arith.constant 1 : i32
      %parallel_loop3A_327 = arith.addi %parallel_loop3A_325, %parallel_loop3A_326 : i32
      %parallel_loop3A_328 = vector.broadcast %parallel_loop3A_327 : i32 to vector<16xi32>
      %parallel_loop3A_329 = arith.addi %parallel_loop3A_323, %parallel_loop3A_328 : vector<16xi32>
      %parallel_loop3A_330 = tpu.vector_load_idx %arg13[%iota3A, %parallel_loop3A_329] : memref<32x1000xf32, #tpu.memory_space<vmem>>[vector<16xi32>, vector<16xi32>], vector<16xf32>,
      %parallel_loop3A_331 = arith.constant 16 : i32
      %parallel_loop3A_332 = vector.broadcast %parallel_loop3A_331 : i32 to vector<16xi32>
      %parallel_loop3A_333 = arith.addi %iota3A, %parallel_loop3A_332 : vector<16xi32>
      %parallel_loop3A_334 = tpu.vector_load_idx %arg13[%parallel_loop3A_333, %parallel_loop3A_329] : memref<32x1000xf32, #tpu.memory_space<vmem>>[vector<16xi32>, vector<16xi32>], vector<16xf32>,
      %parallel_loop3A_335 = arith.constant 0 : i32
      %parallel_loop3A_336 = vector.broadcast %parallel_loop3A_335 : i32 to vector<16xi32>
      %parallel_loop3A_337 = arith.constant 8 : i32
      %parallel_loop3A_338 = arith.muli %parallel_loop3A_308, %parallel_loop3A_337 : i32
      %parallel_loop3A_339 = arith.constant 2 : i32
      %parallel_loop3A_340 = arith.addi %parallel_loop3A_338, %parallel_loop3A_339 : i32
      %parallel_loop3A_341 = vector.broadcast %parallel_loop3A_340 : i32 to vector<16xi32>
      %parallel_loop3A_342 = arith.addi %parallel_loop3A_336, %parallel_loop3A_341 : vector<16xi32>
      %parallel_loop3A_343 = tpu.vector_load_idx %arg13[%iota3A, %parallel_loop3A_342] : memref<32x1000xf32, #tpu.memory_space<vmem>>[vector<16xi32>, vector<16xi32>], vector<16xf32>,
      %parallel_loop3A_344 = arith.constant 16 : i32
      %parallel_loop3A_345 = vector.broadcast %parallel_loop3A_344 : i32 to vector<16xi32>
      %parallel_loop3A_346 = arith.addi %iota3A, %parallel_loop3A_345 : vector<16xi32>
      %parallel_loop3A_347 = tpu.vector_load_idx %arg13[%parallel_loop3A_346, %parallel_loop3A_342] : memref<32x1000xf32, #tpu.memory_space<vmem>>[vector<16xi32>, vector<16xi32>], vector<16xf32>,
      %parallel_loop3A_348 = arith.constant 0 : i32
      %parallel_loop3A_349 = vector.broadcast %parallel_loop3A_348 : i32 to vector<16xi32>
      %parallel_loop3A_350 = arith.constant 8 : i32
      %parallel_loop3A_351 = arith.muli %parallel_loop3A_308, %parallel_loop3A_350 : i32
      %parallel_loop3A_352 = arith.constant 3 : i32
      %parallel_loop3A_353 = arith.addi %parallel_loop3A_351, %parallel_loop3A_352 : i32
      %parallel_loop3A_354 = vector.broadcast %parallel_loop3A_353 : i32 to vector<16xi32>
      %parallel_loop3A_355 = arith.addi %parallel_loop3A_349, %parallel_loop3A_354 : vector<16xi32>
      %parallel_loop3A_356 = tpu.vector_load_idx %arg13[%iota3A, %parallel_loop3A_355] : memref<32x1000xf32, #tpu.memory_space<vmem>>[vector<16xi32>, vector<16xi32>], vector<16xf32>,
      %parallel_loop3A_357 = arith.constant 16 : i32
      %parallel_loop3A_358 = vector.broadcast %parallel_loop3A_357 : i32 to vector<16xi32>
      %parallel_loop3A_359 = arith.addi %iota3A, %parallel_loop3A_358 : vector<16xi32>
      %parallel_loop3A_360 = tpu.vector_load_idx %arg13[%parallel_loop3A_359, %parallel_loop3A_355] : memref<32x1000xf32, #tpu.memory_space<vmem>>[vector<16xi32>, vector<16xi32>], vector<16xf32>,
      %parallel_loop3A_361 = arith.constant 0 : i32
      %parallel_loop3A_362 = vector.broadcast %parallel_loop3A_361 : i32 to vector<16xi32>
      %parallel_loop3A_363 = arith.constant 8 : i32
      %parallel_loop3A_364 = arith.muli %parallel_loop3A_308, %parallel_loop3A_363 : i32
      %parallel_loop3A_365 = arith.constant 4 : i32
      %parallel_loop3A_366 = arith.addi %parallel_loop3A_364, %parallel_loop3A_365 : i32
      %parallel_loop3A_367 = vector.broadcast %parallel_loop3A_366 : i32 to vector<16xi32>
      %parallel_loop3A_368 = arith.addi %parallel_loop3A_362, %parallel_loop3A_367 : vector<16xi32>
      %parallel_loop3A_369 = tpu.vector_load_idx %arg13[%iota3A, %parallel_loop3A_368] : memref<32x1000xf32, #tpu.memory_space<vmem>>[vector<16xi32>, vector<16xi32>], vector<16xf32>,
      %parallel_loop3A_370 = arith.constant 16 : i32
      %parallel_loop3A_371 = vector.broadcast %parallel_loop3A_370 : i32 to vector<16xi32>
      %parallel_loop3A_372 = arith.addi %iota3A, %parallel_loop3A_371 : vector<16xi32>
      %parallel_loop3A_373 = tpu.vector_load_idx %arg13[%parallel_loop3A_372, %parallel_loop3A_368] : memref<32x1000xf32, #tpu.memory_space<vmem>>[vector<16xi32>, vector<16xi32>], vector<16xf32>,
      %parallel_loop3A_374 = arith.constant 0 : i32
      %parallel_loop3A_375 = vector.broadcast %parallel_loop3A_374 : i32 to vector<16xi32>
      %parallel_loop3A_376 = arith.constant 8 : i32
      %parallel_loop3A_377 = arith.muli %parallel_loop3A_308, %parallel_loop3A_376 : i32
      %parallel_loop3A_378 = arith.constant 5 : i32
      %parallel_loop3A_379 = arith.addi %parallel_loop3A_377, %parallel_loop3A_378 : i32
      %parallel_loop3A_380 = vector.broadcast %parallel_loop3A_379 : i32 to vector<16xi32>
      %parallel_loop3A_381 = arith.addi %parallel_loop3A_375, %parallel_loop3A_380 : vector<16xi32>
      %parallel_loop3A_382 = tpu.vector_load_idx %arg13[%iota3A, %parallel_loop3A_381] : memref<32x1000xf32, #tpu.memory_space<vmem>>[vector<16xi32>, vector<16xi32>], vector<16xf32>,
      %parallel_loop3A_383 = arith.constant 16 : i32
      %parallel_loop3A_384 = vector.broadcast %parallel_loop3A_383 : i32 to vector<16xi32>
      %parallel_loop3A_385 = arith.addi %iota3A, %parallel_loop3A_384 : vector<16xi32>
      %parallel_loop3A_386 = tpu.vector_load_idx %arg13[%parallel_loop3A_385, %parallel_loop3A_381] : memref<32x1000xf32, #tpu.memory_space<vmem>>[vector<16xi32>, vector<16xi32>], vector<16xf32>,
      %parallel_loop3A_387 = arith.constant 0 : i32
      %parallel_loop3A_388 = vector.broadcast %parallel_loop3A_387 : i32 to vector<16xi32>
      %parallel_loop3A_389 = arith.constant 8 : i32
      %parallel_loop3A_390 = arith.muli %parallel_loop3A_308, %parallel_loop3A_389 : i32
      %parallel_loop3A_391 = arith.constant 6 : i32
      %parallel_loop3A_392 = arith.addi %parallel_loop3A_390, %parallel_loop3A_391 : i32
      %parallel_loop3A_393 = vector.broadcast %parallel_loop3A_392 : i32 to vector<16xi32>
      %parallel_loop3A_394 = arith.addi %parallel_loop3A_388, %parallel_loop3A_393 : vector<16xi32>
      %parallel_loop3A_395 = tpu.vector_load_idx %arg13[%iota3A, %parallel_loop3A_394] : memref<32x1000xf32, #tpu.memory_space<vmem>>[vector<16xi32>, vector<16xi32>], vector<16xf32>,
      %parallel_loop3A_396 = arith.constant 16 : i32
      %parallel_loop3A_397 = vector.broadcast %parallel_loop3A_396 : i32 to vector<16xi32>
      %parallel_loop3A_398 = arith.addi %iota3A, %parallel_loop3A_397 : vector<16xi32>
      %parallel_loop3A_399 = tpu.vector_load_idx %arg13[%parallel_loop3A_398, %parallel_loop3A_394] : memref<32x1000xf32, #tpu.memory_space<vmem>>[vector<16xi32>, vector<16xi32>], vector<16xf32>,
      %parallel_loop3A_400 = arith.constant 0 : i32
      %parallel_loop3A_401 = vector.broadcast %parallel_loop3A_400 : i32 to vector<16xi32>
      %parallel_loop3A_402 = arith.constant 8 : i32
      %parallel_loop3A_403 = arith.muli %parallel_loop3A_308, %parallel_loop3A_402 : i32
      %parallel_loop3A_404 = arith.constant 7 : i32
      %parallel_loop3A_405 = arith.addi %parallel_loop3A_403, %parallel_loop3A_404 : i32
      %parallel_loop3A_406 = vector.broadcast %parallel_loop3A_405 : i32 to vector<16xi32>
      %parallel_loop3A_407 = arith.addi %parallel_loop3A_401, %parallel_loop3A_406 : vector<16xi32>
      %parallel_loop3A_408 = tpu.vector_load_idx %arg13[%iota3A, %parallel_loop3A_407] : memref<32x1000xf32, #tpu.memory_space<vmem>>[vector<16xi32>, vector<16xi32>], vector<16xf32>,
      %parallel_loop3A_409 = arith.constant 16 : i32
      %parallel_loop3A_410 = vector.broadcast %parallel_loop3A_409 : i32 to vector<16xi32>
      %parallel_loop3A_411 = arith.addi %iota3A, %parallel_loop3A_410 : vector<16xi32>
      %parallel_loop3A_412 = tpu.vector_load_idx %arg13[%parallel_loop3A_411, %parallel_loop3A_407] : memref<32x1000xf32, #tpu.memory_space<vmem>>[vector<16xi32>, vector<16xi32>], vector<16xf32>,
      %parallel_loop3A_413 = arith.constant 0 : i32
      %parallel_loop3A_414 = arith.index_cast %parallel_loop3A_308 : i32 to index
      %parallel_loop3A_415 = arith.index_cast %parallel_loop3A_413 : i32 to index
      %parallel_loop3A_416 = arith.constant 0 : index
      %parallel_loop3A_417 = tpu.vector_load %arg15[%parallel_loop3A_414, %parallel_loop3A_415, %parallel_loop3A_416] {strides = array<i32>} : memref<125x8x32xf32, #tpu.memory_space<vmem>>, vector<16xf32>,
      tpu.vector_store %arg15[%parallel_loop3A_414, %parallel_loop3A_415, %parallel_loop3A_416], %parallel_loop3A_317 {strides = array<i32>} : memref<125x8x32xf32, #tpu.memory_space<vmem>>, vector<16xf32>,
      %parallel_loop3A_418 = arith.constant 0 : i32
      %parallel_loop3A_419 = arith.index_cast %parallel_loop3A_308 : i32 to index
      %parallel_loop3A_420 = arith.index_cast %parallel_loop3A_418 : i32 to index
      %parallel_loop3A_421 = arith.constant 16 : index
      %parallel_loop3A_422 = tpu.vector_load %arg15[%parallel_loop3A_419, %parallel_loop3A_420, %parallel_loop3A_421] {strides = array<i32>} : memref<125x8x32xf32, #tpu.memory_space<vmem>>, vector<16xf32>,
      tpu.vector_store %arg15[%parallel_loop3A_419, %parallel_loop3A_420, %parallel_loop3A_421], %parallel_loop3A_321 {strides = array<i32>} : memref<125x8x32xf32, #tpu.memory_space<vmem>>, vector<16xf32>,
      %parallel_loop3A_423 = arith.constant 1 : i32
      %parallel_loop3A_424 = arith.index_cast %parallel_loop3A_308 : i32 to index
      %parallel_loop3A_425 = arith.index_cast %parallel_loop3A_423 : i32 to index
      %parallel_loop3A_426 = arith.constant 0 : index
      %parallel_loop3A_427 = tpu.vector_load %arg15[%parallel_loop3A_424, %parallel_loop3A_425, %parallel_loop3A_426] {strides = array<i32>} : memref<125x8x32xf32, #tpu.memory_space<vmem>>, vector<16xf32>,
      tpu.vector_store %arg15[%parallel_loop3A_424, %parallel_loop3A_425, %parallel_loop3A_426], %parallel_loop3A_330 {strides = array<i32>} : memref<125x8x32xf32, #tpu.memory_space<vmem>>, vector<16xf32>,
      %parallel_loop3A_428 = arith.constant 1 : i32
      %parallel_loop3A_429 = arith.index_cast %parallel_loop3A_308 : i32 to index
      %parallel_loop3A_430 = arith.index_cast %parallel_loop3A_428 : i32 to index
      %parallel_loop3A_431 = arith.constant 16 : index
      %parallel_loop3A_432 = tpu.vector_load %arg15[%parallel_loop3A_429, %parallel_loop3A_430, %parallel_loop3A_431] {strides = array<i32>} : memref<125x8x32xf32, #tpu.memory_space<vmem>>, vector<16xf32>,
      tpu.vector_store %arg15[%parallel_loop3A_429, %parallel_loop3A_430, %parallel_loop3A_431], %parallel_loop3A_334 {strides = array<i32>} : memref<125x8x32xf32, #tpu.memory_space<vmem>>, vector<16xf32>,
      %parallel_loop3A_433 = arith.constant 2 : i32
      %parallel_loop3A_434 = arith.index_cast %parallel_loop3A_308 : i32 to index
      %parallel_loop3A_435 = arith.index_cast %parallel_loop3A_433 : i32 to index
      %parallel_loop3A_436 = arith.constant 0 : index
      %parallel_loop3A_437 = tpu.vector_load %arg15[%parallel_loop3A_434, %parallel_loop3A_435, %parallel_loop3A_436] {strides = array<i32>} : memref<125x8x32xf32, #tpu.memory_space<vmem>>, vector<16xf32>,
      tpu.vector_store %arg15[%parallel_loop3A_434, %parallel_loop3A_435, %parallel_loop3A_436], %parallel_loop3A_343 {strides = array<i32>} : memref<125x8x32xf32, #tpu.memory_space<vmem>>, vector<16xf32>,
      %parallel_loop3A_438 = arith.constant 2 : i32
      %parallel_loop3A_439 = arith.index_cast %parallel_loop3A_308 : i32 to index
      %parallel_loop3A_440 = arith.index_cast %parallel_loop3A_438 : i32 to index
      %parallel_loop3A_441 = arith.constant 16 : index
      %parallel_loop3A_442 = tpu.vector_load %arg15[%parallel_loop3A_439, %parallel_loop3A_440, %parallel_loop3A_441] {strides = array<i32>} : memref<125x8x32xf32, #tpu.memory_space<vmem>>, vector<16xf32>,
      tpu.vector_store %arg15[%parallel_loop3A_439, %parallel_loop3A_440, %parallel_loop3A_441], %parallel_loop3A_347 {strides = array<i32>} : memref<125x8x32xf32, #tpu.memory_space<vmem>>, vector<16xf32>,
      %parallel_loop3A_443 = arith.constant 3 : i32
      %parallel_loop3A_444 = arith.index_cast %parallel_loop3A_308 : i32 to index
      %parallel_loop3A_445 = arith.index_cast %parallel_loop3A_443 : i32 to index
      %parallel_loop3A_446 = arith.constant 0 : index
      %parallel_loop3A_447 = tpu.vector_load %arg15[%parallel_loop3A_444, %parallel_loop3A_445, %parallel_loop3A_446] {strides = array<i32>} : memref<125x8x32xf32, #tpu.memory_space<vmem>>, vector<16xf32>,
      tpu.vector_store %arg15[%parallel_loop3A_444, %parallel_loop3A_445, %parallel_loop3A_446], %parallel_loop3A_356 {strides = array<i32>} : memref<125x8x32xf32, #tpu.memory_space<vmem>>, vector<16xf32>,
      %parallel_loop3A_448 = arith.constant 3 : i32
      %parallel_loop3A_449 = arith.index_cast %parallel_loop3A_308 : i32 to index
      %parallel_loop3A_450 = arith.index_cast %parallel_loop3A_448 : i32 to index
      %parallel_loop3A_451 = arith.constant 16 : index
      %parallel_loop3A_452 = tpu.vector_load %arg15[%parallel_loop3A_449, %parallel_loop3A_450, %parallel_loop3A_451] {strides = array<i32>} : memref<125x8x32xf32, #tpu.memory_space<vmem>>, vector<16xf32>,
      tpu.vector_store %arg15[%parallel_loop3A_449, %parallel_loop3A_450, %parallel_loop3A_451], %parallel_loop3A_360 {strides = array<i32>} : memref<125x8x32xf32, #tpu.memory_space<vmem>>, vector<16xf32>,
      %parallel_loop3A_453 = arith.constant 4 : i32
      %parallel_loop3A_454 = arith.index_cast %parallel_loop3A_308 : i32 to index
      %parallel_loop3A_455 = arith.index_cast %parallel_loop3A_453 : i32 to index
      %parallel_loop3A_456 = arith.constant 0 : index
      %parallel_loop3A_457 = tpu.vector_load %arg15[%parallel_loop3A_454, %parallel_loop3A_455, %parallel_loop3A_456] {strides = array<i32>} : memref<125x8x32xf32, #tpu.memory_space<vmem>>, vector<16xf32>,
      tpu.vector_store %arg15[%parallel_loop3A_454, %parallel_loop3A_455, %parallel_loop3A_456], %parallel_loop3A_369 {strides = array<i32>} : memref<125x8x32xf32, #tpu.memory_space<vmem>>, vector<16xf32>,
      %parallel_loop3A_458 = arith.constant 4 : i32
      %parallel_loop3A_459 = arith.index_cast %parallel_loop3A_308 : i32 to index
      %parallel_loop3A_460 = arith.index_cast %parallel_loop3A_458 : i32 to index
      %parallel_loop3A_461 = arith.constant 16 : index
      %parallel_loop3A_462 = tpu.vector_load %arg15[%parallel_loop3A_459, %parallel_loop3A_460, %parallel_loop3A_461] {strides = array<i32>} : memref<125x8x32xf32, #tpu.memory_space<vmem>>, vector<16xf32>,
      tpu.vector_store %arg15[%parallel_loop3A_459, %parallel_loop3A_460, %parallel_loop3A_461], %parallel_loop3A_373 {strides = array<i32>} : memref<125x8x32xf32, #tpu.memory_space<vmem>>, vector<16xf32>,
      %parallel_loop3A_463 = arith.constant 5 : i32
      %parallel_loop3A_464 = arith.index_cast %parallel_loop3A_308 : i32 to index
      %parallel_loop3A_465 = arith.index_cast %parallel_loop3A_463 : i32 to index
      %parallel_loop3A_466 = arith.constant 0 : index
      %parallel_loop3A_467 = tpu.vector_load %arg15[%parallel_loop3A_464, %parallel_loop3A_465, %parallel_loop3A_466] {strides = array<i32>} : memref<125x8x32xf32, #tpu.memory_space<vmem>>, vector<16xf32>,
      tpu.vector_store %arg15[%parallel_loop3A_464, %parallel_loop3A_465, %parallel_loop3A_466], %parallel_loop3A_382 {strides = array<i32>} : memref<125x8x32xf32, #tpu.memory_space<vmem>>, vector<16xf32>,
      %parallel_loop3A_468 = arith.constant 5 : i32
      %parallel_loop3A_469 = arith.index_cast %parallel_loop3A_308 : i32 to index
      %parallel_loop3A_470 = arith.index_cast %parallel_loop3A_468 : i32 to index
      %parallel_loop3A_471 = arith.constant 16 : index
      %parallel_loop3A_472 = tpu.vector_load %arg15[%parallel_loop3A_469, %parallel_loop3A_470, %parallel_loop3A_471] {strides = array<i32>} : memref<125x8x32xf32, #tpu.memory_space<vmem>>, vector<16xf32>,
      tpu.vector_store %arg15[%parallel_loop3A_469, %parallel_loop3A_470, %parallel_loop3A_471], %parallel_loop3A_386 {strides = array<i32>} : memref<125x8x32xf32, #tpu.memory_space<vmem>>, vector<16xf32>,
      %parallel_loop3A_473 = arith.constant 6 : i32
      %parallel_loop3A_474 = arith.index_cast %parallel_loop3A_308 : i32 to index
      %parallel_loop3A_475 = arith.index_cast %parallel_loop3A_473 : i32 to index
      %parallel_loop3A_476 = arith.constant 0 : index
      %parallel_loop3A_477 = tpu.vector_load %arg15[%parallel_loop3A_474, %parallel_loop3A_475, %parallel_loop3A_476] {strides = array<i32>} : memref<125x8x32xf32, #tpu.memory_space<vmem>>, vector<16xf32>,
      tpu.vector_store %arg15[%parallel_loop3A_474, %parallel_loop3A_475, %parallel_loop3A_476], %parallel_loop3A_395 {strides = array<i32>} : memref<125x8x32xf32, #tpu.memory_space<vmem>>, vector<16xf32>,
      %parallel_loop3A_478 = arith.constant 6 : i32
      %parallel_loop3A_479 = arith.index_cast %parallel_loop3A_308 : i32 to index
      %parallel_loop3A_480 = arith.index_cast %parallel_loop3A_478 : i32 to index
      %parallel_loop3A_481 = arith.constant 16 : index
      %parallel_loop3A_482 = tpu.vector_load %arg15[%parallel_loop3A_479, %parallel_loop3A_480, %parallel_loop3A_481] {strides = array<i32>} : memref<125x8x32xf32, #tpu.memory_space<vmem>>, vector<16xf32>,
      tpu.vector_store %arg15[%parallel_loop3A_479, %parallel_loop3A_480, %parallel_loop3A_481], %parallel_loop3A_399 {strides = array<i32>} : memref<125x8x32xf32, #tpu.memory_space<vmem>>, vector<16xf32>,
      %parallel_loop3A_483 = arith.constant 7 : i32
      %parallel_loop3A_484 = arith.index_cast %parallel_loop3A_308 : i32 to index
      %parallel_loop3A_485 = arith.index_cast %parallel_loop3A_483 : i32 to index
      %parallel_loop3A_486 = arith.constant 0 : index
      %parallel_loop3A_487 = tpu.vector_load %arg15[%parallel_loop3A_484, %parallel_loop3A_485, %parallel_loop3A_486] {strides = array<i32>} : memref<125x8x32xf32, #tpu.memory_space<vmem>>, vector<16xf32>,
      tpu.vector_store %arg15[%parallel_loop3A_484, %parallel_loop3A_485, %parallel_loop3A_486], %parallel_loop3A_408 {strides = array<i32>} : memref<125x8x32xf32, #tpu.memory_space<vmem>>, vector<16xf32>,
      %parallel_loop3A_488 = arith.constant 7 : i32
      %parallel_loop3A_489 = arith.index_cast %parallel_loop3A_308 : i32 to index
      %parallel_loop3A_490 = arith.index_cast %parallel_loop3A_488 : i32 to index
      %parallel_loop3A_491 = arith.constant 16 : index
      %parallel_loop3A_492 = tpu.vector_load %arg15[%parallel_loop3A_489, %parallel_loop3A_490, %parallel_loop3A_491] {strides = array<i32>} : memref<125x8x32xf32, #tpu.memory_space<vmem>>, vector<16xf32>,
      tpu.vector_store %arg15[%parallel_loop3A_489, %parallel_loop3A_490, %parallel_loop3A_491], %parallel_loop3A_412 {strides = array<i32>} : memref<125x8x32xf32, #tpu.memory_space<vmem>>, vector<16xf32>,
    } {sc.loop_unroll_factor = 2 : i64, sc.parallel_access}
    %dma_start3A_227 = arith.constant 48 : i32
    %dma_start3A_228 = arith.constant 0 : i32
    %dma_start3A_229 = arith.constant 0 : i32
    %dma_start3A_230 = tpu.memref_slice %arg6[%dma_start3A_227, %dma_start3A_228, %select_n3A, %dma_start3A_229, %mul3A_32] : memref<50x125x8x8x128xf32, #tpu.memory_space<hbm>> -> memref<1x125x1x8x32xf32, #tpu.memory_space<hbm>>
    %dma_start3A_231 = tpu.memref_squeeze %dma_start3A_230 : memref<1x125x1x8x32xf32, #tpu.memory_space<hbm>> -> memref<125x8x32xf32, #tpu.memory_space<hbm>>
    %dma_start3A_232 = arith.constant 0 : i32
    %dma_start3A_233 = arith.constant 0 : i32
    %dma_start3A_234 = tpu.memref_slice %arg6[%dma_start3A_227, %dma_start3A_232, %select_n3A, %dma_start3A_233, %mul3A_32] : memref<50x125x8x8x128xf32, #tpu.memory_space<hbm>> -> memref<1x125x1x8x32xf32, #tpu.memory_space<hbm>>
    %dma_start3A_235 = tpu.memref_squeeze %dma_start3A_234 : memref<1x125x1x8x32xf32, #tpu.memory_space<hbm>> -> memref<125x8x32xf32, #tpu.memory_space<hbm>>
    tpu.enqueue_dma source(%arg15 : memref<125x8x32xf32, #tpu.memory_space<vmem>>) target(%dma_start3A_235 : memref<125x8x32xf32, #tpu.memory_space<hbm>>) target_semaphore(%arg20 : memref<!tpu.dma_semaphore, #tpu.memory_space<semaphore_mem>>)
    %dma_wait3A_236 = arith.constant 0 : i32
    %dma_wait3A_237 = arith.constant 0 : i32
    %dma_wait3A_238 = tpu.memref_slice %arg2[%dma_wait3A_236, %dma_wait3A_237] : memref<1000x1000xf32, #tpu.memory_space<hbm>> -> memref<1000x1000xf32, #tpu.memory_space<hbm>>
    tpu.wait_indirect_dma semaphore(%arg19 : memref<!tpu.dma_semaphore, #tpu.memory_space<semaphore_mem>>) src(%dma_wait3A_238 : memref<1000x1000xf32, #tpu.memory_space<hbm>>) dst(%arg14 : memref<32x1000xf32, #tpu.memory_space<vmem>>)
    %get3A_239 = arith.constant 0 : index
    %get3A_240 = tpu.vector_load %arg9[%get3A_239] {strides = array<i32>} : memref<32xi32, #tpu.memory_space<vmem>>, vector<16xi32>,
    %get3A_241 = arith.constant 0 : index
    %get3A_242 = tpu.vector_load %arg11[%get3A_241] {strides = array<i32>} : memref<32xi32, #tpu.memory_space<vmem>>, vector<16xi32>,
    %add3A_243 = arith.constant 0 : i32
    %add3A_244 = vector.broadcast %add3A_243 : i32 to vector<16xi32>
    %add3A_245 = arith.addi %iota3A, %add3A_244 : vector<16xi32>
    %gather3A_246 = tpu.vector_load_idx %arg14[%add3A_245, %get3A_242] : memref<32x1000xf32, #tpu.memory_space<vmem>>[vector<16xi32>, vector<16xi32>], vector<16xf32>,
    %gather3A_247 = tpu.vector_load_idx %arg12[%get3A_240] : memref<1000xf32, #tpu.memory_space<vmem>>[vector<16xi32>], vector<16xf32>,
    %get3A_248 = arith.constant 0 : index
    %get3A_249 = tpu.vector_load %arg17[%get3A_248] {strides = array<i32>} : memref<16xf32, #tpu.memory_space<vmem>>, vector<16xf32>,
    %sub3A_250 = arith.subf %gather3A_247, %gather3A_246 : vector<16xf32>
    %add3A_251 = arith.addf %get3A_249, %sub3A_250 : vector<16xf32>
    %swap3A_252 = arith.constant 0 : index
    %swap3A_253 = tpu.vector_load %arg17[%swap3A_252] {strides = array<i32>} : memref<16xf32, #tpu.memory_space<vmem>>, vector<16xf32>,
    tpu.vector_store %arg17[%swap3A_252], %add3A_251 {strides = array<i32>} : memref<16xf32, #tpu.memory_space<vmem>>, vector<16xf32>,
    %get3A_254 = arith.constant 16 : index
    %get3A_255 = tpu.vector_load %arg9[%get3A_254] {strides = array<i32>} : memref<32xi32, #tpu.memory_space<vmem>>, vector<16xi32>,
    %get3A_256 = arith.constant 16 : index
    %get3A_257 = tpu.vector_load %arg11[%get3A_256] {strides = array<i32>} : memref<32xi32, #tpu.memory_space<vmem>>, vector<16xi32>,
    %add3A_258 = arith.constant 16 : i32
    %add3A_259 = vector.broadcast %add3A_258 : i32 to vector<16xi32>
    %add3A_260 = arith.addi %iota3A, %add3A_259 : vector<16xi32>
    %gather3A_261 = tpu.vector_load_idx %arg14[%add3A_260, %get3A_257] : memref<32x1000xf32, #tpu.memory_space<vmem>>[vector<16xi32>, vector<16xi32>], vector<16xf32>,
    %gather3A_262 = tpu.vector_load_idx %arg12[%get3A_255] : memref<1000xf32, #tpu.memory_space<vmem>>[vector<16xi32>], vector<16xf32>,
    %get3A_263 = arith.constant 0 : index
    %get3A_264 = tpu.vector_load %arg17[%get3A_263] {strides = array<i32>} : memref<16xf32, #tpu.memory_space<vmem>>, vector<16xf32>,
    %sub3A_265 = arith.subf %gather3A_262, %gather3A_261 : vector<16xf32>
    %add3A_266 = arith.addf %get3A_264, %sub3A_265 : vector<16xf32>
    %swap3A_267 = arith.constant 0 : index
    %swap3A_268 = tpu.vector_load %arg17[%swap3A_267] {strides = array<i32>} : memref<16xf32, #tpu.memory_space<vmem>>, vector<16xf32>,
    tpu.vector_store %arg17[%swap3A_267], %add3A_266 {strides = array<i32>} : memref<16xf32, #tpu.memory_space<vmem>>, vector<16xf32>,
    %dma_wait3A_269 = arith.constant 49 : i32
    %dma_wait3A_270 = arith.constant 0 : i32
    %dma_wait3A_271 = arith.constant 0 : i32
    %dma_wait3A_272 = tpu.memref_slice %arg6[%dma_wait3A_269, %dma_wait3A_270, %select_n3A, %dma_wait3A_271, %mul3A_32] : memref<50x125x8x8x128xf32, #tpu.memory_space<hbm>> -> memref<1x125x1x8x32xf32, #tpu.memory_space<hbm>>
    %dma_wait3A_273 = tpu.memref_squeeze %dma_wait3A_272 : memref<1x125x1x8x32xf32, #tpu.memory_space<hbm>> -> memref<125x8x32xf32, #tpu.memory_space<hbm>>
    %dma_wait3A_274 = arith.constant 0 : i32
    %dma_wait3A_275 = arith.constant 0 : i32
    %dma_wait3A_276 = tpu.memref_slice %arg6[%dma_wait3A_269, %dma_wait3A_274, %select_n3A, %dma_wait3A_275, %mul3A_32] : memref<50x125x8x8x128xf32, #tpu.memory_space<hbm>> -> memref<1x125x1x8x32xf32, #tpu.memory_space<hbm>>
    %dma_wait3A_277 = tpu.memref_squeeze %dma_wait3A_276 : memref<1x125x1x8x32xf32, #tpu.memory_space<hbm>> -> memref<125x8x32xf32, #tpu.memory_space<hbm>>
    tpu.wait_dma2 semaphore(%arg21 : memref<!tpu.dma_semaphore, #tpu.memory_space<semaphore_mem>>) src(%arg16 : memref<125x8x32xf32, #tpu.memory_space<vmem>>) dst(%dma_wait3A_277 : memref<125x8x32xf32, #tpu.memory_space<hbm>>)
    %parallel_loop3A_278 = arith.constant 0 : i32
    %parallel_loop3A_279 = arith.constant 125 : i32
    %parallel_loop3A_280 = arith.constant 1 : i32
    scf.for %parallel_loop3A_308 = %parallel_loop3A_278 to %parallel_loop3A_279 step %parallel_loop3A_280  : i32 {
      %parallel_loop3A_309 = arith.constant 0 : i32
      %parallel_loop3A_310 = vector.broadcast %parallel_loop3A_309 : i32 to vector<16xi32>
      %parallel_loop3A_311 = arith.constant 8 : i32
      %parallel_loop3A_312 = arith.muli %parallel_loop3A_308, %parallel_loop3A_311 : i32
      %parallel_loop3A_313 = arith.constant 0 : i32
      %parallel_loop3A_314 = arith.addi %parallel_loop3A_312, %parallel_loop3A_313 : i32
      %parallel_loop3A_315 = vector.broadcast %parallel_loop3A_314 : i32 to vector<16xi32>
      %parallel_loop3A_316 = arith.addi %parallel_loop3A_310, %parallel_loop3A_315 : vector<16xi32>
      %parallel_loop3A_317 = tpu.vector_load_idx %arg14[%iota3A, %parallel_loop3A_316] : memref<32x1000xf32, #tpu.memory_space<vmem>>[vector<16xi32>, vector<16xi32>], vector<16xf32>,
      %parallel_loop3A_318 = arith.constant 16 : i32
      %parallel_loop3A_319 = vector.broadcast %parallel_loop3A_318 : i32 to vector<16xi32>
      %parallel_loop3A_320 = arith.addi %iota3A, %parallel_loop3A_319 : vector<16xi32>
      %parallel_loop3A_321 = tpu.vector_load_idx %arg14[%parallel_loop3A_320, %parallel_loop3A_316] : memref<32x1000xf32, #tpu.memory_space<vmem>>[vector<16xi32>, vector<16xi32>], vector<16xf32>,
      %parallel_loop3A_322 = arith.constant 0 : i32
      %parallel_loop3A_323 = vector.broadcast %parallel_loop3A_322 : i32 to vector<16xi32>
      %parallel_loop3A_324 = arith.constant 8 : i32
      %parallel_loop3A_325 = arith.muli %parallel_loop3A_308, %parallel_loop3A_324 : i32
      %parallel_loop3A_326 = arith.constant 1 : i32
      %parallel_loop3A_327 = arith.addi %parallel_loop3A_325, %parallel_loop3A_326 : i32
      %parallel_loop3A_328 = vector.broadcast %parallel_loop3A_327 : i32 to vector<16xi32>
      %parallel_loop3A_329 = arith.addi %parallel_loop3A_323, %parallel_loop3A_328 : vector<16xi32>
      %parallel_loop3A_330 = tpu.vector_load_idx %arg14[%iota3A, %parallel_loop3A_329] : memref<32x1000xf32, #tpu.memory_space<vmem>>[vector<16xi32>, vector<16xi32>], vector<16xf32>,
      %parallel_loop3A_331 = arith.constant 16 : i32
      %parallel_loop3A_332 = vector.broadcast %parallel_loop3A_331 : i32 to vector<16xi32>
      %parallel_loop3A_333 = arith.addi %iota3A, %parallel_loop3A_332 : vector<16xi32>
      %parallel_loop3A_334 = tpu.vector_load_idx %arg14[%parallel_loop3A_333, %parallel_loop3A_329] : memref<32x1000xf32, #tpu.memory_space<vmem>>[vector<16xi32>, vector<16xi32>], vector<16xf32>,
      %parallel_loop3A_335 = arith.constant 0 : i32
      %parallel_loop3A_336 = vector.broadcast %parallel_loop3A_335 : i32 to vector<16xi32>
      %parallel_loop3A_337 = arith.constant 8 : i32
      %parallel_loop3A_338 = arith.muli %parallel_loop3A_308, %parallel_loop3A_337 : i32
      %parallel_loop3A_339 = arith.constant 2 : i32
      %parallel_loop3A_340 = arith.addi %parallel_loop3A_338, %parallel_loop3A_339 : i32
      %parallel_loop3A_341 = vector.broadcast %parallel_loop3A_340 : i32 to vector<16xi32>
      %parallel_loop3A_342 = arith.addi %parallel_loop3A_336, %parallel_loop3A_341 : vector<16xi32>
      %parallel_loop3A_343 = tpu.vector_load_idx %arg14[%iota3A, %parallel_loop3A_342] : memref<32x1000xf32, #tpu.memory_space<vmem>>[vector<16xi32>, vector<16xi32>], vector<16xf32>,
      %parallel_loop3A_344 = arith.constant 16 : i32
      %parallel_loop3A_345 = vector.broadcast %parallel_loop3A_344 : i32 to vector<16xi32>
      %parallel_loop3A_346 = arith.addi %iota3A, %parallel_loop3A_345 : vector<16xi32>
      %parallel_loop3A_347 = tpu.vector_load_idx %arg14[%parallel_loop3A_346, %parallel_loop3A_342] : memref<32x1000xf32, #tpu.memory_space<vmem>>[vector<16xi32>, vector<16xi32>], vector<16xf32>,
      %parallel_loop3A_348 = arith.constant 0 : i32
      %parallel_loop3A_349 = vector.broadcast %parallel_loop3A_348 : i32 to vector<16xi32>
      %parallel_loop3A_350 = arith.constant 8 : i32
      %parallel_loop3A_351 = arith.muli %parallel_loop3A_308, %parallel_loop3A_350 : i32
      %parallel_loop3A_352 = arith.constant 3 : i32
      %parallel_loop3A_353 = arith.addi %parallel_loop3A_351, %parallel_loop3A_352 : i32
      %parallel_loop3A_354 = vector.broadcast %parallel_loop3A_353 : i32 to vector<16xi32>
      %parallel_loop3A_355 = arith.addi %parallel_loop3A_349, %parallel_loop3A_354 : vector<16xi32>
      %parallel_loop3A_356 = tpu.vector_load_idx %arg14[%iota3A, %parallel_loop3A_355] : memref<32x1000xf32, #tpu.memory_space<vmem>>[vector<16xi32>, vector<16xi32>], vector<16xf32>,
      %parallel_loop3A_357 = arith.constant 16 : i32
      %parallel_loop3A_358 = vector.broadcast %parallel_loop3A_357 : i32 to vector<16xi32>
      %parallel_loop3A_359 = arith.addi %iota3A, %parallel_loop3A_358 : vector<16xi32>
      %parallel_loop3A_360 = tpu.vector_load_idx %arg14[%parallel_loop3A_359, %parallel_loop3A_355] : memref<32x1000xf32, #tpu.memory_space<vmem>>[vector<16xi32>, vector<16xi32>], vector<16xf32>,
      %parallel_loop3A_361 = arith.constant 0 : i32
      %parallel_loop3A_362 = vector.broadcast %parallel_loop3A_361 : i32 to vector<16xi32>
      %parallel_loop3A_363 = arith.constant 8 : i32
      %parallel_loop3A_364 = arith.muli %parallel_loop3A_308, %parallel_loop3A_363 : i32
      %parallel_loop3A_365 = arith.constant 4 : i32
      %parallel_loop3A_366 = arith.addi %parallel_loop3A_364, %parallel_loop3A_365 : i32
      %parallel_loop3A_367 = vector.broadcast %parallel_loop3A_366 : i32 to vector<16xi32>
      %parallel_loop3A_368 = arith.addi %parallel_loop3A_362, %parallel_loop3A_367 : vector<16xi32>
      %parallel_loop3A_369 = tpu.vector_load_idx %arg14[%iota3A, %parallel_loop3A_368] : memref<32x1000xf32, #tpu.memory_space<vmem>>[vector<16xi32>, vector<16xi32>], vector<16xf32>,
      %parallel_loop3A_370 = arith.constant 16 : i32
      %parallel_loop3A_371 = vector.broadcast %parallel_loop3A_370 : i32 to vector<16xi32>
      %parallel_loop3A_372 = arith.addi %iota3A, %parallel_loop3A_371 : vector<16xi32>
      %parallel_loop3A_373 = tpu.vector_load_idx %arg14[%parallel_loop3A_372, %parallel_loop3A_368] : memref<32x1000xf32, #tpu.memory_space<vmem>>[vector<16xi32>, vector<16xi32>], vector<16xf32>,
      %parallel_loop3A_374 = arith.constant 0 : i32
      %parallel_loop3A_375 = vector.broadcast %parallel_loop3A_374 : i32 to vector<16xi32>
      %parallel_loop3A_376 = arith.constant 8 : i32
      %parallel_loop3A_377 = arith.muli %parallel_loop3A_308, %parallel_loop3A_376 : i32
      %parallel_loop3A_378 = arith.constant 5 : i32
      %parallel_loop3A_379 = arith.addi %parallel_loop3A_377, %parallel_loop3A_378 : i32
      %parallel_loop3A_380 = vector.broadcast %parallel_loop3A_379 : i32 to vector<16xi32>
      %parallel_loop3A_381 = arith.addi %parallel_loop3A_375, %parallel_loop3A_380 : vector<16xi32>
      %parallel_loop3A_382 = tpu.vector_load_idx %arg14[%iota3A, %parallel_loop3A_381] : memref<32x1000xf32, #tpu.memory_space<vmem>>[vector<16xi32>, vector<16xi32>], vector<16xf32>,
      %parallel_loop3A_383 = arith.constant 16 : i32
      %parallel_loop3A_384 = vector.broadcast %parallel_loop3A_383 : i32 to vector<16xi32>
      %parallel_loop3A_385 = arith.addi %iota3A, %parallel_loop3A_384 : vector<16xi32>
      %parallel_loop3A_386 = tpu.vector_load_idx %arg14[%parallel_loop3A_385, %parallel_loop3A_381] : memref<32x1000xf32, #tpu.memory_space<vmem>>[vector<16xi32>, vector<16xi32>], vector<16xf32>,
      %parallel_loop3A_387 = arith.constant 0 : i32
      %parallel_loop3A_388 = vector.broadcast %parallel_loop3A_387 : i32 to vector<16xi32>
      %parallel_loop3A_389 = arith.constant 8 : i32
      %parallel_loop3A_390 = arith.muli %parallel_loop3A_308, %parallel_loop3A_389 : i32
      %parallel_loop3A_391 = arith.constant 6 : i32
      %parallel_loop3A_392 = arith.addi %parallel_loop3A_390, %parallel_loop3A_391 : i32
      %parallel_loop3A_393 = vector.broadcast %parallel_loop3A_392 : i32 to vector<16xi32>
      %parallel_loop3A_394 = arith.addi %parallel_loop3A_388, %parallel_loop3A_393 : vector<16xi32>
      %parallel_loop3A_395 = tpu.vector_load_idx %arg14[%iota3A, %parallel_loop3A_394] : memref<32x1000xf32, #tpu.memory_space<vmem>>[vector<16xi32>, vector<16xi32>], vector<16xf32>,
      %parallel_loop3A_396 = arith.constant 16 : i32
      %parallel_loop3A_397 = vector.broadcast %parallel_loop3A_396 : i32 to vector<16xi32>
      %parallel_loop3A_398 = arith.addi %iota3A, %parallel_loop3A_397 : vector<16xi32>
      %parallel_loop3A_399 = tpu.vector_load_idx %arg14[%parallel_loop3A_398, %parallel_loop3A_394] : memref<32x1000xf32, #tpu.memory_space<vmem>>[vector<16xi32>, vector<16xi32>], vector<16xf32>,
      %parallel_loop3A_400 = arith.constant 0 : i32
      %parallel_loop3A_401 = vector.broadcast %parallel_loop3A_400 : i32 to vector<16xi32>
      %parallel_loop3A_402 = arith.constant 8 : i32
      %parallel_loop3A_403 = arith.muli %parallel_loop3A_308, %parallel_loop3A_402 : i32
      %parallel_loop3A_404 = arith.constant 7 : i32
      %parallel_loop3A_405 = arith.addi %parallel_loop3A_403, %parallel_loop3A_404 : i32
      %parallel_loop3A_406 = vector.broadcast %parallel_loop3A_405 : i32 to vector<16xi32>
      %parallel_loop3A_407 = arith.addi %parallel_loop3A_401, %parallel_loop3A_406 : vector<16xi32>
      %parallel_loop3A_408 = tpu.vector_load_idx %arg14[%iota3A, %parallel_loop3A_407] : memref<32x1000xf32, #tpu.memory_space<vmem>>[vector<16xi32>, vector<16xi32>], vector<16xf32>,
      %parallel_loop3A_409 = arith.constant 16 : i32
      %parallel_loop3A_410 = vector.broadcast %parallel_loop3A_409 : i32 to vector<16xi32>
      %parallel_loop3A_411 = arith.addi %iota3A, %parallel_loop3A_410 : vector<16xi32>
      %parallel_loop3A_412 = tpu.vector_load_idx %arg14[%parallel_loop3A_411, %parallel_loop3A_407] : memref<32x1000xf32, #tpu.memory_space<vmem>>[vector<16xi32>, vector<16xi32>], vector<16xf32>,
      %parallel_loop3A_413 = arith.constant 0 : i32
      %parallel_loop3A_414 = arith.index_cast %parallel_loop3A_308 : i32 to index
      %parallel_loop3A_415 = arith.index_cast %parallel_loop3A_413 : i32 to index
      %parallel_loop3A_416 = arith.constant 0 : index
      %parallel_loop3A_417 = tpu.vector_load %arg16[%parallel_loop3A_414, %parallel_loop3A_415, %parallel_loop3A_416] {strides = array<i32>} : memref<125x8x32xf32, #tpu.memory_space<vmem>>, vector<16xf32>,
      tpu.vector_store %arg16[%parallel_loop3A_414, %parallel_loop3A_415, %parallel_loop3A_416], %parallel_loop3A_317 {strides = array<i32>} : memref<125x8x32xf32, #tpu.memory_space<vmem>>, vector<16xf32>,
      %parallel_loop3A_418 = arith.constant 0 : i32
      %parallel_loop3A_419 = arith.index_cast %parallel_loop3A_308 : i32 to index
      %parallel_loop3A_420 = arith.index_cast %parallel_loop3A_418 : i32 to index
      %parallel_loop3A_421 = arith.constant 16 : index
      %parallel_loop3A_422 = tpu.vector_load %arg16[%parallel_loop3A_419, %parallel_loop3A_420, %parallel_loop3A_421] {strides = array<i32>} : memref<125x8x32xf32, #tpu.memory_space<vmem>>, vector<16xf32>,
      tpu.vector_store %arg16[%parallel_loop3A_419, %parallel_loop3A_420, %parallel_loop3A_421], %parallel_loop3A_321 {strides = array<i32>} : memref<125x8x32xf32, #tpu.memory_space<vmem>>, vector<16xf32>,
      %parallel_loop3A_423 = arith.constant 1 : i32
      %parallel_loop3A_424 = arith.index_cast %parallel_loop3A_308 : i32 to index
      %parallel_loop3A_425 = arith.index_cast %parallel_loop3A_423 : i32 to index
      %parallel_loop3A_426 = arith.constant 0 : index
      %parallel_loop3A_427 = tpu.vector_load %arg16[%parallel_loop3A_424, %parallel_loop3A_425, %parallel_loop3A_426] {strides = array<i32>} : memref<125x8x32xf32, #tpu.memory_space<vmem>>, vector<16xf32>,
      tpu.vector_store %arg16[%parallel_loop3A_424, %parallel_loop3A_425, %parallel_loop3A_426], %parallel_loop3A_330 {strides = array<i32>} : memref<125x8x32xf32, #tpu.memory_space<vmem>>, vector<16xf32>,
      %parallel_loop3A_428 = arith.constant 1 : i32
      %parallel_loop3A_429 = arith.index_cast %parallel_loop3A_308 : i32 to index
      %parallel_loop3A_430 = arith.index_cast %parallel_loop3A_428 : i32 to index
      %parallel_loop3A_431 = arith.constant 16 : index
      %parallel_loop3A_432 = tpu.vector_load %arg16[%parallel_loop3A_429, %parallel_loop3A_430, %parallel_loop3A_431] {strides = array<i32>} : memref<125x8x32xf32, #tpu.memory_space<vmem>>, vector<16xf32>,
      tpu.vector_store %arg16[%parallel_loop3A_429, %parallel_loop3A_430, %parallel_loop3A_431], %parallel_loop3A_334 {strides = array<i32>} : memref<125x8x32xf32, #tpu.memory_space<vmem>>, vector<16xf32>,
      %parallel_loop3A_433 = arith.constant 2 : i32
      %parallel_loop3A_434 = arith.index_cast %parallel_loop3A_308 : i32 to index
      %parallel_loop3A_435 = arith.index_cast %parallel_loop3A_433 : i32 to index
      %parallel_loop3A_436 = arith.constant 0 : index
      %parallel_loop3A_437 = tpu.vector_load %arg16[%parallel_loop3A_434, %parallel_loop3A_435, %parallel_loop3A_436] {strides = array<i32>} : memref<125x8x32xf32, #tpu.memory_space<vmem>>, vector<16xf32>,
      tpu.vector_store %arg16[%parallel_loop3A_434, %parallel_loop3A_435, %parallel_loop3A_436], %parallel_loop3A_343 {strides = array<i32>} : memref<125x8x32xf32, #tpu.memory_space<vmem>>, vector<16xf32>,
      %parallel_loop3A_438 = arith.constant 2 : i32
      %parallel_loop3A_439 = arith.index_cast %parallel_loop3A_308 : i32 to index
      %parallel_loop3A_440 = arith.index_cast %parallel_loop3A_438 : i32 to index
      %parallel_loop3A_441 = arith.constant 16 : index
      %parallel_loop3A_442 = tpu.vector_load %arg16[%parallel_loop3A_439, %parallel_loop3A_440, %parallel_loop3A_441] {strides = array<i32>} : memref<125x8x32xf32, #tpu.memory_space<vmem>>, vector<16xf32>,
      tpu.vector_store %arg16[%parallel_loop3A_439, %parallel_loop3A_440, %parallel_loop3A_441], %parallel_loop3A_347 {strides = array<i32>} : memref<125x8x32xf32, #tpu.memory_space<vmem>>, vector<16xf32>,
      %parallel_loop3A_443 = arith.constant 3 : i32
      %parallel_loop3A_444 = arith.index_cast %parallel_loop3A_308 : i32 to index
      %parallel_loop3A_445 = arith.index_cast %parallel_loop3A_443 : i32 to index
      %parallel_loop3A_446 = arith.constant 0 : index
      %parallel_loop3A_447 = tpu.vector_load %arg16[%parallel_loop3A_444, %parallel_loop3A_445, %parallel_loop3A_446] {strides = array<i32>} : memref<125x8x32xf32, #tpu.memory_space<vmem>>, vector<16xf32>,
      tpu.vector_store %arg16[%parallel_loop3A_444, %parallel_loop3A_445, %parallel_loop3A_446], %parallel_loop3A_356 {strides = array<i32>} : memref<125x8x32xf32, #tpu.memory_space<vmem>>, vector<16xf32>,
      %parallel_loop3A_448 = arith.constant 3 : i32
      %parallel_loop3A_449 = arith.index_cast %parallel_loop3A_308 : i32 to index
      %parallel_loop3A_450 = arith.index_cast %parallel_loop3A_448 : i32 to index
      %parallel_loop3A_451 = arith.constant 16 : index
      %parallel_loop3A_452 = tpu.vector_load %arg16[%parallel_loop3A_449, %parallel_loop3A_450, %parallel_loop3A_451] {strides = array<i32>} : memref<125x8x32xf32, #tpu.memory_space<vmem>>, vector<16xf32>,
      tpu.vector_store %arg16[%parallel_loop3A_449, %parallel_loop3A_450, %parallel_loop3A_451], %parallel_loop3A_360 {strides = array<i32>} : memref<125x8x32xf32, #tpu.memory_space<vmem>>, vector<16xf32>,
      %parallel_loop3A_453 = arith.constant 4 : i32
      %parallel_loop3A_454 = arith.index_cast %parallel_loop3A_308 : i32 to index
      %parallel_loop3A_455 = arith.index_cast %parallel_loop3A_453 : i32 to index
      %parallel_loop3A_456 = arith.constant 0 : index
      %parallel_loop3A_457 = tpu.vector_load %arg16[%parallel_loop3A_454, %parallel_loop3A_455, %parallel_loop3A_456] {strides = array<i32>} : memref<125x8x32xf32, #tpu.memory_space<vmem>>, vector<16xf32>,
      tpu.vector_store %arg16[%parallel_loop3A_454, %parallel_loop3A_455, %parallel_loop3A_456], %parallel_loop3A_369 {strides = array<i32>} : memref<125x8x32xf32, #tpu.memory_space<vmem>>, vector<16xf32>,
      %parallel_loop3A_458 = arith.constant 4 : i32
      %parallel_loop3A_459 = arith.index_cast %parallel_loop3A_308 : i32 to index
      %parallel_loop3A_460 = arith.index_cast %parallel_loop3A_458 : i32 to index
      %parallel_loop3A_461 = arith.constant 16 : index
      %parallel_loop3A_462 = tpu.vector_load %arg16[%parallel_loop3A_459, %parallel_loop3A_460, %parallel_loop3A_461] {strides = array<i32>} : memref<125x8x32xf32, #tpu.memory_space<vmem>>, vector<16xf32>,
      tpu.vector_store %arg16[%parallel_loop3A_459, %parallel_loop3A_460, %parallel_loop3A_461], %parallel_loop3A_373 {strides = array<i32>} : memref<125x8x32xf32, #tpu.memory_space<vmem>>, vector<16xf32>,
      %parallel_loop3A_463 = arith.constant 5 : i32
      %parallel_loop3A_464 = arith.index_cast %parallel_loop3A_308 : i32 to index
      %parallel_loop3A_465 = arith.index_cast %parallel_loop3A_463 : i32 to index
      %parallel_loop3A_466 = arith.constant 0 : index
      %parallel_loop3A_467 = tpu.vector_load %arg16[%parallel_loop3A_464, %parallel_loop3A_465, %parallel_loop3A_466] {strides = array<i32>} : memref<125x8x32xf32, #tpu.memory_space<vmem>>, vector<16xf32>,
      tpu.vector_store %arg16[%parallel_loop3A_464, %parallel_loop3A_465, %parallel_loop3A_466], %parallel_loop3A_382 {strides = array<i32>} : memref<125x8x32xf32, #tpu.memory_space<vmem>>, vector<16xf32>,
      %parallel_loop3A_468 = arith.constant 5 : i32
      %parallel_loop3A_469 = arith.index_cast %parallel_loop3A_308 : i32 to index
      %parallel_loop3A_470 = arith.index_cast %parallel_loop3A_468 : i32 to index
      %parallel_loop3A_471 = arith.constant 16 : index
      %parallel_loop3A_472 = tpu.vector_load %arg16[%parallel_loop3A_469, %parallel_loop3A_470, %parallel_loop3A_471] {strides = array<i32>} : memref<125x8x32xf32, #tpu.memory_space<vmem>>, vector<16xf32>,
      tpu.vector_store %arg16[%parallel_loop3A_469, %parallel_loop3A_470, %parallel_loop3A_471], %parallel_loop3A_386 {strides = array<i32>} : memref<125x8x32xf32, #tpu.memory_space<vmem>>, vector<16xf32>,
      %parallel_loop3A_473 = arith.constant 6 : i32
      %parallel_loop3A_474 = arith.index_cast %parallel_loop3A_308 : i32 to index
      %parallel_loop3A_475 = arith.index_cast %parallel_loop3A_473 : i32 to index
      %parallel_loop3A_476 = arith.constant 0 : index
      %parallel_loop3A_477 = tpu.vector_load %arg16[%parallel_loop3A_474, %parallel_loop3A_475, %parallel_loop3A_476] {strides = array<i32>} : memref<125x8x32xf32, #tpu.memory_space<vmem>>, vector<16xf32>,
      tpu.vector_store %arg16[%parallel_loop3A_474, %parallel_loop3A_475, %parallel_loop3A_476], %parallel_loop3A_395 {strides = array<i32>} : memref<125x8x32xf32, #tpu.memory_space<vmem>>, vector<16xf32>,
      %parallel_loop3A_478 = arith.constant 6 : i32
      %parallel_loop3A_479 = arith.index_cast %parallel_loop3A_308 : i32 to index
      %parallel_loop3A_480 = arith.index_cast %parallel_loop3A_478 : i32 to index
      %parallel_loop3A_481 = arith.constant 16 : index
      %parallel_loop3A_482 = tpu.vector_load %arg16[%parallel_loop3A_479, %parallel_loop3A_480, %parallel_loop3A_481] {strides = array<i32>} : memref<125x8x32xf32, #tpu.memory_space<vmem>>, vector<16xf32>,
      tpu.vector_store %arg16[%parallel_loop3A_479, %parallel_loop3A_480, %parallel_loop3A_481], %parallel_loop3A_399 {strides = array<i32>} : memref<125x8x32xf32, #tpu.memory_space<vmem>>, vector<16xf32>,
      %parallel_loop3A_483 = arith.constant 7 : i32
      %parallel_loop3A_484 = arith.index_cast %parallel_loop3A_308 : i32 to index
      %parallel_loop3A_485 = arith.index_cast %parallel_loop3A_483 : i32 to index
      %parallel_loop3A_486 = arith.constant 0 : index
      %parallel_loop3A_487 = tpu.vector_load %arg16[%parallel_loop3A_484, %parallel_loop3A_485, %parallel_loop3A_486] {strides = array<i32>} : memref<125x8x32xf32, #tpu.memory_space<vmem>>, vector<16xf32>,
      tpu.vector_store %arg16[%parallel_loop3A_484, %parallel_loop3A_485, %parallel_loop3A_486], %parallel_loop3A_408 {strides = array<i32>} : memref<125x8x32xf32, #tpu.memory_space<vmem>>, vector<16xf32>,
      %parallel_loop3A_488 = arith.constant 7 : i32
      %parallel_loop3A_489 = arith.index_cast %parallel_loop3A_308 : i32 to index
      %parallel_loop3A_490 = arith.index_cast %parallel_loop3A_488 : i32 to index
      %parallel_loop3A_491 = arith.constant 16 : index
      %parallel_loop3A_492 = tpu.vector_load %arg16[%parallel_loop3A_489, %parallel_loop3A_490, %parallel_loop3A_491] {strides = array<i32>} : memref<125x8x32xf32, #tpu.memory_space<vmem>>, vector<16xf32>,
      tpu.vector_store %arg16[%parallel_loop3A_489, %parallel_loop3A_490, %parallel_loop3A_491], %parallel_loop3A_412 {strides = array<i32>} : memref<125x8x32xf32, #tpu.memory_space<vmem>>, vector<16xf32>,
    } {sc.loop_unroll_factor = 2 : i64, sc.parallel_access}
    %dma_start3A_281 = arith.constant 49 : i32
    %dma_start3A_282 = arith.constant 0 : i32
    %dma_start3A_283 = arith.constant 0 : i32
    %dma_start3A_284 = tpu.memref_slice %arg6[%dma_start3A_281, %dma_start3A_282, %select_n3A, %dma_start3A_283, %mul3A_32] : memref<50x125x8x8x128xf32, #tpu.memory_space<hbm>> -> memref<1x125x1x8x32xf32, #tpu.memory_space<hbm>>
    %dma_start3A_285 = tpu.memref_squeeze %dma_start3A_284 : memref<1x125x1x8x32xf32, #tpu.memory_space<hbm>> -> memref<125x8x32xf32, #tpu.memory_space<hbm>>
    %dma_start3A_286 = arith.constant 0 : i32
    %dma_start3A_287 = arith.constant 0 : i32
    %dma_start3A_288 = tpu.memref_slice %arg6[%dma_start3A_281, %dma_start3A_286, %select_n3A, %dma_start3A_287, %mul3A_32] : memref<50x125x8x8x128xf32, #tpu.memory_space<hbm>> -> memref<1x125x1x8x32xf32, #tpu.memory_space<hbm>>
    %dma_start3A_289 = tpu.memref_squeeze %dma_start3A_288 : memref<1x125x1x8x32xf32, #tpu.memory_space<hbm>> -> memref<125x8x32xf32, #tpu.memory_space<hbm>>
    tpu.enqueue_dma source(%arg16 : memref<125x8x32xf32, #tpu.memory_space<vmem>>) target(%dma_start3A_289 : memref<125x8x32xf32, #tpu.memory_space<hbm>>) target_semaphore(%arg21 : memref<!tpu.dma_semaphore, #tpu.memory_space<semaphore_mem>>)
    %dma_wait3A_290 = arith.constant 48 : i32
    %dma_wait3A_291 = arith.constant 0 : i32
    %dma_wait3A_292 = arith.constant 0 : i32
    %dma_wait3A_293 = tpu.memref_slice %arg6[%dma_wait3A_290, %dma_wait3A_291, %select_n3A, %dma_wait3A_292, %mul3A_32] : memref<50x125x8x8x128xf32, #tpu.memory_space<hbm>> -> memref<1x125x1x8x32xf32, #tpu.memory_space<hbm>>
    %dma_wait3A_294 = tpu.memref_squeeze %dma_wait3A_293 : memref<1x125x1x8x32xf32, #tpu.memory_space<hbm>> -> memref<125x8x32xf32, #tpu.memory_space<hbm>>
    %dma_wait3A_295 = arith.constant 0 : i32
    %dma_wait3A_296 = arith.constant 0 : i32
    %dma_wait3A_297 = tpu.memref_slice %arg6[%dma_wait3A_290, %dma_wait3A_295, %select_n3A, %dma_wait3A_296, %mul3A_32] : memref<50x125x8x8x128xf32, #tpu.memory_space<hbm>> -> memref<1x125x1x8x32xf32, #tpu.memory_space<hbm>>
    %dma_wait3A_298 = tpu.memref_squeeze %dma_wait3A_297 : memref<1x125x1x8x32xf32, #tpu.memory_space<hbm>> -> memref<125x8x32xf32, #tpu.memory_space<hbm>>
    tpu.wait_dma2 semaphore(%arg20 : memref<!tpu.dma_semaphore, #tpu.memory_space<semaphore_mem>>) src(%arg15 : memref<125x8x32xf32, #tpu.memory_space<vmem>>) dst(%dma_wait3A_298 : memref<125x8x32xf32, #tpu.memory_space<hbm>>)
    %dma_wait3A_299 = arith.constant 49 : i32
    %dma_wait3A_300 = arith.constant 0 : i32
    %dma_wait3A_301 = arith.constant 0 : i32
    %dma_wait3A_302 = tpu.memref_slice %arg6[%dma_wait3A_299, %dma_wait3A_300, %select_n3A, %dma_wait3A_301, %mul3A_32] : memref<50x125x8x8x128xf32, #tpu.memory_space<hbm>> -> memref<1x125x1x8x32xf32, #tpu.memory_space<hbm>>
    %dma_wait3A_303 = tpu.memref_squeeze %dma_wait3A_302 : memref<1x125x1x8x32xf32, #tpu.memory_space<hbm>> -> memref<125x8x32xf32, #tpu.memory_space<hbm>>
    %dma_wait3A_304 = arith.constant 0 : i32
    %dma_wait3A_305 = arith.constant 0 : i32
    %dma_wait3A_306 = tpu.memref_slice %arg6[%dma_wait3A_299, %dma_wait3A_304, %select_n3A, %dma_wait3A_305, %mul3A_32] : memref<50x125x8x8x128xf32, #tpu.memory_space<hbm>> -> memref<1x125x1x8x32xf32, #tpu.memory_space<hbm>>
    %dma_wait3A_307 = tpu.memref_squeeze %dma_wait3A_306 : memref<1x125x1x8x32xf32, #tpu.memory_space<hbm>> -> memref<125x8x32xf32, #tpu.memory_space<hbm>>
    tpu.wait_dma2 semaphore(%arg21 : memref<!tpu.dma_semaphore, #tpu.memory_space<semaphore_mem>>) src(%arg16 : memref<125x8x32xf32, #tpu.memory_space<vmem>>) dst(%dma_wait3A_307 : memref<125x8x32xf32, #tpu.memory_space<hbm>>)
    "tpu.region"() ({
      %run_scoped3A_308 = tpu.sem_alloc : memref<!tpu.dma_semaphore, #tpu.memory_space<semaphore_mem>>
      %dma_start3A_309 = arith.constant 0 : i32
      %dma_start3A_310 = tpu.memref_slice %arg7[%add3A, %dma_start3A_309] : memref<32x16xf32, #tpu.memory_space<hbm>> -> memref<1x16xf32, #tpu.memory_space<hbm>>
      %dma_start3A_311 = tpu.memref_squeeze %dma_start3A_310 : memref<1x16xf32, #tpu.memory_space<hbm>> -> memref<16xf32, #tpu.memory_space<hbm>>
      %dma_start3A_312 = arith.constant 0 : i32
      %dma_start3A_313 = tpu.memref_slice %arg7[%add3A, %dma_start3A_312] : memref<32x16xf32, #tpu.memory_space<hbm>> -> memref<1x16xf32, #tpu.memory_space<hbm>>
      %dma_start3A_314 = tpu.memref_squeeze %dma_start3A_313 : memref<1x16xf32, #tpu.memory_space<hbm>> -> memref<16xf32, #tpu.memory_space<hbm>>
      tpu.enqueue_dma source(%arg17 : memref<16xf32, #tpu.memory_space<vmem>>) target(%dma_start3A_314 : memref<16xf32, #tpu.memory_space<hbm>>) target_semaphore(%run_scoped3A_308 : memref<!tpu.dma_semaphore, #tpu.memory_space<semaphore_mem>>)
      %dma_wait3A_315 = arith.constant 0 : i32
      %dma_wait3A_316 = tpu.memref_slice %arg7[%add3A, %dma_wait3A_315] : memref<32x16xf32, #tpu.memory_space<hbm>> -> memref<1x16xf32, #tpu.memory_space<hbm>>
      %dma_wait3A_317 = tpu.memref_squeeze %dma_wait3A_316 : memref<1x16xf32, #tpu.memory_space<hbm>> -> memref<16xf32, #tpu.memory_space<hbm>>
      %dma_wait3A_318 = arith.constant 0 : i32
      %dma_wait3A_319 = tpu.memref_slice %arg7[%add3A, %dma_wait3A_318] : memref<32x16xf32, #tpu.memory_space<hbm>> -> memref<1x16xf32, #tpu.memory_space<hbm>>
      %dma_wait3A_320 = tpu.memref_squeeze %dma_wait3A_319 : memref<1x16xf32, #tpu.memory_space<hbm>> -> memref<16xf32, #tpu.memory_space<hbm>>
      tpu.wait_dma2 semaphore(%run_scoped3A_308 : memref<!tpu.dma_semaphore, #tpu.memory_space<semaphore_mem>>) src(%arg17 : memref<16xf32, #tpu.memory_space<vmem>>) dst(%dma_wait3A_320 : memref<16xf32, #tpu.memory_space<hbm>>)
      tpu.yield
    }) : () -> ()
    return
  }
}

module attributes {stable_mosaic.version = 14 : i64} {
  func.func @_lse_body(%arg0: memref<1000x1000xf32, #tpu.memory_space<vmem>>, %arg1: memref<1000xf32, #tpu.memory_space<vmem>>) attributes {dimension_semantics = [], scalar_prefetch = 0 : i64, scratch_operands = 0 : i64, tpu.core_type = #tpu.core_type<tc>} {
    %get3A = arith.constant 0 : index
    %get3A_0 = arith.constant 0 : index
    %get3A_1 = vector.load %arg0[%get3A, %get3A_0] : memref<1000x1000xf32, #tpu.memory_space<vmem>>, vector<1000x1000xf32>
    %reduce_max3A = arith.constant dense<0xFF800000> : vector<1000xf32>
    %reduce_max3A_2 = vector.multi_reduction <maximumf>, %get3A_1, %reduce_max3A [1] : vector<1000x1000xf32> to vector<1000xf32>
    %broadcast_in_dim3A = vector.shape_cast %reduce_max3A_2 : vector<1000xf32> to vector<1000x1xf32>
    %sub3A = vector.broadcast %broadcast_in_dim3A : vector<1000x1xf32> to vector<1000x1000xf32>
    %sub3A_3 = arith.subf %get3A_1, %sub3A : vector<1000x1000xf32>
    %exp3A = math.exp %sub3A_3 : vector<1000x1000xf32>
    %reduce_sum3A = arith.constant dense<0.000000e+00> : vector<1000xf32>
    %reduce_sum3A_4 = vector.multi_reduction <add>, %exp3A, %reduce_sum3A [1] : vector<1000x1000xf32> to vector<1000xf32>
    %log3A = math.log %reduce_sum3A_4 : vector<1000xf32>
    %add3A = arith.addf %reduce_max3A_2, %log3A : vector<1000xf32>
    %swap3A = arith.constant 0 : index
    %swap3A_5 = vector.load %arg1[%swap3A] : memref<1000xf32, #tpu.memory_space<vmem>>, vector<1000xf32>
    tpu.vector_store %arg1[%swap3A], %add3A {strides = array<i32>} : memref<1000xf32, #tpu.memory_space<vmem>>, vector<1000xf32>,
    return
  }
}

</mosaic_0001>

<sc_bundles>
// kernel: kernel.4.cloned.1.call-start
scs
__scs_entry_jumppad:
0x0: {  	(pc) =	sbr.rel $0x88, $3  }
0x1: {  	(tag) =	ssettag $0x0;
	lr =	simm.s32 $0x1  }
0x2: {  	[smem:$0x3F9E] =	sst lr;
	_ =	strace $0xD0000000  }
0x3: {  	_ = 	snop  }
0x4: {  	_ = 	snop  }
0x5: {  	_ = 	snop  }
0x6: {  	_ = 	snop  }
0x7: {  	_ = 	snop  }
__scs_overlays_trampoline_lowered:
0x8: {  	[smem:$0x3FAD] =	sst s0  }
0x9: {  	[smem:$0x3FAE] =	sst s1  }
0xa: {  	[smem:$0x3FAF] =	sst s2  }
0xb: {  	[smem:$0x3FB0] =	sst s3  }
0xc: {  	[smem:$0x3FB1] =	sst s4  }
0xd: {  	[smem:$0x3FB2] =	sst s5  }
0xe: {  	[smem:$0x3FB3] =	sst s6  }
0xf: {  	[smem:$0x3FB4] =	sst s7  }
0x10: {  	[smem:$0x3FB5] =	sst s8  }
0x11: {  	[smem:$0x3FB6] =	sst s9;
	s0 =	simm.s32 @!p0 $0x0  }
0x12: {  	s1 =	sld [smem:$0x3F9C];
	s0 =	simm.s32 @p0 $0x1  }
0x13: {  	[smem:$0x3FB7] =	sst s0;
	s0 =	simm.s32 @!p1 $0x0  }
0x14: {  	s2 =	sld [smem:$0x3F9B];
	s0 =	simm.s32 @p1 $0x1  }
0x15: {  	[smem:$0x3FB8] =	sst s0;
	s0 =	simm.s32 @!p2 $0x0  }
0x16: {  	s3 =	sld [smem:$0x3FDB];
	s0 =	simm.s32 @p2 $0x1  }
0x17: {  	s4 =	simm.s32 $0x1BF5;
	[smem:$0x3FBA] =	sst s0  }
0x18: {  	s0 =	sld [smem:$0x3F9D];
	_ =	swait.ge [sflag:s4], $0x0  }
0x19: {  	s7 =	sld [smem:$0x3F9E]  }
0x1a: {  	s8 =	sadd.s32 $0xFFFFE003, lr  }
0x1b: {  	s9 =	sadd.s32 $0xFFFFFEF7, lr;
	s5 =	simm.s32 $0xFFFFFFFF;
	p2 =	slt.u32 s8, $0xFFFFF086  }
0x1c: {  	p1 =	slt.u32 s9, $0xF7A;
	s5 =	simm.s32 @!p2 $0x0  }
0x1d: {  	s5 =	simm.s32 @p1 $0x1;
	p0 =	seq.s32 s7, s2  }
0x1e: {  	s7 =	smul.u32 @!p0 $0xF7A, s2;
	p2 =	seq.s32 @!p0 s5, $0x0  }
0x1f: {  	s9 =	smul.u32 $0xF7A, s1;
	s8 =	simm.s32 @!p0 $0x1BF5;
	p2 =	por !p2, p0  }
0x20: {  	[sflag:s8] =	ssyncset.s32 @!p0 $0xFFFFF086;
	s6 =	sadd.s32 @!p0 s3, s7;
	s7 =	simm.s32 @!p0 $0x108  }
0x21: {  	s3 =	sadd.s32 s3, s9;
	s6 =	sadd.s32 @!p0 $0x88, s6;
	s7 =	simm.s32 @p2 $0x1082  }
0x22: {  	[simem:s7], [sflag:s8] =	dma.local @!p0 [hbm:s6], $0xF7A  }
0x23: {  	s9 =	sor.u32 $0xD0000000, s2;
	s6 =	simm.s32 $0x108;
	_ =	swait.ge @!p0 [sflag:s8], $0x0  }
0x24: {  	s3 =	sadd.s32 $0x88, s3;
	s6 =	simm.s32 @!p1 $0x1082;
	[sflag:s4] =	ssyncset.s32 $0xFFFFF086  }
0x25: {  	[simem:s6], [sflag:s4] =	dma.local [hbm:s3], $0xF7A  }
0x26: {  	[smem:$0x3F9E] =	sst s1;
	(tag) =	ssettag s2;
	_ =	strace s9  }
0x27: {  	s1 =	sld [smem:$0x3FAE]  }
0x28: {  	s2 =	sld [smem:$0x3FAF]  }
0x29: {  	s4 =	sld [smem:$0x3FB1]  }
0x2a: {  	p0 =	seq.s32 s5, $0x0;
	s5 =	sld [smem:$0x3FB2]  }
0x2b: {  	s6 =	sld [smem:$0x3FB3]  }
0x2c: {  	s7 =	sld [smem:$0x3FB4]  }
0x2d: {  	s3 =	simm.s32 $0x108;
	s8 =	sld [smem:$0x3FB5]  }
0x2e: {  	s3 =	simm.s32 @!p0 $0x1082;
	s9 =	sld [smem:$0x3FB6]  }
0x2f: {  	lr =	sadd.s32 s0, s3;
	s0 =	sld [smem:$0x3FAD]  }
0x30: {  	s3 =	sld [smem:$0x3FB0]  }
0x31: {  	[smem:$0x3FB9] =	sst s10  }
0x32: {  	s10 =	sld [smem:$0x3FB7];
	_ =	sdelay $0x3  }
0x33: {  	p0 =	seq.s32 s10, $0x1;
	s10 =	sld [smem:$0x3FB9];
	_ =	sdelay $0x3  }
0x34: {  	[smem:$0x3FB9] =	sst s10  }
0x35: {  	s10 =	sld [smem:$0x3FB8];
	_ =	sdelay $0x3  }
0x36: {  	p1 =	seq.s32 s10, $0x1;
	s10 =	sld [smem:$0x3FB9];
	_ =	sdelay $0x3  }
0x37: {  	[smem:$0x3FB9] =	sst s10  }
0x38: {  	s10 =	sld [smem:$0x3FBA]  }
0x39: {  	_ = 	snop;
	(pc) =	sbr.ind lr, $3  }
0x3a: {  	_ = 	snop  }
0x3b: {  	_ = 	snop  }
0x3c: {  	p2 =	seq.s32 s10, $0x1;
	s10 =	sld [smem:$0x3FB9]  }
0x3d: {  	_ =	shalt  }
0x3e: {  	_ =	shalt  }
0x3f: {  	_ =	shalt  }
0x40: {  	_ =	shalt  }
0x41: {  	_ =	shalt  }
0x42: {  	_ =	shalt  }
0x43: {  	_ =	shalt  }
0x44: {  	_ =	shalt  }
0x45: {  	_ =	shalt  }
0x46: {  	_ =	shalt  }
0x47: {  	_ =	shalt  }
0x48: {  	_ =	shalt  }
0x49: {  	_ =	shalt  }
0x4a: {  	_ =	shalt  }
0x4b: {  	_ =	shalt  }
0x4c: {  	_ =	shalt  }
0x4d: {  	_ =	shalt  }
0x4e: {  	_ =	shalt  }
0x4f: {  	_ =	shalt  }
0x50: {  	_ =	shalt  }
0x51: {  	_ =	shalt  }
0x52: {  	_ =	shalt  }
0x53: {  	_ =	shalt  }
0x54: {  	_ =	shalt  }
0x55: {  	_ =	shalt  }
0x56: {  	_ =	shalt  }
0x57: {  	_ =	shalt  }
0x58: {  	_ =	shalt  }
0x59: {  	_ =	shalt  }
0x5a: {  	_ =	shalt  }
0x5b: {  	_ =	shalt  }
0x5c: {  	_ =	shalt  }
0x5d: {  	_ =	shalt  }
0x5e: {  	_ =	shalt  }
0x5f: {  	_ =	shalt  }
0x60: {  	_ =	shalt  }
0x61: {  	_ =	shalt  }
0x62: {  	_ =	shalt  }
0x63: {  	_ =	shalt  }
0x64: {  	_ =	shalt  }
0x65: {  	_ =	shalt  }
0x66: {  	_ =	shalt  }
0x67: {  	_ =	shalt  }
0x68: {  	_ =	shalt  }
0x69: {  	_ =	shalt  }
0x6a: {  	_ =	shalt  }
0x6b: {  	_ =	shalt  }
0x6c: {  	_ =	shalt  }
0x6d: {  	_ =	shalt  }
0x6e: {  	_ =	shalt  }
0x6f: {  	_ =	shalt  }
0x70: {  	_ =	shalt  }
0x71: {  	_ =	shalt  }
0x72: {  	_ =	shalt  }
0x73: {  	_ =	shalt  }
0x74: {  	_ =	shalt  }
0x75: {  	_ =	shalt  }
0x76: {  	_ =	shalt  }
0x77: {  	_ =	shalt  }
0x78: {  	_ =	shalt  }
0x79: {  	_ =	shalt  }
0x7a: {  	_ =	shalt  }
0x7b: {  	_ =	shalt  }
0x7c: {  	_ =	shalt  }
0x7d: {  	_ =	shalt  }
0x7e: {  	_ =	shalt  }
0x7f: {  	_ =	shalt  }
0x80: {  	_ =	shalt  }
0x81: {  	_ =	shalt  }
0x82: {  	_ =	shalt  }
0x83: {  	_ =	shalt  }
0x84: {  	_ =	shalt  }
0x85: {  	_ =	shalt  }
0x86: {  	_ =	shalt  }
0x87: {  	_ =	shalt  }
.Lfunc_end0:
.L_simem_size_0:
called_computation_lowered:
.L_overlay_start_0:
0x88: {  	s2 =	sld [smem:$0x3FD9]  }
0x89: {  	s3 =	sld [smem:$0x3FFE];
	_ =	sdelay $0x1  }
0x8a: {  	s1 =	srdreg.scid  }
0x8b: {  	s0 =	sand.u32 $0x1, s1  }
0x8c: {  	s14 =	sshll.u32 s0, $0xA;
	s2 =	sadd.s32 s3, s2  }
0x8d: {  	s2 =	sadd.s32 s2, s14  }
0x8e: {  	[smem:$0x3FC5] =	sst s2  }
0x8f: {  	_ = 	snop  }
0x90: {  	s2 =	sld [smem:$0x3FD0];
	_ =	sdelay $0x2  }
0x91: {  	s15 =	simm.s32 $0xA;
	s4 =	simm.s32 $0x10  }
0x92: {  	[smem:s4], [sflag:s15] =	dma.local [hbm:s2], $0x1  }
0x93: {  	_ =	swait.eq [sflag:s15], $0x1  }
0x94: {  	[sflag:s15] =	ssyncset.done $0x0  }
0x95: {  	[sflag:s15] =	ssyncadd.s32 $0xFFFFFFFF  }
0x96: {  	s16 =	sld [smem:$0x10];
	(tm) =	ssettm $0x1  }
0x97: {  	s17 =	sld [smem:$0x3FFB];
	_ =	sdelay $0x3  }
0x98: {  	_ =	strace s17  }
0x99: {  	s3 =	sld [smem:$0x3FFC];
	_ =	sdelay $0x3  }
0x9a: {  	_ =	strace s3  }
0x9b: {  	s3 =	sld [smem:$0x3FFD];
	_ =	sdelay $0x3  }
0x9c: {  	_ =	strace s3  }
0x9d: {  	_ =	strace $0x8FFFFFFF  }
0x9e: {  	s18 =	sld [smem:$0x3FDB];
	_ =	sdelay $0x1  }
0x9f: {  	s19 =	simm.s32 $_scs_section_size  }
0xa0: {  	s5 =	simm.s32 $_size__tile_overlayer_lowered;
	s6 =	simm.s32 $_tile_overlayer_lowered  }
0xa1: {  	s22 =	simm.s32 $0x1BFF;
	s21 =	sshll.u32 s6, $0x1;
	s3 =	sadd.s32 s19, s18  }
0xa2: {  	s7 =	simm.s32 $0x0;
	s20 =	sshll.u32 s5, $0x1;
	s5 =	sadd.s32 s21, s3  }
0xa3: {  	[timem:s7], [sflag:s22] =	dma.local [hbm:s5], s20  }
0xa4: {  	_ =	swait.ge [sflag:s22], s20  }
0xa5: {  	s4 =	ssub.s32 $0x0, s20;
	[sflag:s22] =	ssyncset.done $0x0  }
0xa6: {  	[sflag:s22] =	ssyncadd.s32 s4;
	_ =	sdelay $0x1  }
0xa7: {  	s23 =	simm.s32 $0x1B8B  }
0xa8: {  	_ =	swait.ge [sflag:s23], $0x1  }
0xa9: {  	[sflag:s23] =	ssyncset.done $0x0  }
0xaa: {  	s25 =	simm.s32 $0x1B8E;
	s24 =	sld [smem:$0x3FFE];
	[sflag:s23] =	ssyncadd.s32 $0xFFFFFFFF  }
0xab: {  	s26 =	simm.s32 $execute0_lowered;
	[smem:$0x3FD2] =	sst s25  }
0xac: {  	s5 =	sshll.u32 s26, $0x1;
	_ =	strace $0x80000046;
	[dreg:$0x1] =	wrdreg $0xFFFFFFFF  }
0xad: {  	s28 =	simm.s32 $_size_execute0_lowered;
	s3 =	sadd.s32 s3, s5;
	[dreg:$0x0] =	wrdreg $0x0  }
0xae: {  	s5 =	sshll.u32 s28, $0x1;
	[dreg:$0x2] =	wrdreg s3  }
0xaf: {  	[dreg:$0x3] =	wrdreg s5  }
0xb0: {  	[dreg:$0x4] =	wrdreg $0xC0  }
0xb1: {  	_ =	task [dreg:s7], $0x5FFFF  }
0xb2: {  	[dreg:$0x1] =	wrdreg $0xFFFFFFFF  }
0xb3: {  	[dreg:$0x0] =	wrdreg $0x60  }
0xb4: {  	[dreg:$0x2] =	wrdreg s24  }
0xb5: {  	[dreg:$0x3] =	wrdreg s16  }
0xb6: {  	[dreg:$0x4] =	wrdreg $0x9  }
0xb7: {  	_ =	task.clear_ibuf [dreg:s7], $0x5FFFF;
	_ =	strace $0x90000046  }
0xb8: {  	s29 =	simm.s32 $0x9;
	_ =	strace $0x80000048  }
0xb9: {  	_ =	swait.ge [sflag:s29], $0x1  }
0xba: {  	[sflag:s29] =	ssyncadd.s32 $0xFFFFFFFF  }
0xbb: {  	_ =	strace $0x90000048  }
0xbc: {  	_ =	sfence  }
0xbd: {  	s30 =	sld [smem:$0x0];
	_ =	sdelay $0x2  }
0xbe: {  	s31 =	sshll.u32 s1, $0xD;
	s1 =	sshrl.u32 s1, $0x2  }
0xbf: {  	s3 =	sand.u32 $0x4000, s31;
	s1 =	sadd.s32 s1, s30  }
0xc0: {  	s0 =	sor.u32 s3, s0;
	s1 =	sshll.u32 s1, $0x11  }
0xc1: {  	s0 =	sor.u32 s1, s0  }
0xc2: {  	s0 =	sadd.s32 $0x8F2B, s0  }
0xc3: {  	[sflag:s0] =	ssyncadd.remote.s32 $0x1  }
0xc4: {  	_ =	sfence.sel $0xFFFF  }
0xc5: {  	[dreg:$0x0] =	wrdreg $0xFFFFFFFF;
	(pc) =	sbr.abs _section_cstart, $3  }
0xc6: {  	[dreg:$0x1] =	wrdreg $0xFFFFFFFF  }
0xc7: {  	_ =	task.clear_ibuf [dreg:s7], $0x2FFFF;
	_ =	strace $0x9FFFFFFF  }
0xc8: {  	(tm) =	ssettm $0x7FFFFFFF  }
0xc9: {  	_ =	shalt  }
tec
execute0_lowered:
.L_overlay_start_1:
0x0: {  	(tag) =	ssettag $0x1  }
0x1: {  	s0 =	rddreg [dreg:$0x0]  }
0x2: {  	s1 =	rddreg [dreg:$0x1]  }
0x3: {  	s14 =	simm.s32 $0x0;
	s2 =	srdreg.scid;
	s9 =	stileid.u32  }
0x4: {  	s16 =	simm.s32 $0x7;
	s30 =	simm.s32 $0x20;
	s31 =	simm.s32 $0x468  }
0x5: {  	v0 =	vlaneseq.u32;
	s11 =	simm.s32 $0x3;
	s13 =	simm.s32 $0x4;
	[smem:$0x7FF] =	sst s14  }
0x6: {  	s2 =	sand.u32 $0x1, s2;
	s3 =	sshll.u32 s9, $0x1;
	s4 =	sadd.s32 $0xE00, s0;
	v0 =	vmul.u32 $0x3E8, v0  }
0x7: {  	s5 =	sadd.s32 $0x1F800, s0;
	s6 =	sadd.s32 $0x21200, s0;
	s8 =	sadd.s32 $0xC00, s0  }
0x8: {  	s9 =	sshll.u32 s9, $0x9;
	_ =	strace $0x80000047;
	s3 =	sor.u32 s2, s3;
	v1 =	vadd.s32 $0x3E0, v0  }
0x9: {  	s2 =	ssub.s32 $0x2, s2;
	[dreg:$0x3] =	wrdreg s8;
	s7 =	sshll.u32 s3, $0x1;
	[tilespmem:$0x1FF00] =	vst v1;
	v1 =	vadd.s32 $0x4260, v0  }
0xa: {  	s19 =	sshrl.u32 s2, $0x1;
	s20 =	sshll.u32 s3, $0x5;
	s3 =	sshll.u32 s3, $0x2;
	[tilespmem:$0x1FF10] =	vst v1;
	v1 =	vadd.s32 $0x3E1, v0  }
0xb: {  	s0 =	sadd.s32 s7, s0;
	s2 =	ssub.s32 s2, s19;
	s21 =	sadd.s32 s5, s3;
	[tilespmem:$0x1FF20] =	vst v1;
	v1 =	vadd.s32 $0x4261, v0  }
0xc: {  	s22 =	sor.u32 $0x80, s3;
	s10 =	sadd.s32 s6, s3;
	s9 =	sor.u32 s9, s20;
	[tilespmem:$0x1FF30] =	vst v1;
	v1 =	vadd.s32 $0x3E2, v0  }
0xd: {  	s24 =	sor.u32 $0x100, s3;
	s3 =	sor.u32 $0x180, s3;
	[dreg:$0x4] =	wrdreg s21;
	[tilespmem:$0x1FF40] =	vst v1;
	v1 =	vadd.s32 $0x4262, v0  }
0xe: {  	s19 =	sor.u32 $0x800, s20;
	[dreg:$0x5] =	wrdreg s10;
	s23 =	sadd.s32 s5, s22;
	[tilespmem:$0x1FF50] =	vst v1;
	v1 =	vadd.s32 $0x3E3, v0  }
0xf: {  	s20 =	sor.u32 $0xC00, s20;
	s8 =	sadd.s32 s6, s22;
	[dreg:$0x6] =	wrdreg s23;
	[tilespmem:$0x1FF60] =	vst v1;
	v1 =	vadd.s32 $0x4263, v0  }
0x10: {  	v3 =	vimm.s32 $0x0;
	vm0 =	vcmask $0x300;
	s7 =	simm.s32 $0x1;
	s25 =	sadd.s32 s5, s24;
	[dreg:$0x7] =	wrdreg s8;
	[tilespmem:$0x1FF70] =	vst v1;
	v1 =	vadd.s32 $0x3E4, v0  }
0x11: {  	v3 =	vsel vm0, $0x3, v3;
	s12 =	sand.u32 $0x1C60, s9;
	s28 =	sadd.s32 s5, s3;
	[dreg:$0x8] =	wrdreg s25;
	[tilespmem:$0x1FF80] =	vst v1;
	v1 =	vadd.s32 $0x4264, v0  }
0x12: {  	v2 =	vadd.s32 $0x3E80, v0;
	v4 =	vor.u32 $0x1, v0;
	s3 =	sadd.s32 s6, s3;
	s0 =	sadd.s32 $0x22C00, s0;
	[dreg:$0xa] =	wrdreg s28;
	[tilespmem:$0x1FF90] =	vst v1;
	v1 =	vadd.s32 $0x3E5, v0  }
0x13: {  	v5 =	vadd.s32 $0x3E81, v0;
	v6 =	vor.u32 $0x2, v0;
	s29 =	smax.u32 s2, $0x1;
	s2 =	simm.s32 $0x8168;
	[dreg:$0xb] =	wrdreg s3;
	[tilespmem:$0x1FFA0] =	vst v1;
	v1 =	vadd.s32 $0x4265, v0  }
0x14: {  	v7 =	vadd.s32 $0x3E82, v0;
	v8 =	vor.u32 $0x3, v0;
	s9 =	simm.s32 $0x2;
	s10 =	simm.s32 $0x6;
	[dreg:$0xc] =	wrdreg s0;
	[tilespmem:$0x1FFB0] =	vst v1;
	v1 =	vadd.s32 $0x3E6, v0  }
0x15: {  	v9 =	vadd.s32 $0x3E83, v0;
	v10 =	vor.u32 $0x4, v0;
	s26 =	sshrl.u32 s12, $0x3;
	s8 =	sadd.s32 s6, s24;
	[dreg:$0xd] =	wrdreg s29;
	[tilespmem:$0x1FFC0] =	vst v1;
	v1 =	vadd.s32 $0x4266, v0  }
0x16: {  	v11 =	vadd.s32 $0x3E84, v0;
	v12 =	vor.u32 $0x5, v0;
	s21 =	sor.u32 $0xFA000, s12;
	s0 =	simm.s32 $0x0;
	[dreg:$0x9] =	wrdreg s8;
	[tilespmem:$0x1FFD0] =	vst v1;
	v1 =	vadd.s32 $0x3E7, v0  }
0x17: {  	v13 =	vadd.s32 $0x3E85, v0;
	v15 =	vadd.s32 $0x3E86, v0;
	s15 =	sadd.s32 s1, s26;
	s26 =	simm.s32 $0x80;
	s8 =	simm.s32 $0x5;
	[tilespmem:$0x1FFE0] =	vst v1;
	v1 =	vadd.s32 $0x4267, v0  }
0x18: {  	v14 =	vor.u32 $0x6, v0;
	v16 =	vor.u32 $0x7, v0;
	v17 =	vadd.s32 $0x3E87, v0;
	s18 =	sadd.s32 $0x1F400, s15;
	s22 =	sadd.s32 $0x5DC000, s15;
	s23 =	sadd.s32 $0x5FB400, s15;
	[tilespmem:$0x1FFF0] =	vst v1  }
.LBB2_1:
0x19: {  	[dreg:$0xe] =	wrdreg s0  }
0x1a: {  	s3 =	rddreg [dreg:$0x3]  }
0x1b: {  	[tilespmem:s26], [sflag:$0x7] =	stream.linear.gather [hbm4b:s3+s14], $0x3E8, $0x38;
	[tilespmem:$0x1F878] =	vst v63  }
0x1c: {  	_ =	swait.ge [sflag:s16], $0x3E8  }
0x1d: {  	[sflag:s16] =	ssyncset.done $0x0  }
0x1e: {  	v1 =	vimm.f32 $0.0e+00;
	[sflag:s16] =	ssyncadd.s32 $0xFFFFFC18  }
0x1f: {  	s25 =	rddreg [dreg:$0x4];
	[tilespmem:$0x1F868] =	vst v1  }
0x20: {  	[tilespmem:s14], [sflag:$0x7] =	stream.linear.gather [hbm4b:s25+s14], $0x20, $0x38;
	[tilespmem:$0x1F878] =	vst v63  }
0x21: {  	_ =	swait.ge [sflag:s16], $0x20  }
0x22: {  	[sflag:s16] =	ssyncset.done $0x0  }
0x23: {  	s17 =	simm.s32 $0x40;
	s28 =	rddreg [dreg:$0x5];
	[sflag:s16] =	ssyncadd.s32 $0xFFFFFFE0  }
0x24: {  	[tilespmem:s17], [sflag:$0x7] =	stream.linear.gather [hbm4b:s28+s14], $0x20, $0x38;
	[tilespmem:$0x1F878] =	vst v63  }
0x25: {  	_ =	swait.ge [sflag:s16], $0x20  }
0x26: {  	[sflag:s16] =	ssyncset.done $0x0  }
0x27: {  	[sflag:s16] =	ssyncadd.s32 $0xFFFFFFE0  }
0x28: {  	[tilespmem:s31], [sflag:$0x1] =	stream.indirect.gather [hbm4b:s4+s30], $0x3E8, s14, s30, $0xb8;
	[tilespmem:$0x1F878] =	vst v63  }
0x29: {  	s29 =	rddreg [dreg:$0x6]  }
0x2a: {  	[tilespmem:s30], [sflag:$0x7] =	stream.linear.gather [hbm4b:s29+s14], $0x20, $0x38;
	[tilespmem:$0x1F878] =	vst v63  }
0x2b: {  	_ =	swait.ge [sflag:s16], $0x20  }
0x2c: {  	[sflag:s16] =	ssyncset.done $0x0  }
0x2d: {  	s24 =	simm.s32 $0x60;
	s0 =	rddreg [dreg:$0x7];
	[sflag:s16] =	ssyncadd.s32 $0xFFFFFFE0  }
0x2e: {  	[tilespmem:s24], [sflag:$0x7] =	stream.linear.gather [hbm4b:s0+s14], $0x20, $0x38;
	[tilespmem:$0x1F878] =	vst v63  }
0x2f: {  	_ =	swait.ge [sflag:s16], $0x20  }
0x30: {  	[sflag:s16] =	ssyncset.done $0x0  }
0x31: {  	[sflag:s16] =	ssyncadd.s32 $0xFFFFFFE0  }
0x32: {  	[tilespmem:s2], [sflag:$0x2] =	stream.indirect.gather [hbm4b:s4+s30], $0x3E8, s30, s30, $0xb8;
	[tilespmem:$0x1F878] =	vst v63  }
0x33: {  	_ =	swait.ge [sflag:s7], $0x7D00  }
0x34: {  	[sflag:s7] =	ssyncset.done $0x0  }
0x35: {  	[sflag:s7] =	ssyncadd.s32 $0xFFFF8300  }
0x36: {  	v34 =	vld [tilespmem:$0x40]  }
0x37: {  	v35 =	vld [tilespmem:$0x0];
	_ =	sdelay $0x3  }
0x38: {  	v34 =	vadd.s32 v0, v34;
	_ =	sdelay $0x2  }
0x39: {  	v36 =	vld [tilespmem:$0x50]  }
0x3a: {  	v35 =	vld.idx.msk [tilespmem:v35+s26+$0x0], $0xffff  }
0x3b: {  	v34 =	vld.idx.msk [tilespmem:v34+s31+$0x0], $0xffff;
	_ =	sdelay $0x1  }
0x3c: {  	v37 =	vld [tilespmem:$0x1F868]  }
0x3d: {  	v38 =	vld [tilespmem:$0x10];
	_ =	sdelay $0x1  }
0x3e: {  	v57 =	vadd.s32 v2, v36;
	v34 =	vsub.f32 v35, v34;
	_ =	sdelay $0x1  }
0x3f: {  	v34 =	vadd.f32 v34, v37;
	_ =	sdelay $0x1  }
0x40: {  	[tilespmem:$0x1F868] =	vst v34  }
0x41: {  	v35 =	vld.idx.msk [tilespmem:v57+s31+$0x0], $0xffff  }
0x42: {  	v58 =	vld.idx.msk [tilespmem:v38+s26+$0x0], $0xffff;
	_ =	sdelay $0x1  }
0x43: {  	s25 =	simm.s32 $0x8  }
0x44: {  	v59 =	vmov s25  }
0x45: {  	v37 =	vshrl.u32 v59, $0x3  }
0x46: {  	v60 =	vshll.u32 v37, v3;
	v35 =	vsub.f32 v58, v35  }
0x47: {  	v36 =	vbroadcast v60, $0x0  }
0x48: {  	v34 =	vadd.f32 v35, v34  }
0x49: {  	v61 =	vadd.s32 v0, v36  }
0x4a: {  	s28 =	rddreg [dreg:$0x8];
	v62 =	vadd.s32 v2, v36;
	[tilespmem:$0x1F868] =	vst v34  }
0x4b: {  	v63 =	vadd.s32 v4, v36;
	[tilespmem:s14], [sflag:$0x5] =	stream.linear.gather [hbm4b:s28+s14], $0x20, $0x38;
	[tilespmem:$0x1F878] =	vst v63  }
0x4c: {  	s29 =	rddreg [dreg:$0x9];
	v20 =	vadd.s32 v5, v36  }
0x4d: {  	v39 =	vadd.s32 v6, v36;
	[tilespmem:s17], [sflag:$0x5] =	stream.linear.gather [hbm4b:s29+s14], $0x20, $0x38;
	[tilespmem:$0x1F878] =	vst v63  }
0x4e: {  	v40 =	vadd.s32 v7, v36;
	v35 =	vld.idx.msk [tilespmem:v61+s31+$0x0], $0xffff  }
0x4f: {  	v21 =	vadd.s32 v8, v36;
	v41 =	vld.idx.msk [tilespmem:v62+s31+$0x0], $0xffff  }
0x50: {  	v42 =	vadd.s32 v9, v36;
	v37 =	vld.idx.msk [tilespmem:v63+s31+$0x0], $0xffff  }
0x51: {  	v43 =	vadd.s32 v10, v36;
	v38 =	vld.idx.msk [tilespmem:v20+s31+$0x0], $0xffff  }
0x52: {  	v44 =	vadd.s32 v17, v36;
	v39 =	vld.idx.msk [tilespmem:v39+s31+$0x0], $0xffff  }
0x53: {  	v45 =	vadd.s32 v11, v36;
	v40 =	vld.idx.msk [tilespmem:v40+s31+$0x0], $0xffff  }
0x54: {  	v46 =	vmov s14;
	v22 =	vadd.s32 v12, v36;
	v47 =	vld.idx.msk [tilespmem:v21+s31+$0x0], $0xffff  }
0x55: {  	v46 =	vshrl.u32 v46, $0x3;
	v23 =	vadd.s32 v13, v36;
	v56 =	vld.idx.msk [tilespmem:v42+s31+$0x0], $0xffff  }
0x56: {  	v46 =	vshll.u32 v46, v3;
	v24 =	vadd.s32 v14, v36;
	v57 =	vld.idx.msk [tilespmem:v43+s31+$0x0], $0xffff  }
0x57: {  	v25 =	vadd.s32 v15, v36;
	v58 =	vbroadcast v46, $0x0;
	v44 =	vld.idx.msk [tilespmem:v44+s31+$0x0], $0xffff  }
0x58: {  	v36 =	vadd.s32 v16, v36;
	v54 =	vld.idx.msk [tilespmem:v45+s31+$0x0], $0xffff  }
0x59: {  	v26 =	vadd.s32 v0, v58;
	v55 =	vld.idx.msk [tilespmem:v22+s31+$0x0], $0xffff  }
0x5a: {  	v48 =	vadd.s32 v2, v58;
	v53 =	vld.idx.msk [tilespmem:v23+s31+$0x0], $0xffff  }
0x5b: {  	v27 =	vadd.s32 v4, v58;
	v52 =	vld.idx.msk [tilespmem:v24+s31+$0x0], $0xffff  }
0x5c: {  	v28 =	vadd.s32 v5, v58;
	v51 =	vld.idx.msk [tilespmem:v25+s31+$0x0], $0xffff  }
0x5d: {  	s3 =	simm.s32 $0xFF68;
	v31 =	vadd.s32 v9, v58;
	v50 =	vld.idx.msk [tilespmem:v36+s31+$0x0], $0xffff  }
0x5e: {  	v29 =	vadd.s32 v6, v58;
	v34 =	vld.idx.msk [tilespmem:v26+s31+$0x0], $0xffff;
	[tilespmem:s3+$0xF0] =	vst v44  }
0x5f: {  	v59 =	vadd.s32 v7, v58;
	v49 =	vld.idx.msk [tilespmem:v48+s31+$0x0], $0xffff;
	[tilespmem:s3+$0x0] =	vst v35  }
0x60: {  	v30 =	vadd.s32 v8, v58;
	v48 =	vld.idx.msk [tilespmem:v27+s31+$0x0], $0xffff;
	[tilespmem:s3+$0x10] =	vst v41  }
0x61: {  	v60 =	vadd.s32 v10, v58;
	v36 =	vld.idx.msk [tilespmem:v28+s31+$0x0], $0xffff;
	[tilespmem:s3+$0x20] =	vst v37  }
0x62: {  	v61 =	vadd.s32 v11, v58;
	v42 =	vld.idx.msk [tilespmem:v31+s31+$0x0], $0xffff;
	[tilespmem:s3+$0x30] =	vst v38  }
0x63: {  	v45 =	vadd.s32 v12, v58;
	v37 =	vld.idx.msk [tilespmem:v29+s31+$0x0], $0xffff;
	[tilespmem:s3+$0x40] =	vst v39  }
0x64: {  	v46 =	vadd.s32 v13, v58;
	v38 =	vld.idx.msk [tilespmem:v59+s31+$0x0], $0xffff;
	[tilespmem:s3+$0x50] =	vst v40  }
0x65: {  	v43 =	vadd.s32 v14, v58;
	v39 =	vld.idx.msk [tilespmem:v30+s31+$0x0], $0xffff;
	[tilespmem:s3+$0x60] =	vst v47  }
0x66: {  	v41 =	vadd.s32 v15, v58;
	v44 =	vld.idx.msk [tilespmem:v60+s31+$0x0], $0xffff;
	[tilespmem:s3+$0x70] =	vst v56  }
0x67: {  	s0 =	simm.s32 $0x40;
	s16 =	simm.s32 $0x0;
	s14 =	simm.s32 $0x10;
	v40 =	vadd.s32 v16, v58;
	v35 =	vadd.s32 v17, v58;
	v47 =	vld.idx.msk [tilespmem:v61+s31+$0x0], $0xffff;
	[tilespmem:s3+$0x80] =	vst v57  }
.LBB2_2:
0x68: {  	v56 =	vmov s14;
	s17 =	sadd.s32 $0x8, s14;
	v57 =	vld.idx.msk [tilespmem:v45+s31+$0x0], $0xffff;
	[tilespmem:s3+$0x90] =	vst v54  }
0x69: {  	v45 =	vshrl.u32 v56, $0x3;
	v54 =	vmov s17;
	v56 =	vld.idx.msk [tilespmem:v46+s31+$0x0], $0xffff;
	[tilespmem:s3+$0xA0] =	vst v55  }
0x6a: {  	v45 =	vshll.u32 v45, v3;
	v46 =	vshrl.u32 v54, $0x3;
	v55 =	vld.idx.msk [tilespmem:v43+s31+$0x0], $0xffff;
	[tilespmem:s3+$0xB0] =	vst v53  }
0x6b: {  	v53 =	vbroadcast v45, $0x0;
	v43 =	vshll.u32 v46, v3;
	v58 =	vld.idx.msk [tilespmem:v41+s31+$0x0], $0xffff;
	[tilespmem:s3+$0xC0] =	vst v52  }
0x6c: {  	v52 =	vbroadcast v43, $0x0;
	v59 =	vld.idx.msk [tilespmem:v40+s31+$0x0], $0xffff;
	[tilespmem:s3+$0xD0] =	vst v51  }
0x6d: {  	v40 =	vadd.s32 v0, v53;
	v60 =	vadd.s32 v2, v53;
	v61 =	vadd.s32 v4, v53;
	v51 =	vld.idx.msk [tilespmem:v35+s31+$0x0], $0xffff  }
0x6e: {  	v62 =	vadd.s32 v5, v53;
	v63 =	vadd.s32 v6, v53;
	v35 =	vadd.s32 v0, v52;
	[tilespmem:s3+$0xE0] =	vst v50  }
0x6f: {  	v1 =	vadd.s32 v7, v53;
	v18 =	vadd.s32 v8, v53;
	v50 =	vadd.s32 v2, v52;
	[tilespmem:s3+$0xFFFFFF00] =	vst v34  }
0x70: {  	v19 =	vadd.s32 v9, v53;
	v20 =	vadd.s32 v10, v53;
	v54 =	vadd.s32 v4, v52;
	[tilespmem:s3+$0xFFFFFF10] =	vst v49  }
0x71: {  	s16 =	sadd.s32 $0x2, s16;
	v21 =	vadd.s32 v11, v53;
	v45 =	vadd.s32 v12, v53;
	v49 =	vadd.s32 v5, v52;
	[tilespmem:s3+$0xFFFFFF20] =	vst v48  }
0x72: {  	p0 =	slt.u32 s16, $0x7A;
	v46 =	vadd.s32 v13, v53;
	v43 =	vadd.s32 v14, v53;
	v48 =	vadd.s32 v6, v52;
	v34 =	vld.idx.msk [tilespmem:v40+s31+$0x0], $0xffff  }
0x73: {  	v41 =	vadd.s32 v15, v53;
	v23 =	vadd.s32 v7, v52;
	v40 =	vadd.s32 v16, v53;
	v22 =	vld.idx.msk [tilespmem:v35+s31+$0x0], $0xffff  }
0x74: {  	v35 =	vadd.s32 v17, v53;
	v24 =	vld.idx.msk [tilespmem:v50+s31+$0x0], $0xffff;
	v50 =	vadd.s32 v8, v52;
	[tilespmem:s3+$0xFFFFFF30] =	vst v36  }
0x75: {  	v36 =	vadd.s32 v9, v52;
	v25 =	vld.idx.msk [tilespmem:v54+s31+$0x0], $0xffff;
	[tilespmem:s3+$0xFFFFFF40] =	vst v37  }
0x76: {  	v37 =	vadd.s32 v10, v52;
	v26 =	vld.idx.msk [tilespmem:v49+s31+$0x0], $0xffff;
	[tilespmem:s3+$0xFFFFFF50] =	vst v38  }
0x77: {  	v38 =	vadd.s32 v17, v52;
	v27 =	vld.idx.msk [tilespmem:v48+s31+$0x0], $0xffff;
	[tilespmem:s3+$0xFFFFFF60] =	vst v39  }
0x78: {  	v39 =	vadd.s32 v11, v52;
	v23 =	vld.idx.msk [tilespmem:v23+s31+$0x0], $0xffff;
	[tilespmem:s3+$0xFFFFFF70] =	vst v42  }
0x79: {  	v42 =	vadd.s32 v12, v52;
	v28 =	vld.idx.msk [tilespmem:v50+s31+$0x0], $0xffff;
	[tilespmem:s3+$0xFFFFFF80] =	vst v44  }
0x7a: {  	v29 =	vld.idx.msk [tilespmem:v36+s31+$0x0], $0xffff;
	v36 =	vadd.s32 v13, v52;
	[tilespmem:s3+$0xFFFFFF90] =	vst v47  }
0x7b: {  	v30 =	vld.idx.msk [tilespmem:v37+s31+$0x0], $0xffff;
	v37 =	vadd.s32 v14, v52;
	[tilespmem:s3+$0xFFFFFFA0] =	vst v57  }
0x7c: {  	v44 =	vadd.s32 v15, v52;
	v38 =	vld.idx.msk [tilespmem:v38+s31+$0x0], $0xffff;
	[tilespmem:s3+$0xFFFFFFB0] =	vst v56  }
0x7d: {  	v54 =	vld.idx.msk [tilespmem:v39+s31+$0x0], $0xffff;
	v39 =	vadd.s32 v16, v52;
	[tilespmem:s3+$0xFFFFFFC0] =	vst v55  }
0x7e: {  	v55 =	vld.idx.msk [tilespmem:v42+s31+$0x0], $0xffff;
	[tilespmem:s3+$0xFFFFFFD0] =	vst v58  }
0x7f: {  	v53 =	vld.idx.msk [tilespmem:v36+s31+$0x0], $0xffff;
	[tilespmem:s3+$0xFFFFFFE0] =	vst v59  }
0x80: {  	v52 =	vld.idx.msk [tilespmem:v37+s31+$0x0], $0xffff;
	[tilespmem:s3+$0xFFFFFFF0] =	vst v51  }
0x81: {  	s3 =	sadd.s32 $0x200, s3;
	v51 =	vld.idx.msk [tilespmem:v44+s31+$0x0], $0xffff  }
0x82: {  	v50 =	vld.idx.msk [tilespmem:v39+s31+$0x0], $0xffff;
	[tilespmem:s3+$0xF0] =	vst v38  }
0x83: {  	v49 =	vld.idx.msk [tilespmem:v60+s31+$0x0], $0xffff;
	[tilespmem:s3+$0x0] =	vst v22  }
0x84: {  	v48 =	vld.idx.msk [tilespmem:v61+s31+$0x0], $0xffff;
	[tilespmem:s3+$0x10] =	vst v24  }
0x85: {  	v36 =	vld.idx.msk [tilespmem:v62+s31+$0x0], $0xffff;
	[tilespmem:s3+$0x20] =	vst v25  }
0x86: {  	v37 =	vld.idx.msk [tilespmem:v63+s31+$0x0], $0xffff;
	[tilespmem:s3+$0x30] =	vst v26  }
.Ltmp0:
0x87: {  	v38 =	vld.idx.msk [tilespmem:v1+s31+$0x0], $0xffff;
	[tilespmem:s3+$0x40] =	vst v27;
	(pc) =	sbr.rel @p0 .LBB2_2-.Ltmp0, $4  }
0x88: {  	v39 =	vld.idx.msk [tilespmem:v18+s31+$0x0], $0xffff;
	[tilespmem:s3+$0x50] =	vst v23  }
0x89: {  	v42 =	vld.idx.msk [tilespmem:v19+s31+$0x0], $0xffff;
	[tilespmem:s3+$0x60] =	vst v28  }
0x8a: {  	v44 =	vld.idx.msk [tilespmem:v20+s31+$0x0], $0xffff;
	[tilespmem:s3+$0x70] =	vst v29  }
0x8b: {  	s14 =	sadd.s32 $0x10, s14;
	v47 =	vld.idx.msk [tilespmem:v21+s31+$0x0], $0xffff;
	[tilespmem:s3+$0x80] =	vst v30  }
0x8c: {  	_ =	sdelay $0x2  }
0x8d: {  	[tilespmem:s3+$0x90] =	vst v54  }
0x8e: {  	v1 =	vld.idx.msk [tilespmem:v45+s31+$0x0], $0xffff;
	[tilespmem:s3+$0xA0] =	vst v55  }
0x8f: {  	v18 =	vld.idx.msk [tilespmem:v46+s31+$0x0], $0xffff;
	[tilespmem:s3+$0xB0] =	vst v53  }
0x90: {  	v19 =	vld.idx.msk [tilespmem:v43+s31+$0x0], $0xffff;
	[tilespmem:s3+$0xC0] =	vst v52  }
0x91: {  	v20 =	vld.idx.msk [tilespmem:v41+s31+$0x0], $0xffff;
	[tilespmem:s3+$0xD0] =	vst v51  }
0x92: {  	v21 =	vld.idx.msk [tilespmem:v40+s31+$0x0], $0xffff;
	[tilespmem:s3+$0xE0] =	vst v50  }
0x93: {  	v22 =	vld.idx.msk [tilespmem:v35+s31+$0x0], $0xffff;
	[tilespmem:s3+$0xFFFFFF00] =	vst v34  }
0x94: {  	[tilespmem:s3+$0xFFFFFF10] =	vst v49  }
0x95: {  	[tilespmem:s3+$0xFFFFFF20] =	vst v48  }
0x96: {  	[tilespmem:s3+$0xFFFFFF30] =	vst v36  }
0x97: {  	[tilespmem:s3+$0xFFFFFF40] =	vst v37  }
0x98: {  	[tilespmem:s3+$0xFFFFFF50] =	vst v38  }
0x99: {  	[tilespmem:s3+$0xFFFFFF60] =	vst v39  }
0x9a: {  	[tilespmem:s3+$0xFFFFFF70] =	vst v42  }
0x9b: {  	[tilespmem:s3+$0xFFFFFF80] =	vst v44  }
0x9c: {  	[tilespmem:s3+$0xFFFFFF90] =	vst v47  }
0x9d: {  	[tilespmem:s3+$0xFFFFFFA0] =	vst v1  }
0x9e: {  	[tilespmem:s3+$0xFFFFFFB0] =	vst v18  }
0x9f: {  	[tilespmem:s3+$0xFFFFFFC0] =	vst v19  }
0xa0: {  	[tilespmem:s3+$0xFFFFFFD0] =	vst v20  }
0xa1: {  	[tilespmem:s3+$0xFFFFFFE0] =	vst v21  }
0xa2: {  	[tilespmem:s3+$0xFFFFFFF0] =	vst v22  }
0xa3: {  	v1 =	vld [tilespmem:$0x1FF00]  }
0xa4: {  	v18 =	vld [tilespmem:$0x1FF10]  }
0xa5: {  	v19 =	vld [tilespmem:$0x1FF20]  }
0xa6: {  	v20 =	vld [tilespmem:$0x1FF30]  }
0xa7: {  	v21 =	vld [tilespmem:$0x1FF40]  }
0xa8: {  	v22 =	vld [tilespmem:$0x1FF50]  }
0xa9: {  	v23 =	vld [tilespmem:$0x1FF60]  }
0xaa: {  	v24 =	vld [tilespmem:$0x1FF70]  }
0xab: {  	v25 =	vld [tilespmem:$0x1FF80]  }
0xac: {  	v26 =	vld [tilespmem:$0x1FF90]  }
0xad: {  	v27 =	vld [tilespmem:$0x1FFA0]  }
0xae: {  	v28 =	vld [tilespmem:$0x1FFB0]  }
0xaf: {  	v29 =	vld [tilespmem:$0x1FFC0]  }
0xb0: {  	v30 =	vld [tilespmem:$0x1FFD0]  }
0xb1: {  	v31 =	vld [tilespmem:$0x1FFE0]  }
0xb2: {  	v62 =	vld [tilespmem:$0x1FFF0]  }
0xb3: {  	v1 =	vld.idx.msk [tilespmem:v1+s31+$0x0], $0xffff  }
0xb4: {  	v18 =	vld.idx.msk [tilespmem:v18+s31+$0x0], $0xffff  }
0xb5: {  	v19 =	vld.idx.msk [tilespmem:v19+s31+$0x0], $0xffff  }
0xb6: {  	v20 =	vld.idx.msk [tilespmem:v20+s31+$0x0], $0xffff  }
0xb7: {  	v21 =	vld.idx.msk [tilespmem:v21+s31+$0x0], $0xffff  }
0xb8: {  	v22 =	vld.idx.msk [tilespmem:v22+s31+$0x0], $0xffff  }
0xb9: {  	v23 =	vld.idx.msk [tilespmem:v23+s31+$0x0], $0xffff  }
0xba: {  	v24 =	vld.idx.msk [tilespmem:v24+s31+$0x0], $0xffff  }
0xbb: {  	v25 =	vld.idx.msk [tilespmem:v25+s31+$0x0], $0xffff  }
0xbc: {  	v26 =	vld.idx.msk [tilespmem:v26+s31+$0x0], $0xffff  }
0xbd: {  	v27 =	vld.idx.msk [tilespmem:v27+s31+$0x0], $0xffff  }
0xbe: {  	v28 =	vld.idx.msk [tilespmem:v28+s31+$0x0], $0xffff  }
0xbf: {  	v29 =	vld.idx.msk [tilespmem:v29+s31+$0x0], $0xffff  }
0xc0: {  	v30 =	vld.idx.msk [tilespmem:v30+s31+$0x0], $0xffff  }
0xc1: {  	v34 =	vld.idx.msk [tilespmem:v31+s31+$0x0], $0xffff  }
0xc2: {  	v63 =	vld.idx.msk [tilespmem:v62+s31+$0x0], $0xffff;
	[tilespmem:$0x17A68] =	vst v1  }
0xc3: {  	[tilespmem:$0x17A78] =	vst v18  }
0xc4: {  	[tilespmem:$0x17A88] =	vst v19  }
0xc5: {  	[tilespmem:$0x17A98] =	vst v20  }
0xc6: {  	[tilespmem:$0x17AA8] =	vst v21  }
0xc7: {  	[tilespmem:$0x17AB8] =	vst v22  }
0xc8: {  	[tilespmem:$0x17AC8] =	vst v23  }
0xc9: {  	[tilespmem:$0x17AD8] =	vst v24  }
0xca: {  	[tilespmem:$0x17AE8] =	vst v25  }
0xcb: {  	[tilespmem:$0x17AF8] =	vst v26  }
0xcc: {  	[tilespmem:$0x17B08] =	vst v27  }
0xcd: {  	[tilespmem:$0x17B18] =	vst v28  }
0xce: {  	[tilespmem:$0x17B28] =	vst v29  }
0xcf: {  	[tilespmem:$0x17B38] =	vst v30  }
0xd0: {  	[tilespmem:$0x17B48] =	vst v34  }
0xd1: {  	[tilespmem:$0x17B58] =	vst v63  }
0xd2: {  	_ =	swait.ge [sflag:s8], $0x20  }
0xd3: {  	[sflag:s8] =	ssyncset.done $0x0  }
0xd4: {  	[sflag:s8] =	ssyncadd.s32 $0xFFFFFFE0  }
0xd5: {  	_ =	swait.ge [sflag:s8], $0x20  }
0xd6: {  	s29 =	simm.s32 $0x0;
	s14 =	simm.s32 $0xFE68;
	[sflag:s8] =	ssyncset.done $0x0  }
0xd7: {  	s16 =	sadd.s32 $0x0, s15;
	s3 =	simm.s32 $0x400;
	[sflag:s8] =	ssyncadd.s32 $0xFFFFFFE0  }
0xd8: {  	[tilespmem:s31], [sflag:$0x1] =	stream.indirect.gather [hbm4b:s4+s30], $0x3E8, s29, s30, $0xb8;
	[tilespmem:$0x1F878] =	vst v63  }
.LBB2_4:
0xd9: {  	[hbm4b:s16+s30] =	stream.strided.scatter [tilespmem:s14], [sflag:$0x3], $0x100, s26, s30, $0x38;
	[tilespmem:$0x1F878] =	vst v63  }
0xda: {  	s16 =	smov.u32 s3;
	p0 =	sne.s32 s3, $0x1F000  }
.Ltmp1:
0xdb: {  	s3 =	sadd.s32 $0x400, s3;
	(pc) =	sbr.rel @p0 .LBB2_4-.Ltmp1, $3  }
0xdc: {  	_ =	sdelay $0x1  }
0xdd: {  	s14 =	sshra.s32 s16, $0x2  }
0xde: {  	s16 =	sadd.s32 s16, s15;
	s14 =	sadd.s32 $0xFE68, s14  }
0xdf: {  	[hbm4b:s16+s30] =	stream.strided.scatter [tilespmem:s14], [sflag:$0x3], $0x100, s26, s30, $0x38;
	[tilespmem:$0x1F878] =	vst v63  }
0xe0: {  	_ =	swait.ge [sflag:s9], $0x7D00  }
0xe1: {  	[sflag:s9] =	ssyncset.done $0x0  }
0xe2: {  	[sflag:s9] =	ssyncadd.s32 $0xFFFF8300  }
0xe3: {  	v1 =	vld [tilespmem:$0x60]  }
0xe4: {  	v18 =	vld [tilespmem:$0x20];
	_ =	sdelay $0x3  }
0xe5: {  	v1 =	vadd.s32 v0, v1;
	_ =	sdelay $0x2  }
0xe6: {  	v19 =	vld [tilespmem:$0x70]  }
0xe7: {  	v18 =	vld.idx.msk [tilespmem:v18+s26+$0x0], $0xffff  }
0xe8: {  	v1 =	vld.idx.msk [tilespmem:v1+s2+$0x0], $0xffff;
	_ =	sdelay $0x1  }
0xe9: {  	v20 =	vld [tilespmem:$0x1F868]  }
0xea: {  	v21 =	vld [tilespmem:$0x30];
	_ =	sdelay $0x1  }
0xeb: {  	v1 =	vsub.f32 v18, v1;
	v18 =	vadd.s32 v2, v19;
	_ =	sdelay $0x1  }
0xec: {  	v1 =	vadd.f32 v1, v20;
	_ =	sdelay $0x1  }
0xed: {  	[tilespmem:$0x1F868] =	vst v1  }
0xee: {  	v18 =	vld.idx.msk [tilespmem:v18+s2+$0x0], $0xffff  }
0xef: {  	v19 =	vld.idx.msk [tilespmem:v21+s26+$0x0], $0xffff;
	_ =	sdelay $0x1  }
0xf0: {  	s3 =	simm.s32 $0x8  }
0xf1: {  	v56 =	vmov s3  }
0xf2: {  	v20 =	vshrl.u32 v56, $0x3  }
0xf3: {  	v18 =	vsub.f32 v19, v18;
	v19 =	vshll.u32 v20, v3  }
0xf4: {  	v19 =	vbroadcast v19, $0x0  }
0xf5: {  	v1 =	vadd.f32 v18, v1  }
0xf6: {  	v18 =	vadd.s32 v0, v19  }
0xf7: {  	s24 =	simm.s32 $0x0;
	s25 =	rddreg [dreg:$0xa];
	v57 =	vadd.s32 v4, v19;
	[tilespmem:$0x1F868] =	vst v1  }
0xf8: {  	v58 =	vadd.s32 v5, v19;
	[tilespmem:s30], [sflag:$0x6] =	stream.linear.gather [hbm4b:s25+s24], $0x20, $0x38;
	[tilespmem:$0x1F878] =	vst v63  }
0xf9: {  	s29 =	simm.s32 $0x60;
	s28 =	rddreg [dreg:$0xb];
	v22 =	vadd.s32 v6, v19  }
0xfa: {  	v23 =	vadd.s32 v7, v19;
	[tilespmem:s29], [sflag:$0x6] =	stream.linear.gather [hbm4b:s28+s24], $0x20, $0x38;
	[tilespmem:$0x1F878] =	vst v63  }
0xfb: {  	v24 =	vadd.s32 v8, v19;
	v18 =	vld.idx.msk [tilespmem:v18+s2+$0x0], $0xffff  }
0xfc: {  	v25 =	vadd.s32 v9, v19;
	v20 =	vld.idx.msk [tilespmem:v57+s2+$0x0], $0xffff  }
0xfd: {  	v26 =	vadd.s32 v10, v19;
	v21 =	vld.idx.msk [tilespmem:v58+s2+$0x0], $0xffff  }
0xfe: {  	v27 =	vadd.s32 v17, v19;
	v22 =	vld.idx.msk [tilespmem:v22+s2+$0x0], $0xffff  }
0xff: {  	v29 =	vmov s24;
	v28 =	vadd.s32 v11, v19;
	v23 =	vld.idx.msk [tilespmem:v23+s2+$0x0], $0xffff  }
0x100: {  	v29 =	vshrl.u32 v29, $0x3;
	v30 =	vadd.s32 v12, v19;
	v24 =	vld.idx.msk [tilespmem:v24+s2+$0x0], $0xffff  }
0x101: {  	v29 =	vshll.u32 v29, v3;
	v34 =	vadd.s32 v13, v19;
	v25 =	vld.idx.msk [tilespmem:v25+s2+$0x0], $0xffff  }
0x102: {  	v29 =	vbroadcast v29, $0x0;
	v35 =	vadd.s32 v14, v19;
	v26 =	vld.idx.msk [tilespmem:v26+s2+$0x0], $0xffff  }
0x103: {  	v36 =	vadd.s32 v15, v19;
	v27 =	vld.idx.msk [tilespmem:v27+s2+$0x0], $0xffff  }
0x104: {  	v59 =	vadd.s32 v0, v29;
	v54 =	vld.idx.msk [tilespmem:v28+s2+$0x0], $0xffff  }
0x105: {  	v1 =	vadd.s32 v2, v19;
	v55 =	vld.idx.msk [tilespmem:v30+s2+$0x0], $0xffff  }
0x106: {  	v19 =	vadd.s32 v16, v19;
	v53 =	vld.idx.msk [tilespmem:v34+s2+$0x0], $0xffff  }
0x107: {  	v60 =	vadd.s32 v2, v29;
	v52 =	vld.idx.msk [tilespmem:v35+s2+$0x0], $0xffff  }
0x108: {  	v37 =	vadd.s32 v4, v29;
	v51 =	vld.idx.msk [tilespmem:v36+s2+$0x0], $0xffff  }
0x109: {  	v61 =	vadd.s32 v5, v29;
	v34 =	vld.idx.msk [tilespmem:v59+s2+$0x0], $0xffff  }
0x10a: {  	s3 =	simm.s32 $0x17C68;
	v38 =	vadd.s32 v6, v29;
	v1 =	vld.idx.msk [tilespmem:v1+s2+$0x0], $0xffff  }
0x10b: {  	v62 =	vadd.s32 v8, v29;
	v50 =	vld.idx.msk [tilespmem:v19+s2+$0x0], $0xffff;
	[tilespmem:s3+$0xF0] =	vst v27  }
0x10c: {  	v63 =	vadd.s32 v11, v29;
	v49 =	vld.idx.msk [tilespmem:v60+s2+$0x0], $0xffff;
	[tilespmem:s3+$0x0] =	vst v18  }
0x10d: {  	v48 =	vld.idx.msk [tilespmem:v37+s2+$0x0], $0xffff;
	v19 =	vadd.s32 v7, v29;
	[tilespmem:s3+$0x20] =	vst v20  }
0x10e: {  	v36 =	vld.idx.msk [tilespmem:v61+s2+$0x0], $0xffff;
	v18 =	vadd.s32 v9, v29;
	[tilespmem:s3+$0x30] =	vst v21  }
0x10f: {  	v37 =	vld.idx.msk [tilespmem:v38+s2+$0x0], $0xffff;
	[tilespmem:s3+$0x10] =	vst v1;
	v1 =	vadd.s32 v10, v29  }
0x110: {  	v45 =	vadd.s32 v12, v29;
	v39 =	vld.idx.msk [tilespmem:v62+s2+$0x0], $0xffff;
	[tilespmem:s3+$0x40] =	vst v22  }
0x111: {  	v46 =	vadd.s32 v13, v29;
	v47 =	vld.idx.msk [tilespmem:v63+s2+$0x0], $0xffff;
	[tilespmem:s3+$0x50] =	vst v23  }
0x112: {  	v43 =	vadd.s32 v14, v29;
	[tilespmem:s3+$0x60] =	vst v24;
	v38 =	vld.idx.msk [tilespmem:v19+s2+$0x0], $0xffff  }
0x113: {  	v41 =	vadd.s32 v15, v29;
	[tilespmem:s3+$0x70] =	vst v25;
	v42 =	vld.idx.msk [tilespmem:v18+s2+$0x0], $0xffff  }
0x114: {  	s16 =	simm.s32 $0x0;
	s14 =	simm.s32 $0x10;
	v40 =	vadd.s32 v16, v29;
	v35 =	vadd.s32 v17, v29;
	[tilespmem:s3+$0x80] =	vst v26;
	v44 =	vld.idx.msk [tilespmem:v1+s2+$0x0], $0xffff  }
.LBB2_6:
0x115: {  	v1 =	vmov s14;
	s17 =	sadd.s32 $0x8, s14;
	v18 =	vld.idx.msk [tilespmem:v45+s2+$0x0], $0xffff;
	[tilespmem:s3+$0x90] =	vst v54  }
0x116: {  	v1 =	vshrl.u32 v1, $0x3;
	v19 =	vmov s17;
	v20 =	vld.idx.msk [tilespmem:v46+s2+$0x0], $0xffff;
	[tilespmem:s3+$0xA0] =	vst v55  }
0x117: {  	v1 =	vshll.u32 v1, v3;
	v19 =	vshrl.u32 v19, $0x3;
	v21 =	vld.idx.msk [tilespmem:v43+s2+$0x0], $0xffff;
	[tilespmem:s3+$0xB0] =	vst v53  }
0x118: {  	v1 =	vbroadcast v1, $0x0;
	v19 =	vshll.u32 v19, v3;
	v22 =	vld.idx.msk [tilespmem:v41+s2+$0x0], $0xffff;
	[tilespmem:s3+$0xC0] =	vst v52  }
0x119: {  	v19 =	vbroadcast v19, $0x0;
	v23 =	vld.idx.msk [tilespmem:v40+s2+$0x0], $0xffff;
	[tilespmem:s3+$0xD0] =	vst v51  }
0x11a: {  	v24 =	vadd.s32 v0, v1;
	v25 =	vadd.s32 v2, v1;
	v26 =	vadd.s32 v4, v1;
	v27 =	vld.idx.msk [tilespmem:v35+s2+$0x0], $0xffff  }
0x11b: {  	v28 =	vadd.s32 v5, v1;
	v29 =	vadd.s32 v6, v1;
	v30 =	vadd.s32 v0, v19;
	[tilespmem:s3+$0xE0] =	vst v50  }
0x11c: {  	v56 =	vadd.s32 v7, v1;
	v57 =	vadd.s32 v8, v1;
	v50 =	vadd.s32 v2, v19;
	[tilespmem:s3+$0xFFFFFF00] =	vst v34  }
0x11d: {  	v58 =	vadd.s32 v9, v1;
	v59 =	vadd.s32 v10, v1;
	v51 =	vadd.s32 v4, v19;
	[tilespmem:s3+$0xFFFFFF10] =	vst v49  }
0x11e: {  	s16 =	sadd.s32 $0x2, s16;
	v60 =	vadd.s32 v11, v1;
	v45 =	vadd.s32 v12, v1;
	v49 =	vadd.s32 v5, v19;
	[tilespmem:s3+$0xFFFFFF20] =	vst v48  }
0x11f: {  	p0 =	slt.u32 s16, $0x7A;
	v46 =	vadd.s32 v13, v1;
	v43 =	vadd.s32 v14, v1;
	v34 =	vld.idx.msk [tilespmem:v24+s2+$0x0], $0xffff;
	v24 =	vadd.s32 v6, v19  }
0x120: {  	v41 =	vadd.s32 v15, v1;
	v40 =	vadd.s32 v16, v1;
	v48 =	vadd.s32 v7, v19;
	v30 =	vld.idx.msk [tilespmem:v30+s2+$0x0], $0xffff  }
0x121: {  	v35 =	vadd.s32 v17, v1;
	v1 =	vld.idx.msk [tilespmem:v50+s2+$0x0], $0xffff;
	v50 =	vadd.s32 v8, v19;
	[tilespmem:s3+$0xFFFFFF30] =	vst v36  }
0x122: {  	v36 =	vadd.s32 v9, v19;
	v61 =	vld.idx.msk [tilespmem:v51+s2+$0x0], $0xffff;
	[tilespmem:s3+$0xFFFFFF40] =	vst v37  }
0x123: {  	v37 =	vadd.s32 v10, v19;
	v62 =	vld.idx.msk [tilespmem:v49+s2+$0x0], $0xffff;
	[tilespmem:s3+$0xFFFFFF50] =	vst v38  }
0x124: {  	v38 =	vadd.s32 v17, v19;
	v24 =	vld.idx.msk [tilespmem:v24+s2+$0x0], $0xffff;
	[tilespmem:s3+$0xFFFFFF60] =	vst v39  }
0x125: {  	v39 =	vadd.s32 v11, v19;
	v63 =	vld.idx.msk [tilespmem:v48+s2+$0x0], $0xffff;
	[tilespmem:s3+$0xFFFFFF70] =	vst v42  }
0x126: {  	v42 =	vadd.s32 v12, v19;
	v31 =	vld.idx.msk [tilespmem:v50+s2+$0x0], $0xffff;
	[tilespmem:s3+$0xFFFFFF80] =	vst v44  }
0x127: {  	v32 =	vld.idx.msk [tilespmem:v36+s2+$0x0], $0xffff;
	v36 =	vadd.s32 v13, v19;
	[tilespmem:s3+$0xFFFFFF90] =	vst v47  }
0x128: {  	v33 =	vld.idx.msk [tilespmem:v37+s2+$0x0], $0xffff;
	v37 =	vadd.s32 v14, v19;
	[tilespmem:s3+$0xFFFFFFA0] =	vst v18  }
0x129: {  	v18 =	vadd.s32 v15, v19;
	v38 =	vld.idx.msk [tilespmem:v38+s2+$0x0], $0xffff;
	[tilespmem:s3+$0xFFFFFFB0] =	vst v20  }
0x12a: {  	v19 =	vadd.s32 v16, v19;
	v54 =	vld.idx.msk [tilespmem:v39+s2+$0x0], $0xffff;
	[tilespmem:s3+$0xFFFFFFC0] =	vst v21  }
0x12b: {  	v55 =	vld.idx.msk [tilespmem:v42+s2+$0x0], $0xffff;
	[tilespmem:s3+$0xFFFFFFD0] =	vst v22  }
0x12c: {  	v53 =	vld.idx.msk [tilespmem:v36+s2+$0x0], $0xffff;
	[tilespmem:s3+$0xFFFFFFE0] =	vst v23  }
0x12d: {  	v52 =	vld.idx.msk [tilespmem:v37+s2+$0x0], $0xffff;
	[tilespmem:s3+$0xFFFFFFF0] =	vst v27  }
0x12e: {  	s3 =	sadd.s32 $0x200, s3;
	v51 =	vld.idx.msk [tilespmem:v18+s2+$0x0], $0xffff  }
0x12f: {  	v50 =	vld.idx.msk [tilespmem:v19+s2+$0x0], $0xffff;
	[tilespmem:s3+$0xF0] =	vst v38  }
0x130: {  	v49 =	vld.idx.msk [tilespmem:v25+s2+$0x0], $0xffff;
	[tilespmem:s3+$0x0] =	vst v30  }
0x131: {  	v48 =	vld.idx.msk [tilespmem:v26+s2+$0x0], $0xffff;
	[tilespmem:s3+$0x10] =	vst v1  }
0x132: {  	v36 =	vld.idx.msk [tilespmem:v28+s2+$0x0], $0xffff;
	[tilespmem:s3+$0x20] =	vst v61  }
0x133: {  	v37 =	vld.idx.msk [tilespmem:v29+s2+$0x0], $0xffff;
	[tilespmem:s3+$0x30] =	vst v62  }
.Ltmp2:
0x134: {  	v38 =	vld.idx.msk [tilespmem:v56+s2+$0x0], $0xffff;
	[tilespmem:s3+$0x40] =	vst v24;
	(pc) =	sbr.rel @p0 .LBB2_6-.Ltmp2, $4  }
0x135: {  	v39 =	vld.idx.msk [tilespmem:v57+s2+$0x0], $0xffff;
	[tilespmem:s3+$0x50] =	vst v63  }
0x136: {  	v42 =	vld.idx.msk [tilespmem:v58+s2+$0x0], $0xffff;
	[tilespmem:s3+$0x60] =	vst v31  }
0x137: {  	v44 =	vld.idx.msk [tilespmem:v59+s2+$0x0], $0xffff;
	[tilespmem:s3+$0x70] =	vst v32  }
0x138: {  	s14 =	sadd.s32 $0x10, s14;
	v47 =	vld.idx.msk [tilespmem:v60+s2+$0x0], $0xffff;
	[tilespmem:s3+$0x80] =	vst v33  }
0x139: {  	_ =	sdelay $0x2  }
0x13a: {  	[tilespmem:s3+$0x90] =	vst v54  }
0x13b: {  	v1 =	vld.idx.msk [tilespmem:v45+s2+$0x0], $0xffff;
	[tilespmem:s3+$0xA0] =	vst v55  }
0x13c: {  	v18 =	vld.idx.msk [tilespmem:v46+s2+$0x0], $0xffff;
	[tilespmem:s3+$0xB0] =	vst v53  }
0x13d: {  	v19 =	vld.idx.msk [tilespmem:v43+s2+$0x0], $0xffff;
	[tilespmem:s3+$0xC0] =	vst v52  }
0x13e: {  	v20 =	vld.idx.msk [tilespmem:v41+s2+$0x0], $0xffff;
	[tilespmem:s3+$0xD0] =	vst v51  }
0x13f: {  	v21 =	vld.idx.msk [tilespmem:v40+s2+$0x0], $0xffff;
	[tilespmem:s3+$0xE0] =	vst v50  }
0x140: {  	v22 =	vld.idx.msk [tilespmem:v35+s2+$0x0], $0xffff;
	[tilespmem:s3+$0xFFFFFF00] =	vst v34  }
0x141: {  	[tilespmem:s3+$0xFFFFFF10] =	vst v49  }
0x142: {  	[tilespmem:s3+$0xFFFFFF20] =	vst v48  }
0x143: {  	[tilespmem:s3+$0xFFFFFF30] =	vst v36  }
0x144: {  	[tilespmem:s3+$0xFFFFFF40] =	vst v37  }
0x145: {  	[tilespmem:s3+$0xFFFFFF50] =	vst v38  }
0x146: {  	[tilespmem:s3+$0xFFFFFF60] =	vst v39  }
0x147: {  	[tilespmem:s3+$0xFFFFFF70] =	vst v42  }
0x148: {  	[tilespmem:s3+$0xFFFFFF80] =	vst v44  }
0x149: {  	[tilespmem:s3+$0xFFFFFF90] =	vst v47  }
0x14a: {  	[tilespmem:s3+$0xFFFFFFA0] =	vst v1  }
0x14b: {  	[tilespmem:s3+$0xFFFFFFB0] =	vst v18  }
0x14c: {  	[tilespmem:s3+$0xFFFFFFC0] =	vst v19  }
0x14d: {  	[tilespmem:s3+$0xFFFFFFD0] =	vst v20  }
0x14e: {  	[tilespmem:s3+$0xFFFFFFE0] =	vst v21  }
0x14f: {  	[tilespmem:s3+$0xFFFFFFF0] =	vst v22  }
0x150: {  	v1 =	vld [tilespmem:$0x1FF00]  }
0x151: {  	v18 =	vld [tilespmem:$0x1FF10]  }
0x152: {  	v19 =	vld [tilespmem:$0x1FF20]  }
0x153: {  	v20 =	vld [tilespmem:$0x1FF30]  }
0x154: {  	v21 =	vld [tilespmem:$0x1FF40]  }
0x155: {  	v22 =	vld [tilespmem:$0x1FF50]  }
0x156: {  	v23 =	vld [tilespmem:$0x1FF60]  }
0x157: {  	v24 =	vld [tilespmem:$0x1FF70]  }
0x158: {  	v25 =	vld [tilespmem:$0x1FF80]  }
0x159: {  	v26 =	vld [tilespmem:$0x1FF90]  }
0x15a: {  	v27 =	vld [tilespmem:$0x1FFA0]  }
0x15b: {  	v28 =	vld [tilespmem:$0x1FFB0]  }
0x15c: {  	v29 =	vld [tilespmem:$0x1FFC0]  }
0x15d: {  	v30 =	vld [tilespmem:$0x1FFD0]  }
0x15e: {  	v31 =	vld [tilespmem:$0x1FFE0]  }
0x15f: {  	v32 =	vld [tilespmem:$0x1FFF0]  }
0x160: {  	v1 =	vld.idx.msk [tilespmem:v1+s2+$0x0], $0xffff  }
0x161: {  	v18 =	vld.idx.msk [tilespmem:v18+s2+$0x0], $0xffff  }
0x162: {  	v19 =	vld.idx.msk [tilespmem:v19+s2+$0x0], $0xffff  }
0x163: {  	v20 =	vld.idx.msk [tilespmem:v20+s2+$0x0], $0xffff  }
0x164: {  	v21 =	vld.idx.msk [tilespmem:v21+s2+$0x0], $0xffff  }
0x165: {  	v22 =	vld.idx.msk [tilespmem:v22+s2+$0x0], $0xffff  }
0x166: {  	v23 =	vld.idx.msk [tilespmem:v23+s2+$0x0], $0xffff  }
0x167: {  	v24 =	vld.idx.msk [tilespmem:v24+s2+$0x0], $0xffff  }
0x168: {  	v25 =	vld.idx.msk [tilespmem:v25+s2+$0x0], $0xffff  }
0x169: {  	v26 =	vld.idx.msk [tilespmem:v26+s2+$0x0], $0xffff  }
0x16a: {  	v27 =	vld.idx.msk [tilespmem:v27+s2+$0x0], $0xffff  }
0x16b: {  	v28 =	vld.idx.msk [tilespmem:v28+s2+$0x0], $0xffff  }
0x16c: {  	v29 =	vld.idx.msk [tilespmem:v29+s2+$0x0], $0xffff  }
0x16d: {  	v30 =	vld.idx.msk [tilespmem:v30+s2+$0x0], $0xffff  }
0x16e: {  	v31 =	vld.idx.msk [tilespmem:v31+s2+$0x0], $0xffff  }
0x16f: {  	v32 =	vld.idx.msk [tilespmem:v32+s2+$0x0], $0xffff;
	[tilespmem:$0x1F768] =	vst v1  }
0x170: {  	[tilespmem:$0x1F778] =	vst v18  }
0x171: {  	[tilespmem:$0x1F788] =	vst v19  }
0x172: {  	[tilespmem:$0x1F798] =	vst v20  }
0x173: {  	[tilespmem:$0x1F7A8] =	vst v21  }
0x174: {  	[tilespmem:$0x1F7B8] =	vst v22  }
0x175: {  	[tilespmem:$0x1F7C8] =	vst v23  }
0x176: {  	[tilespmem:$0x1F7D8] =	vst v24  }
0x177: {  	[tilespmem:$0x1F7E8] =	vst v25  }
0x178: {  	[tilespmem:$0x1F7F8] =	vst v26  }
0x179: {  	[tilespmem:$0x1F808] =	vst v27  }
0x17a: {  	[tilespmem:$0x1F818] =	vst v28  }
0x17b: {  	[tilespmem:$0x1F828] =	vst v29  }
0x17c: {  	[tilespmem:$0x1F838] =	vst v30  }
0x17d: {  	[tilespmem:$0x1F848] =	vst v31  }
0x17e: {  	[tilespmem:$0x1F858] =	vst v32  }
0x17f: {  	_ =	swait.ge [sflag:s10], $0x20  }
0x180: {  	[sflag:s10] =	ssyncset.done $0x0  }
0x181: {  	[sflag:s10] =	ssyncadd.s32 $0xFFFFFFE0  }
0x182: {  	_ =	swait.ge [sflag:s10], $0x20  }
0x183: {  	[sflag:s10] =	ssyncset.done $0x0  }
0x184: {  	s3 =	simm.s32 $0x0;
	[sflag:s10] =	ssyncadd.s32 $0xFFFFFFE0  }
0x185: {  	[tilespmem:s2], [sflag:$0x2] =	stream.indirect.gather [hbm4b:s4+s30], $0x3E8, s30, s30, $0xb8;
	[tilespmem:$0x1F878] =	vst v63  }
.LBB2_8:
0x186: {  	p0 =	sne.s32 s3, $0x1F000  }
.Ltmp3:
0x187: {  	_ = 	snop;
	(pc) =	sbr.rel @p0 .LBB2_8-.Ltmp3, $4  }
0x188: {  	_ = 	snop  }
0x189: {  	s14 =	sshra.s32 s3, $0x2  }
0x18a: {  	s16 =	sadd.s32 s3, s18;
	s3 =	sadd.s32 $0x400, s3;
	s14 =	sadd.s32 $0x17B68, s14  }
0x18b: {  	[hbm4b:s16+s30] =	stream.strided.scatter [tilespmem:s14], [sflag:$0x4], $0x100, s26, s30, $0x38;
	[tilespmem:$0x1F878] =	vst v63  }
0x18c: {  	s16 =	simm.s32 $0x1  }
.LBB2_10:
0x18d: {  	_ =	swait.ge [sflag:s7], $0x7D00  }
0x18e: {  	[sflag:s7] =	ssyncset.done $0x0  }
0x18f: {  	[sflag:s7] =	ssyncadd.s32 $0xFFFF8300  }
0x190: {  	v1 =	vld [tilespmem:$0x40]  }
0x191: {  	v18 =	vld [tilespmem:$0x0];
	_ =	sdelay $0x3  }
0x192: {  	v1 =	vadd.s32 v0, v1;
	_ =	sdelay $0x2  }
0x193: {  	v19 =	vld [tilespmem:$0x50]  }
0x194: {  	v18 =	vld.idx.msk [tilespmem:v18+s26+$0x0], $0xffff  }
0x195: {  	v1 =	vld.idx.msk [tilespmem:v1+s31+$0x0], $0xffff;
	_ =	sdelay $0x1  }
0x196: {  	v20 =	vld [tilespmem:$0x1F868]  }
0x197: {  	v21 =	vld [tilespmem:$0x10];
	_ =	sdelay $0x1  }
0x198: {  	v1 =	vsub.f32 v18, v1;
	v18 =	vadd.s32 v2, v19;
	_ =	sdelay $0x1  }
0x199: {  	v1 =	vadd.f32 v1, v20;
	_ =	sdelay $0x1  }
0x19a: {  	[tilespmem:$0x1F868] =	vst v1  }
0x19b: {  	v18 =	vld.idx.msk [tilespmem:v18+s31+$0x0], $0xffff  }
0x19c: {  	v19 =	vld.idx.msk [tilespmem:v21+s26+$0x0], $0xffff;
	_ =	sdelay $0x4  }
0x19d: {  	s3 =	simm.s32 $0x8;
	v18 =	vsub.f32 v19, v18  }
0x19e: {  	s24 =	sshll.u32 s16, $0xB;
	v19 =	vmov s3  }
0x19f: {  	s25 =	sadd.s32 s19, s24;
	v1 =	vadd.f32 v18, v1;
	v18 =	vshrl.u32 v19, $0x3  }
0x1a0: {  	s3 =	sshrl.u32 s25, $0x3;
	v18 =	vshll.u32 v18, v3  }
0x1a1: {  	s17 =	simm.s32 $0x0;
	s14 =	sadd.s32 s5, s3;
	[tilespmem:$0x1F868] =	vst v1;
	v1 =	vbroadcast v18, $0x0  }
0x1a2: {  	[tilespmem:s17], [sflag:$0x5] =	stream.linear.gather [hbm4b:s14+s17], $0x20, $0x38;
	[tilespmem:$0x1F878] =	vst v63  }
0x1a3: {  	s3 =	sadd.s32 s6, s3;
	v18 =	vadd.s32 v0, v1  }
0x1a4: {  	v19 =	vadd.s32 v2, v1;
	[tilespmem:s0], [sflag:$0x5] =	stream.linear.gather [hbm4b:s3+s17], $0x20, $0x38;
	[tilespmem:$0x1F878] =	vst v63  }
0x1a5: {  	v55 =	vadd.s32 v4, v1;
	_ =	swait.ge [sflag:s11], $0x7D00  }
0x1a6: {  	v56 =	vadd.s32 v5, v1;
	[sflag:s11] =	ssyncset.done $0x0  }
0x1a7: {  	v22 =	vadd.s32 v6, v1;
	[sflag:s11] =	ssyncadd.s32 $0xFFFF8300  }
0x1a8: {  	v23 =	vadd.s32 v7, v1;
	v18 =	vld.idx.msk [tilespmem:v18+s31+$0x0], $0xffff  }
0x1a9: {  	v24 =	vadd.s32 v8, v1;
	v19 =	vld.idx.msk [tilespmem:v19+s31+$0x0], $0xffff  }
0x1aa: {  	v25 =	vadd.s32 v9, v1;
	v20 =	vld.idx.msk [tilespmem:v55+s31+$0x0], $0xffff  }
0x1ab: {  	v26 =	vadd.s32 v10, v1;
	v21 =	vld.idx.msk [tilespmem:v56+s31+$0x0], $0xffff  }
0x1ac: {  	v27 =	vadd.s32 v17, v1;
	v22 =	vld.idx.msk [tilespmem:v22+s31+$0x0], $0xffff  }
0x1ad: {  	v28 =	vadd.s32 v11, v1;
	v23 =	vld.idx.msk [tilespmem:v23+s31+$0x0], $0xffff  }
0x1ae: {  	v29 =	vmov s17;
	v30 =	vadd.s32 v12, v1;
	v24 =	vld.idx.msk [tilespmem:v24+s31+$0x0], $0xffff  }
0x1af: {  	v29 =	vshrl.u32 v29, $0x3;
	v31 =	vadd.s32 v13, v1;
	v25 =	vld.idx.msk [tilespmem:v25+s31+$0x0], $0xffff  }
0x1b0: {  	v29 =	vshll.u32 v29, v3;
	v32 =	vadd.s32 v14, v1;
	v26 =	vld.idx.msk [tilespmem:v26+s31+$0x0], $0xffff  }
0x1b1: {  	v29 =	vbroadcast v29, $0x0;
	v33 =	vadd.s32 v15, v1;
	v27 =	vld.idx.msk [tilespmem:v27+s31+$0x0], $0xffff  }
0x1b2: {  	v1 =	vadd.s32 v16, v1;
	v54 =	vld.idx.msk [tilespmem:v28+s31+$0x0], $0xffff  }
0x1b3: {  	v57 =	vadd.s32 v0, v29;
	v55 =	vld.idx.msk [tilespmem:v30+s31+$0x0], $0xffff  }
0x1b4: {  	v58 =	vadd.s32 v2, v29;
	v53 =	vld.idx.msk [tilespmem:v31+s31+$0x0], $0xffff  }
0x1b5: {  	v59 =	vadd.s32 v4, v29;
	v52 =	vld.idx.msk [tilespmem:v32+s31+$0x0], $0xffff  }
0x1b6: {  	v60 =	vadd.s32 v5, v29;
	v51 =	vld.idx.msk [tilespmem:v33+s31+$0x0], $0xffff  }
0x1b7: {  	v61 =	vadd.s32 v6, v29;
	s3 =	simm.s32 $0xFF68;
	v50 =	vld.idx.msk [tilespmem:v1+s31+$0x0], $0xffff  }
0x1b8: {  	v62 =	vadd.s32 v8, v29;
	v34 =	vld.idx.msk [tilespmem:v57+s31+$0x0], $0xffff;
	[tilespmem:s3+$0xF0] =	vst v27  }
0x1b9: {  	v63 =	vadd.s32 v11, v29;
	v48 =	vld.idx.msk [tilespmem:v58+s31+$0x0], $0xffff;
	[tilespmem:s3+$0x0] =	vst v18  }
0x1ba: {  	v1 =	vadd.s32 v7, v29;
	v47 =	vld.idx.msk [tilespmem:v59+s31+$0x0], $0xffff;
	[tilespmem:s3+$0x10] =	vst v19  }
0x1bb: {  	v35 =	vld.idx.msk [tilespmem:v60+s31+$0x0], $0xffff;
	v18 =	vadd.s32 v9, v29;
	[tilespmem:s3+$0x20] =	vst v20  }
0x1bc: {  	v36 =	vld.idx.msk [tilespmem:v61+s31+$0x0], $0xffff;
	v19 =	vadd.s32 v10, v29;
	[tilespmem:s3+$0x30] =	vst v21  }
0x1bd: {  	v45 =	vadd.s32 v12, v29;
	s17 =	smul.u32 $0x1F4000, s16;
	v38 =	vld.idx.msk [tilespmem:v62+s31+$0x0], $0xffff;
	[tilespmem:s3+$0x40] =	vst v22  }
0x1be: {  	v46 =	vadd.s32 v13, v29;
	v49 =	vld.idx.msk [tilespmem:v63+s31+$0x0], $0xffff;
	[tilespmem:s3+$0x50] =	vst v23  }
0x1bf: {  	v43 =	vadd.s32 v14, v29;
	s29 =	sor.u32 s17, s12;
	v37 =	vld.idx.msk [tilespmem:v1+s31+$0x0], $0xffff;
	[tilespmem:s3+$0x60] =	vst v24  }
0x1c0: {  	v41 =	vadd.s32 v15, v29;
	s14 =	sshrl.u32 s29, $0x3;
	[tilespmem:s3+$0x70] =	vst v25;
	v40 =	vld.idx.msk [tilespmem:v18+s31+$0x0], $0xffff  }
0x1c1: {  	s28 =	simm.s32 $0x10;
	v42 =	vadd.s32 v16, v29;
	v39 =	vadd.s32 v17, v29;
	s25 =	sadd.s32 s1, s14;
	s14 =	simm.s32 $0x0;
	[tilespmem:s3+$0x80] =	vst v26;
	v44 =	vld.idx.msk [tilespmem:v19+s31+$0x0], $0xffff  }
.LBB2_11:
0x1c2: {  	v1 =	vmov s28;
	s29 =	sadd.s32 $0x8, s28;
	v18 =	vld.idx.msk [tilespmem:v45+s31+$0x0], $0xffff;
	[tilespmem:s3+$0x90] =	vst v54  }
0x1c3: {  	v1 =	vshrl.u32 v1, $0x3;
	v19 =	vmov s29;
	v20 =	vld.idx.msk [tilespmem:v46+s31+$0x0], $0xffff;
	[tilespmem:s3+$0xA0] =	vst v55  }
0x1c4: {  	v1 =	vshll.u32 v1, v3;
	v19 =	vshrl.u32 v19, $0x3;
	v21 =	vld.idx.msk [tilespmem:v43+s31+$0x0], $0xffff;
	[tilespmem:s3+$0xB0] =	vst v53  }
0x1c5: {  	v1 =	vbroadcast v1, $0x0;
	v19 =	vshll.u32 v19, v3;
	v22 =	vld.idx.msk [tilespmem:v41+s31+$0x0], $0xffff;
	[tilespmem:s3+$0xC0] =	vst v52  }
0x1c6: {  	v19 =	vbroadcast v19, $0x0;
	v23 =	vld.idx.msk [tilespmem:v42+s31+$0x0], $0xffff;
	[tilespmem:s3+$0xD0] =	vst v51  }
0x1c7: {  	v24 =	vadd.s32 v0, v1;
	v25 =	vadd.s32 v2, v1;
	v26 =	vadd.s32 v4, v1;
	v27 =	vld.idx.msk [tilespmem:v39+s31+$0x0], $0xffff  }
0x1c8: {  	v28 =	vadd.s32 v5, v1;
	v29 =	vadd.s32 v6, v1;
	v30 =	vadd.s32 v0, v19;
	[tilespmem:s3+$0xE0] =	vst v50  }
0x1c9: {  	v31 =	vadd.s32 v7, v1;
	v32 =	vadd.s32 v8, v1;
	v33 =	vadd.s32 v2, v19;
	[tilespmem:s3+$0xFFFFFF00] =	vst v34  }
0x1ca: {  	v56 =	vadd.s32 v9, v1;
	v57 =	vadd.s32 v10, v1;
	v50 =	vadd.s32 v4, v19;
	[tilespmem:s3+$0xFFFFFF10] =	vst v48  }
0x1cb: {  	s14 =	sadd.s32 $0x2, s14;
	v58 =	vadd.s32 v11, v1;
	v45 =	vadd.s32 v12, v1;
	v48 =	vadd.s32 v5, v19;
	[tilespmem:s3+$0xFFFFFF20] =	vst v47  }
0x1cc: {  	p0 =	slt.u32 s14, $0x7A;
	v46 =	vadd.s32 v13, v1;
	v43 =	vadd.s32 v14, v1;
	v34 =	vld.idx.msk [tilespmem:v24+s31+$0x0], $0xffff;
	v24 =	vadd.s32 v6, v19  }
0x1cd: {  	v41 =	vadd.s32 v15, v1;
	v42 =	vadd.s32 v16, v1;
	v47 =	vadd.s32 v7, v19;
	v30 =	vld.idx.msk [tilespmem:v30+s31+$0x0], $0xffff  }
0x1ce: {  	v39 =	vadd.s32 v17, v1;
	v1 =	vld.idx.msk [tilespmem:v33+s31+$0x0], $0xffff;
	v33 =	vadd.s32 v8, v19;
	[tilespmem:s3+$0xFFFFFF30] =	vst v35  }
0x1cf: {  	v35 =	vadd.s32 v9, v19;
	v59 =	vld.idx.msk [tilespmem:v50+s31+$0x0], $0xffff;
	[tilespmem:s3+$0xFFFFFF40] =	vst v36  }
0x1d0: {  	v36 =	vadd.s32 v10, v19;
	v60 =	vld.idx.msk [tilespmem:v48+s31+$0x0], $0xffff;
	[tilespmem:s3+$0xFFFFFF50] =	vst v37  }
0x1d1: {  	v37 =	vadd.s32 v17, v19;
	v24 =	vld.idx.msk [tilespmem:v24+s31+$0x0], $0xffff;
	[tilespmem:s3+$0xFFFFFF60] =	vst v38  }
0x1d2: {  	v38 =	vadd.s32 v11, v19;
	v61 =	vld.idx.msk [tilespmem:v47+s31+$0x0], $0xffff;
	[tilespmem:s3+$0xFFFFFF70] =	vst v40  }
0x1d3: {  	v40 =	vadd.s32 v12, v19;
	v33 =	vld.idx.msk [tilespmem:v33+s31+$0x0], $0xffff;
	[tilespmem:s3+$0xFFFFFF80] =	vst v44  }
0x1d4: {  	v62 =	vld.idx.msk [tilespmem:v35+s31+$0x0], $0xffff;
	v35 =	vadd.s32 v13, v19;
	[tilespmem:s3+$0xFFFFFF90] =	vst v49  }
0x1d5: {  	v63 =	vld.idx.msk [tilespmem:v36+s31+$0x0], $0xffff;
	v36 =	vadd.s32 v14, v19;
	[tilespmem:s3+$0xFFFFFFA0] =	vst v18  }
0x1d6: {  	v18 =	vadd.s32 v15, v19;
	v37 =	vld.idx.msk [tilespmem:v37+s31+$0x0], $0xffff;
	[tilespmem:s3+$0xFFFFFFB0] =	vst v20  }
0x1d7: {  	v19 =	vadd.s32 v16, v19;
	v54 =	vld.idx.msk [tilespmem:v38+s31+$0x0], $0xffff;
	[tilespmem:s3+$0xFFFFFFC0] =	vst v21  }
0x1d8: {  	v55 =	vld.idx.msk [tilespmem:v40+s31+$0x0], $0xffff;
	[tilespmem:s3+$0xFFFFFFD0] =	vst v22  }
0x1d9: {  	v53 =	vld.idx.msk [tilespmem:v35+s31+$0x0], $0xffff;
	[tilespmem:s3+$0xFFFFFFE0] =	vst v23  }
0x1da: {  	v52 =	vld.idx.msk [tilespmem:v36+s31+$0x0], $0xffff;
	[tilespmem:s3+$0xFFFFFFF0] =	vst v27  }
0x1db: {  	s3 =	sadd.s32 $0x200, s3;
	v51 =	vld.idx.msk [tilespmem:v18+s31+$0x0], $0xffff  }
0x1dc: {  	v50 =	vld.idx.msk [tilespmem:v19+s31+$0x0], $0xffff;
	[tilespmem:s3+$0xF0] =	vst v37  }
0x1dd: {  	v48 =	vld.idx.msk [tilespmem:v25+s31+$0x0], $0xffff;
	[tilespmem:s3+$0x0] =	vst v30  }
0x1de: {  	v47 =	vld.idx.msk [tilespmem:v26+s31+$0x0], $0xffff;
	[tilespmem:s3+$0x10] =	vst v1  }
0x1df: {  	v35 =	vld.idx.msk [tilespmem:v28+s31+$0x0], $0xffff;
	[tilespmem:s3+$0x20] =	vst v59  }
0x1e0: {  	v36 =	vld.idx.msk [tilespmem:v29+s31+$0x0], $0xffff;
	[tilespmem:s3+$0x30] =	vst v60  }
.Ltmp4:
0x1e1: {  	v37 =	vld.idx.msk [tilespmem:v31+s31+$0x0], $0xffff;
	[tilespmem:s3+$0x40] =	vst v24;
	(pc) =	sbr.rel @p0 .LBB2_11-.Ltmp4, $4  }
0x1e2: {  	v38 =	vld.idx.msk [tilespmem:v32+s31+$0x0], $0xffff;
	[tilespmem:s3+$0x50] =	vst v61  }
0x1e3: {  	v40 =	vld.idx.msk [tilespmem:v56+s31+$0x0], $0xffff;
	[tilespmem:s3+$0x60] =	vst v33  }
0x1e4: {  	v44 =	vld.idx.msk [tilespmem:v57+s31+$0x0], $0xffff;
	[tilespmem:s3+$0x70] =	vst v62  }
0x1e5: {  	s28 =	sadd.s32 $0x10, s28;
	v49 =	vld.idx.msk [tilespmem:v58+s31+$0x0], $0xffff;
	[tilespmem:s3+$0x80] =	vst v63  }
0x1e6: {  	_ =	sdelay $0x2  }
0x1e7: {  	[tilespmem:s3+$0x90] =	vst v54  }
0x1e8: {  	v1 =	vld.idx.msk [tilespmem:v45+s31+$0x0], $0xffff;
	[tilespmem:s3+$0xA0] =	vst v55  }
0x1e9: {  	v18 =	vld.idx.msk [tilespmem:v46+s31+$0x0], $0xffff;
	[tilespmem:s3+$0xB0] =	vst v53  }
0x1ea: {  	v19 =	vld.idx.msk [tilespmem:v43+s31+$0x0], $0xffff;
	[tilespmem:s3+$0xC0] =	vst v52  }
0x1eb: {  	v20 =	vld.idx.msk [tilespmem:v41+s31+$0x0], $0xffff;
	[tilespmem:s3+$0xD0] =	vst v51  }
0x1ec: {  	v21 =	vld.idx.msk [tilespmem:v42+s31+$0x0], $0xffff;
	[tilespmem:s3+$0xE0] =	vst v50  }
0x1ed: {  	v22 =	vld.idx.msk [tilespmem:v39+s31+$0x0], $0xffff;
	[tilespmem:s3+$0xFFFFFF00] =	vst v34  }
0x1ee: {  	[tilespmem:s3+$0xFFFFFF10] =	vst v48  }
0x1ef: {  	[tilespmem:s3+$0xFFFFFF20] =	vst v47  }
0x1f0: {  	[tilespmem:s3+$0xFFFFFF30] =	vst v35  }
0x1f1: {  	[tilespmem:s3+$0xFFFFFF40] =	vst v36  }
0x1f2: {  	[tilespmem:s3+$0xFFFFFF50] =	vst v37  }
0x1f3: {  	[tilespmem:s3+$0xFFFFFF60] =	vst v38  }
0x1f4: {  	[tilespmem:s3+$0xFFFFFF70] =	vst v40  }
0x1f5: {  	[tilespmem:s3+$0xFFFFFF80] =	vst v44  }
0x1f6: {  	[tilespmem:s3+$0xFFFFFF90] =	vst v49  }
0x1f7: {  	[tilespmem:s3+$0xFFFFFFA0] =	vst v1  }
0x1f8: {  	[tilespmem:s3+$0xFFFFFFB0] =	vst v18  }
0x1f9: {  	[tilespmem:s3+$0xFFFFFFC0] =	vst v19  }
0x1fa: {  	[tilespmem:s3+$0xFFFFFFD0] =	vst v20  }
0x1fb: {  	[tilespmem:s3+$0xFFFFFFE0] =	vst v21  }
0x1fc: {  	[tilespmem:s3+$0xFFFFFFF0] =	vst v22  }
0x1fd: {  	v1 =	vld [tilespmem:$0x1FF00]  }
0x1fe: {  	v18 =	vld [tilespmem:$0x1FF10]  }
0x1ff: {  	v19 =	vld [tilespmem:$0x1FF20]  }
0x200: {  	v20 =	vld [tilespmem:$0x1FF30]  }
0x201: {  	v21 =	vld [tilespmem:$0x1FF40]  }
0x202: {  	v22 =	vld [tilespmem:$0x1FF50]  }
0x203: {  	v23 =	vld [tilespmem:$0x1FF60]  }
0x204: {  	v24 =	vld [tilespmem:$0x1FF70]  }
0x205: {  	v25 =	vld [tilespmem:$0x1FF80]  }
0x206: {  	v26 =	vld [tilespmem:$0x1FF90]  }
0x207: {  	v27 =	vld [tilespmem:$0x1FFA0]  }
0x208: {  	v28 =	vld [tilespmem:$0x1FFB0]  }
0x209: {  	v29 =	vld [tilespmem:$0x1FFC0]  }
0x20a: {  	v30 =	vld [tilespmem:$0x1FFD0]  }
0x20b: {  	v31 =	vld [tilespmem:$0x1FFE0]  }
0x20c: {  	v32 =	vld [tilespmem:$0x1FFF0]  }
0x20d: {  	v1 =	vld.idx.msk [tilespmem:v1+s31+$0x0], $0xffff  }
0x20e: {  	v18 =	vld.idx.msk [tilespmem:v18+s31+$0x0], $0xffff  }
0x20f: {  	v19 =	vld.idx.msk [tilespmem:v19+s31+$0x0], $0xffff  }
0x210: {  	v20 =	vld.idx.msk [tilespmem:v20+s31+$0x0], $0xffff  }
0x211: {  	v21 =	vld.idx.msk [tilespmem:v21+s31+$0x0], $0xffff  }
0x212: {  	v22 =	vld.idx.msk [tilespmem:v22+s31+$0x0], $0xffff  }
0x213: {  	v23 =	vld.idx.msk [tilespmem:v23+s31+$0x0], $0xffff  }
0x214: {  	v24 =	vld.idx.msk [tilespmem:v24+s31+$0x0], $0xffff  }
0x215: {  	v25 =	vld.idx.msk [tilespmem:v25+s31+$0x0], $0xffff  }
0x216: {  	v26 =	vld.idx.msk [tilespmem:v26+s31+$0x0], $0xffff  }
0x217: {  	v27 =	vld.idx.msk [tilespmem:v27+s31+$0x0], $0xffff  }
0x218: {  	v28 =	vld.idx.msk [tilespmem:v28+s31+$0x0], $0xffff  }
0x219: {  	v29 =	vld.idx.msk [tilespmem:v29+s31+$0x0], $0xffff  }
0x21a: {  	v30 =	vld.idx.msk [tilespmem:v30+s31+$0x0], $0xffff  }
0x21b: {  	v31 =	vld.idx.msk [tilespmem:v31+s31+$0x0], $0xffff  }
0x21c: {  	v32 =	vld.idx.msk [tilespmem:v32+s31+$0x0], $0xffff;
	[tilespmem:$0x17A68] =	vst v1  }
0x21d: {  	[tilespmem:$0x17A78] =	vst v18  }
0x21e: {  	[tilespmem:$0x17A88] =	vst v19  }
0x21f: {  	[tilespmem:$0x17A98] =	vst v20  }
0x220: {  	[tilespmem:$0x17AA8] =	vst v21  }
0x221: {  	[tilespmem:$0x17AB8] =	vst v22  }
0x222: {  	[tilespmem:$0x17AC8] =	vst v23  }
0x223: {  	[tilespmem:$0x17AD8] =	vst v24  }
0x224: {  	[tilespmem:$0x17AE8] =	vst v25  }
0x225: {  	[tilespmem:$0x17AF8] =	vst v26  }
0x226: {  	[tilespmem:$0x17B08] =	vst v27  }
0x227: {  	[tilespmem:$0x17B18] =	vst v28  }
0x228: {  	[tilespmem:$0x17B28] =	vst v29  }
0x229: {  	[tilespmem:$0x17B38] =	vst v30  }
0x22a: {  	[tilespmem:$0x17B48] =	vst v31  }
0x22b: {  	[tilespmem:$0x17B58] =	vst v32  }
0x22c: {  	_ =	swait.ge [sflag:s8], $0x20  }
0x22d: {  	[sflag:s8] =	ssyncset.done $0x0  }
0x22e: {  	[sflag:s8] =	ssyncadd.s32 $0xFFFFFFE0  }
0x22f: {  	_ =	swait.ge [sflag:s8], $0x20  }
0x230: {  	s29 =	simm.s32 $0x0;
	s14 =	simm.s32 $0xFE68;
	[sflag:s8] =	ssyncset.done $0x0  }
0x231: {  	s28 =	sadd.s32 $0x0, s25;
	s3 =	simm.s32 $0x400;
	[sflag:s8] =	ssyncadd.s32 $0xFFFFFFE0  }
0x232: {  	[tilespmem:s31], [sflag:$0x1] =	stream.indirect.gather [hbm4b:s4+s30], $0x3E8, s29, s30, $0xb8;
	[tilespmem:$0x1F878] =	vst v63  }
.LBB2_13:
0x233: {  	[hbm4b:s28+s30] =	stream.strided.scatter [tilespmem:s14], [sflag:$0x3], $0x100, s26, s30, $0x38;
	[tilespmem:$0x1F878] =	vst v63  }
0x234: {  	s28 =	smov.u32 s3;
	p0 =	sne.s32 s3, $0x1F000  }
.Ltmp5:
0x235: {  	s3 =	sadd.s32 $0x400, s3;
	(pc) =	sbr.rel @p0 .LBB2_13-.Ltmp5, $3  }
0x236: {  	_ =	sdelay $0x1  }
0x237: {  	s14 =	sshra.s32 s28, $0x2  }
0x238: {  	s28 =	sadd.s32 s28, s25;
	s14 =	sadd.s32 $0xFE68, s14  }
0x239: {  	[hbm4b:s28+s30] =	stream.strided.scatter [tilespmem:s14], [sflag:$0x3], $0x100, s26, s30, $0x38;
	[tilespmem:$0x1F878] =	vst v63  }
0x23a: {  	_ =	swait.ge [sflag:s9], $0x7D00  }
0x23b: {  	[sflag:s9] =	ssyncset.done $0x0  }
0x23c: {  	[sflag:s9] =	ssyncadd.s32 $0xFFFF8300  }
0x23d: {  	v1 =	vld [tilespmem:$0x60]  }
0x23e: {  	v18 =	vld [tilespmem:$0x20];
	_ =	sdelay $0x3  }
0x23f: {  	v1 =	vadd.s32 v0, v1;
	_ =	sdelay $0x2  }
0x240: {  	v19 =	vld [tilespmem:$0x70]  }
0x241: {  	v18 =	vld.idx.msk [tilespmem:v18+s26+$0x0], $0xffff  }
0x242: {  	v1 =	vld.idx.msk [tilespmem:v1+s2+$0x0], $0xffff;
	_ =	sdelay $0x1  }
0x243: {  	v20 =	vld [tilespmem:$0x1F868]  }
0x244: {  	v21 =	vld [tilespmem:$0x30];
	_ =	sdelay $0x1  }
0x245: {  	v1 =	vsub.f32 v18, v1;
	v18 =	vadd.s32 v2, v19;
	_ =	sdelay $0x1  }
0x246: {  	v1 =	vadd.f32 v1, v20;
	_ =	sdelay $0x1  }
0x247: {  	[tilespmem:$0x1F868] =	vst v1  }
0x248: {  	v18 =	vld.idx.msk [tilespmem:v18+s2+$0x0], $0xffff  }
0x249: {  	v19 =	vld.idx.msk [tilespmem:v21+s26+$0x0], $0xffff;
	_ =	sdelay $0x4  }
0x24a: {  	s3 =	simm.s32 $0x8;
	v18 =	vsub.f32 v19, v18  }
0x24b: {  	v19 =	vmov s3  }
0x24c: {  	s14 =	sadd.s32 s20, s24;
	v1 =	vadd.f32 v18, v1;
	v18 =	vshrl.u32 v19, $0x3  }
0x24d: {  	s3 =	sshrl.u32 s14, $0x3;
	v18 =	vshll.u32 v18, v3  }
0x24e: {  	s25 =	simm.s32 $0x0;
	s24 =	sadd.s32 s5, s3;
	[tilespmem:$0x1F868] =	vst v1;
	v1 =	vbroadcast v18, $0x0  }
0x24f: {  	[tilespmem:s30], [sflag:$0x6] =	stream.linear.gather [hbm4b:s24+s25], $0x20, $0x38;
	[tilespmem:$0x1F878] =	vst v63  }
0x250: {  	s28 =	simm.s32 $0x60;
	s3 =	sadd.s32 s6, s3;
	v18 =	vadd.s32 v0, v1  }
0x251: {  	v19 =	vadd.s32 v2, v1;
	[tilespmem:s28], [sflag:$0x6] =	stream.linear.gather [hbm4b:s3+s25], $0x20, $0x38;
	[tilespmem:$0x1F878] =	vst v63  }
0x252: {  	v55 =	vadd.s32 v4, v1;
	_ =	swait.ge [sflag:s13], $0x7D00  }
0x253: {  	v56 =	vadd.s32 v5, v1;
	[sflag:s13] =	ssyncset.done $0x0  }
0x254: {  	v22 =	vadd.s32 v6, v1;
	[sflag:s13] =	ssyncadd.s32 $0xFFFF8300  }
0x255: {  	v23 =	vadd.s32 v7, v1;
	v18 =	vld.idx.msk [tilespmem:v18+s2+$0x0], $0xffff  }
0x256: {  	v24 =	vadd.s32 v8, v1;
	v19 =	vld.idx.msk [tilespmem:v19+s2+$0x0], $0xffff  }
0x257: {  	v25 =	vadd.s32 v9, v1;
	v20 =	vld.idx.msk [tilespmem:v55+s2+$0x0], $0xffff  }
0x258: {  	v26 =	vadd.s32 v10, v1;
	v21 =	vld.idx.msk [tilespmem:v56+s2+$0x0], $0xffff  }
0x259: {  	v27 =	vadd.s32 v17, v1;
	v22 =	vld.idx.msk [tilespmem:v22+s2+$0x0], $0xffff  }
0x25a: {  	v28 =	vadd.s32 v11, v1;
	v23 =	vld.idx.msk [tilespmem:v23+s2+$0x0], $0xffff  }
0x25b: {  	v29 =	vmov s25;
	v30 =	vadd.s32 v12, v1;
	v24 =	vld.idx.msk [tilespmem:v24+s2+$0x0], $0xffff  }
0x25c: {  	v29 =	vshrl.u32 v29, $0x3;
	v31 =	vadd.s32 v13, v1;
	v25 =	vld.idx.msk [tilespmem:v25+s2+$0x0], $0xffff  }
0x25d: {  	v29 =	vshll.u32 v29, v3;
	v32 =	vadd.s32 v14, v1;
	v26 =	vld.idx.msk [tilespmem:v26+s2+$0x0], $0xffff  }
0x25e: {  	v29 =	vbroadcast v29, $0x0;
	v33 =	vadd.s32 v15, v1;
	v27 =	vld.idx.msk [tilespmem:v27+s2+$0x0], $0xffff  }
0x25f: {  	v1 =	vadd.s32 v16, v1;
	v54 =	vld.idx.msk [tilespmem:v28+s2+$0x0], $0xffff  }
0x260: {  	v57 =	vadd.s32 v0, v29;
	v55 =	vld.idx.msk [tilespmem:v30+s2+$0x0], $0xffff  }
0x261: {  	v58 =	vadd.s32 v2, v29;
	v53 =	vld.idx.msk [tilespmem:v31+s2+$0x0], $0xffff  }
0x262: {  	v59 =	vadd.s32 v4, v29;
	v52 =	vld.idx.msk [tilespmem:v32+s2+$0x0], $0xffff  }
0x263: {  	v60 =	vadd.s32 v5, v29;
	v51 =	vld.idx.msk [tilespmem:v33+s2+$0x0], $0xffff  }
0x264: {  	v61 =	vadd.s32 v6, v29;
	s3 =	simm.s32 $0x17C68;
	v50 =	vld.idx.msk [tilespmem:v1+s2+$0x0], $0xffff  }
0x265: {  	v62 =	vadd.s32 v8, v29;
	v34 =	vld.idx.msk [tilespmem:v57+s2+$0x0], $0xffff;
	[tilespmem:s3+$0xF0] =	vst v27  }
0x266: {  	v63 =	vadd.s32 v11, v29;
	v49 =	vld.idx.msk [tilespmem:v58+s2+$0x0], $0xffff;
	[tilespmem:s3+$0x0] =	vst v18  }
0x267: {  	v1 =	vadd.s32 v7, v29;
	v47 =	vld.idx.msk [tilespmem:v59+s2+$0x0], $0xffff;
	[tilespmem:s3+$0x10] =	vst v19  }
0x268: {  	v35 =	vld.idx.msk [tilespmem:v60+s2+$0x0], $0xffff;
	v18 =	vadd.s32 v9, v29;
	[tilespmem:s3+$0x20] =	vst v20  }
0x269: {  	v36 =	vld.idx.msk [tilespmem:v61+s2+$0x0], $0xffff;
	v19 =	vadd.s32 v10, v29;
	[tilespmem:s3+$0x30] =	vst v21  }
0x26a: {  	v45 =	vadd.s32 v12, v29;
	v38 =	vld.idx.msk [tilespmem:v62+s2+$0x0], $0xffff;
	[tilespmem:s3+$0x40] =	vst v22  }
0x26b: {  	v46 =	vadd.s32 v13, v29;
	v48 =	vld.idx.msk [tilespmem:v63+s2+$0x0], $0xffff;
	[tilespmem:s3+$0x50] =	vst v23  }
0x26c: {  	s29 =	sadd.s32 s21, s17;
	v43 =	vadd.s32 v14, v29;
	v37 =	vld.idx.msk [tilespmem:v1+s2+$0x0], $0xffff;
	[tilespmem:s3+$0x60] =	vst v24  }
0x26d: {  	v41 =	vadd.s32 v15, v29;
	s14 =	sshrl.u32 s29, $0x3;
	[tilespmem:s3+$0x70] =	vst v25;
	v40 =	vld.idx.msk [tilespmem:v18+s2+$0x0], $0xffff  }
0x26e: {  	v42 =	vadd.s32 v16, v29;
	v39 =	vadd.s32 v17, v29;
	s17 =	sadd.s32 s1, s14;
	s14 =	simm.s32 $0x0;
	s24 =	simm.s32 $0x10;
	[tilespmem:s3+$0x80] =	vst v26;
	v44 =	vld.idx.msk [tilespmem:v19+s2+$0x0], $0xffff  }
.LBB2_15:
0x26f: {  	v1 =	vmov s24;
	s25 =	sadd.s32 $0x8, s24;
	v18 =	vld.idx.msk [tilespmem:v45+s2+$0x0], $0xffff;
	[tilespmem:s3+$0x90] =	vst v54  }
0x270: {  	v1 =	vshrl.u32 v1, $0x3;
	v19 =	vmov s25;
	v20 =	vld.idx.msk [tilespmem:v46+s2+$0x0], $0xffff;
	[tilespmem:s3+$0xA0] =	vst v55  }
0x271: {  	v1 =	vshll.u32 v1, v3;
	v19 =	vshrl.u32 v19, $0x3;
	v21 =	vld.idx.msk [tilespmem:v43+s2+$0x0], $0xffff;
	[tilespmem:s3+$0xB0] =	vst v53  }
0x272: {  	v1 =	vbroadcast v1, $0x0;
	v19 =	vshll.u32 v19, v3;
	v22 =	vld.idx.msk [tilespmem:v41+s2+$0x0], $0xffff;
	[tilespmem:s3+$0xC0] =	vst v52  }
0x273: {  	v19 =	vbroadcast v19, $0x0;
	v23 =	vld.idx.msk [tilespmem:v42+s2+$0x0], $0xffff;
	[tilespmem:s3+$0xD0] =	vst v51  }
0x274: {  	v24 =	vadd.s32 v0, v1;
	v25 =	vadd.s32 v2, v1;
	v26 =	vadd.s32 v4, v1;
	v27 =	vld.idx.msk [tilespmem:v39+s2+$0x0], $0xffff  }
0x275: {  	v28 =	vadd.s32 v5, v1;
	v29 =	vadd.s32 v6, v1;
	v30 =	vadd.s32 v0, v19;
	[tilespmem:s3+$0xE0] =	vst v50  }
0x276: {  	v31 =	vadd.s32 v7, v1;
	v32 =	vadd.s32 v8, v1;
	v33 =	vadd.s32 v2, v19;
	[tilespmem:s3+$0xFFFFFF00] =	vst v34  }
0x277: {  	v56 =	vadd.s32 v9, v1;
	v57 =	vadd.s32 v10, v1;
	v50 =	vadd.s32 v4, v19;
	[tilespmem:s3+$0xFFFFFF10] =	vst v49  }
0x278: {  	s14 =	sadd.s32 $0x2, s14;
	v58 =	vadd.s32 v11, v1;
	v45 =	vadd.s32 v12, v1;
	v49 =	vadd.s32 v5, v19;
	[tilespmem:s3+$0xFFFFFF20] =	vst v47  }
0x279: {  	p0 =	slt.u32 s14, $0x7A;
	v46 =	vadd.s32 v13, v1;
	v43 =	vadd.s32 v14, v1;
	v34 =	vld.idx.msk [tilespmem:v24+s2+$0x0], $0xffff;
	v24 =	vadd.s32 v6, v19  }
0x27a: {  	v41 =	vadd.s32 v15, v1;
	v42 =	vadd.s32 v16, v1;
	v47 =	vadd.s32 v7, v19;
	v30 =	vld.idx.msk [tilespmem:v30+s2+$0x0], $0xffff  }
0x27b: {  	v39 =	vadd.s32 v17, v1;
	v1 =	vld.idx.msk [tilespmem:v33+s2+$0x0], $0xffff;
	v33 =	vadd.s32 v8, v19;
	[tilespmem:s3+$0xFFFFFF30] =	vst v35  }
0x27c: {  	v35 =	vadd.s32 v9, v19;
	v59 =	vld.idx.msk [tilespmem:v50+s2+$0x0], $0xffff;
	[tilespmem:s3+$0xFFFFFF40] =	vst v36  }
0x27d: {  	v36 =	vadd.s32 v10, v19;
	v60 =	vld.idx.msk [tilespmem:v49+s2+$0x0], $0xffff;
	[tilespmem:s3+$0xFFFFFF50] =	vst v37  }
0x27e: {  	v37 =	vadd.s32 v17, v19;
	v24 =	vld.idx.msk [tilespmem:v24+s2+$0x0], $0xffff;
	[tilespmem:s3+$0xFFFFFF60] =	vst v38  }
0x27f: {  	v38 =	vadd.s32 v11, v19;
	v61 =	vld.idx.msk [tilespmem:v47+s2+$0x0], $0xffff;
	[tilespmem:s3+$0xFFFFFF70] =	vst v40  }
0x280: {  	v40 =	vadd.s32 v12, v19;
	v33 =	vld.idx.msk [tilespmem:v33+s2+$0x0], $0xffff;
	[tilespmem:s3+$0xFFFFFF80] =	vst v44  }
0x281: {  	v62 =	vld.idx.msk [tilespmem:v35+s2+$0x0], $0xffff;
	v35 =	vadd.s32 v13, v19;
	[tilespmem:s3+$0xFFFFFF90] =	vst v48  }
0x282: {  	v63 =	vld.idx.msk [tilespmem:v36+s2+$0x0], $0xffff;
	v36 =	vadd.s32 v14, v19;
	[tilespmem:s3+$0xFFFFFFA0] =	vst v18  }
0x283: {  	v18 =	vadd.s32 v15, v19;
	v37 =	vld.idx.msk [tilespmem:v37+s2+$0x0], $0xffff;
	[tilespmem:s3+$0xFFFFFFB0] =	vst v20  }
0x284: {  	v19 =	vadd.s32 v16, v19;
	v54 =	vld.idx.msk [tilespmem:v38+s2+$0x0], $0xffff;
	[tilespmem:s3+$0xFFFFFFC0] =	vst v21  }
0x285: {  	v55 =	vld.idx.msk [tilespmem:v40+s2+$0x0], $0xffff;
	[tilespmem:s3+$0xFFFFFFD0] =	vst v22  }
0x286: {  	v53 =	vld.idx.msk [tilespmem:v35+s2+$0x0], $0xffff;
	[tilespmem:s3+$0xFFFFFFE0] =	vst v23  }
0x287: {  	v52 =	vld.idx.msk [tilespmem:v36+s2+$0x0], $0xffff;
	[tilespmem:s3+$0xFFFFFFF0] =	vst v27  }
0x288: {  	s3 =	sadd.s32 $0x200, s3;
	v51 =	vld.idx.msk [tilespmem:v18+s2+$0x0], $0xffff  }
0x289: {  	v50 =	vld.idx.msk [tilespmem:v19+s2+$0x0], $0xffff;
	[tilespmem:s3+$0xF0] =	vst v37  }
0x28a: {  	v49 =	vld.idx.msk [tilespmem:v25+s2+$0x0], $0xffff;
	[tilespmem:s3+$0x0] =	vst v30  }
0x28b: {  	v47 =	vld.idx.msk [tilespmem:v26+s2+$0x0], $0xffff;
	[tilespmem:s3+$0x10] =	vst v1  }
0x28c: {  	v35 =	vld.idx.msk [tilespmem:v28+s2+$0x0], $0xffff;
	[tilespmem:s3+$0x20] =	vst v59  }
0x28d: {  	v36 =	vld.idx.msk [tilespmem:v29+s2+$0x0], $0xffff;
	[tilespmem:s3+$0x30] =	vst v60  }
.Ltmp6:
0x28e: {  	v37 =	vld.idx.msk [tilespmem:v31+s2+$0x0], $0xffff;
	[tilespmem:s3+$0x40] =	vst v24;
	(pc) =	sbr.rel @p0 .LBB2_15-.Ltmp6, $4  }
0x28f: {  	v38 =	vld.idx.msk [tilespmem:v32+s2+$0x0], $0xffff;
	[tilespmem:s3+$0x50] =	vst v61  }
0x290: {  	v40 =	vld.idx.msk [tilespmem:v56+s2+$0x0], $0xffff;
	[tilespmem:s3+$0x60] =	vst v33  }
0x291: {  	v44 =	vld.idx.msk [tilespmem:v57+s2+$0x0], $0xffff;
	[tilespmem:s3+$0x70] =	vst v62  }
0x292: {  	s24 =	sadd.s32 $0x10, s24;
	v48 =	vld.idx.msk [tilespmem:v58+s2+$0x0], $0xffff;
	[tilespmem:s3+$0x80] =	vst v63  }
0x293: {  	_ =	sdelay $0x2  }
0x294: {  	[tilespmem:s3+$0x90] =	vst v54  }
0x295: {  	v1 =	vld.idx.msk [tilespmem:v45+s2+$0x0], $0xffff;
	[tilespmem:s3+$0xA0] =	vst v55  }
0x296: {  	v18 =	vld.idx.msk [tilespmem:v46+s2+$0x0], $0xffff;
	[tilespmem:s3+$0xB0] =	vst v53  }
0x297: {  	v19 =	vld.idx.msk [tilespmem:v43+s2+$0x0], $0xffff;
	[tilespmem:s3+$0xC0] =	vst v52  }
0x298: {  	v20 =	vld.idx.msk [tilespmem:v41+s2+$0x0], $0xffff;
	[tilespmem:s3+$0xD0] =	vst v51  }
0x299: {  	v21 =	vld.idx.msk [tilespmem:v42+s2+$0x0], $0xffff;
	[tilespmem:s3+$0xE0] =	vst v50  }
0x29a: {  	v22 =	vld.idx.msk [tilespmem:v39+s2+$0x0], $0xffff;
	[tilespmem:s3+$0xFFFFFF00] =	vst v34  }
0x29b: {  	[tilespmem:s3+$0xFFFFFF10] =	vst v49  }
0x29c: {  	[tilespmem:s3+$0xFFFFFF20] =	vst v47  }
0x29d: {  	[tilespmem:s3+$0xFFFFFF30] =	vst v35  }
0x29e: {  	[tilespmem:s3+$0xFFFFFF40] =	vst v36  }
0x29f: {  	[tilespmem:s3+$0xFFFFFF50] =	vst v37  }
0x2a0: {  	[tilespmem:s3+$0xFFFFFF60] =	vst v38  }
0x2a1: {  	[tilespmem:s3+$0xFFFFFF70] =	vst v40  }
0x2a2: {  	[tilespmem:s3+$0xFFFFFF80] =	vst v44  }
0x2a3: {  	[tilespmem:s3+$0xFFFFFF90] =	vst v48  }
0x2a4: {  	[tilespmem:s3+$0xFFFFFFA0] =	vst v1  }
0x2a5: {  	[tilespmem:s3+$0xFFFFFFB0] =	vst v18  }
0x2a6: {  	[tilespmem:s3+$0xFFFFFFC0] =	vst v19  }
0x2a7: {  	[tilespmem:s3+$0xFFFFFFD0] =	vst v20  }
0x2a8: {  	[tilespmem:s3+$0xFFFFFFE0] =	vst v21  }
0x2a9: {  	[tilespmem:s3+$0xFFFFFFF0] =	vst v22  }
0x2aa: {  	v1 =	vld [tilespmem:$0x1FF00]  }
0x2ab: {  	v18 =	vld [tilespmem:$0x1FF10]  }
0x2ac: {  	v19 =	vld [tilespmem:$0x1FF20]  }
0x2ad: {  	v20 =	vld [tilespmem:$0x1FF30]  }
0x2ae: {  	v21 =	vld [tilespmem:$0x1FF40]  }
0x2af: {  	v22 =	vld [tilespmem:$0x1FF50]  }
0x2b0: {  	v23 =	vld [tilespmem:$0x1FF60]  }
0x2b1: {  	v24 =	vld [tilespmem:$0x1FF70]  }
0x2b2: {  	v25 =	vld [tilespmem:$0x1FF80]  }
0x2b3: {  	v26 =	vld [tilespmem:$0x1FF90]  }
0x2b4: {  	v27 =	vld [tilespmem:$0x1FFA0]  }
0x2b5: {  	v28 =	vld [tilespmem:$0x1FFB0]  }
0x2b6: {  	v29 =	vld [tilespmem:$0x1FFC0]  }
0x2b7: {  	v30 =	vld [tilespmem:$0x1FFD0]  }
0x2b8: {  	v31 =	vld [tilespmem:$0x1FFE0]  }
0x2b9: {  	v32 =	vld [tilespmem:$0x1FFF0]  }
0x2ba: {  	v1 =	vld.idx.msk [tilespmem:v1+s2+$0x0], $0xffff  }
0x2bb: {  	v18 =	vld.idx.msk [tilespmem:v18+s2+$0x0], $0xffff  }
0x2bc: {  	v19 =	vld.idx.msk [tilespmem:v19+s2+$0x0], $0xffff  }
0x2bd: {  	v20 =	vld.idx.msk [tilespmem:v20+s2+$0x0], $0xffff  }
0x2be: {  	v21 =	vld.idx.msk [tilespmem:v21+s2+$0x0], $0xffff  }
0x2bf: {  	v22 =	vld.idx.msk [tilespmem:v22+s2+$0x0], $0xffff  }
0x2c0: {  	v23 =	vld.idx.msk [tilespmem:v23+s2+$0x0], $0xffff  }
0x2c1: {  	v24 =	vld.idx.msk [tilespmem:v24+s2+$0x0], $0xffff  }
0x2c2: {  	v25 =	vld.idx.msk [tilespmem:v25+s2+$0x0], $0xffff  }
0x2c3: {  	v26 =	vld.idx.msk [tilespmem:v26+s2+$0x0], $0xffff  }
0x2c4: {  	v27 =	vld.idx.msk [tilespmem:v27+s2+$0x0], $0xffff  }
0x2c5: {  	v28 =	vld.idx.msk [tilespmem:v28+s2+$0x0], $0xffff  }
0x2c6: {  	v29 =	vld.idx.msk [tilespmem:v29+s2+$0x0], $0xffff  }
0x2c7: {  	v30 =	vld.idx.msk [tilespmem:v30+s2+$0x0], $0xffff  }
0x2c8: {  	v31 =	vld.idx.msk [tilespmem:v31+s2+$0x0], $0xffff  }
0x2c9: {  	v32 =	vld.idx.msk [tilespmem:v32+s2+$0x0], $0xffff;
	[tilespmem:$0x1F768] =	vst v1  }
0x2ca: {  	[tilespmem:$0x1F778] =	vst v18  }
0x2cb: {  	[tilespmem:$0x1F788] =	vst v19  }
0x2cc: {  	[tilespmem:$0x1F798] =	vst v20  }
0x2cd: {  	[tilespmem:$0x1F7A8] =	vst v21  }
0x2ce: {  	[tilespmem:$0x1F7B8] =	vst v22  }
0x2cf: {  	[tilespmem:$0x1F7C8] =	vst v23  }
0x2d0: {  	[tilespmem:$0x1F7D8] =	vst v24  }
0x2d1: {  	[tilespmem:$0x1F7E8] =	vst v25  }
0x2d2: {  	[tilespmem:$0x1F7F8] =	vst v26  }
0x2d3: {  	[tilespmem:$0x1F808] =	vst v27  }
0x2d4: {  	[tilespmem:$0x1F818] =	vst v28  }
0x2d5: {  	[tilespmem:$0x1F828] =	vst v29  }
0x2d6: {  	[tilespmem:$0x1F838] =	vst v30  }
0x2d7: {  	[tilespmem:$0x1F848] =	vst v31  }
0x2d8: {  	[tilespmem:$0x1F858] =	vst v32  }
0x2d9: {  	_ =	swait.ge [sflag:s10], $0x20  }
0x2da: {  	[sflag:s10] =	ssyncset.done $0x0  }
0x2db: {  	[sflag:s10] =	ssyncadd.s32 $0xFFFFFFE0  }
0x2dc: {  	_ =	swait.ge [sflag:s10], $0x20  }
0x2dd: {  	s14 =	simm.s32 $0x17B68;
	[sflag:s10] =	ssyncset.done $0x0  }
0x2de: {  	s24 =	sadd.s32 $0x0, s17;
	s3 =	simm.s32 $0x400;
	[sflag:s10] =	ssyncadd.s32 $0xFFFFFFE0  }
0x2df: {  	[tilespmem:s2], [sflag:$0x2] =	stream.indirect.gather [hbm4b:s4+s30], $0x3E8, s30, s30, $0xb8;
	[tilespmem:$0x1F878] =	vst v63  }
.LBB2_17:
0x2e0: {  	[hbm4b:s24+s30] =	stream.strided.scatter [tilespmem:s14], [sflag:$0x4], $0x100, s26, s30, $0x38;
	[tilespmem:$0x1F878] =	vst v63  }
0x2e1: {  	s24 =	smov.u32 s3;
	p0 =	sne.s32 s3, $0x1F000  }
.Ltmp7:
0x2e2: {  	s3 =	sadd.s32 $0x400, s3;
	(pc) =	sbr.rel @p0 .LBB2_17-.Ltmp7, $3  }
0x2e3: {  	_ =	sdelay $0x1  }
0x2e4: {  	s14 =	sshra.s32 s24, $0x2  }
0x2e5: {  	s24 =	sadd.s32 s24, s17;
	s14 =	sadd.s32 $0x17B68, s14  }
0x2e6: {  	s16 =	sadd.s32 $0x1, s16  }
0x2e7: {  	p0 =	sne.s32 s16, $0x18  }
.Ltmp8:
0x2e8: {  	_ = 	snop;
	(pc) =	sbr.rel @p0 .LBB2_10-.Ltmp8, $2  }
0x2e9: {  	_ =	sdelay $0x2  }
0x2ea: {  	[hbm4b:s24+s30] =	stream.strided.scatter [tilespmem:s14], [sflag:$0x4], $0x100, s26, s30, $0x38;
	[tilespmem:$0x1F878] =	vst v63  }
0x2eb: {  	_ =	swait.ge [sflag:s7], $0x7D00  }
0x2ec: {  	[sflag:s7] =	ssyncset.done $0x0  }
0x2ed: {  	[sflag:s7] =	ssyncadd.s32 $0xFFFF8300  }
0x2ee: {  	v1 =	vld [tilespmem:$0x40]  }
0x2ef: {  	v18 =	vld [tilespmem:$0x0];
	_ =	sdelay $0x3  }
0x2f0: {  	v1 =	vadd.s32 v0, v1;
	_ =	sdelay $0x2  }
0x2f1: {  	v19 =	vld [tilespmem:$0x50]  }
0x2f2: {  	v18 =	vld.idx.msk [tilespmem:v18+s26+$0x0], $0xffff  }
0x2f3: {  	v1 =	vld.idx.msk [tilespmem:v1+s31+$0x0], $0xffff;
	_ =	sdelay $0x1  }
0x2f4: {  	v20 =	vld [tilespmem:$0x1F868]  }
0x2f5: {  	v21 =	vld [tilespmem:$0x10];
	_ =	sdelay $0x1  }
0x2f6: {  	v1 =	vsub.f32 v18, v1;
	v18 =	vadd.s32 v2, v19;
	_ =	sdelay $0x1  }
0x2f7: {  	v1 =	vadd.f32 v1, v20;
	_ =	sdelay $0x1  }
0x2f8: {  	[tilespmem:$0x1F868] =	vst v1  }
0x2f9: {  	v18 =	vld.idx.msk [tilespmem:v18+s31+$0x0], $0xffff  }
0x2fa: {  	v19 =	vld.idx.msk [tilespmem:v21+s26+$0x0], $0xffff;
	_ =	sdelay $0x1  }
0x2fb: {  	s3 =	simm.s32 $0x8  }
0x2fc: {  	v54 =	vmov s3  }
0x2fd: {  	v20 =	vshrl.u32 v54, $0x3  }
0x2fe: {  	v18 =	vsub.f32 v19, v18;
	v19 =	vshll.u32 v20, v3  }
0x2ff: {  	v19 =	vbroadcast v19, $0x0  }
0x300: {  	v1 =	vadd.f32 v18, v1  }
0x301: {  	v18 =	vadd.s32 v0, v19  }
0x302: {  	v55 =	vadd.s32 v4, v19;
	[tilespmem:$0x1F868] =	vst v1  }
0x303: {  	v56 =	vadd.s32 v5, v19;
	_ =	swait.ge [sflag:s11], $0x7D00  }
0x304: {  	v22 =	vadd.s32 v6, v19;
	[sflag:s11] =	ssyncset.done $0x0  }
0x305: {  	v23 =	vadd.s32 v7, v19;
	[sflag:s11] =	ssyncadd.s32 $0xFFFF8300  }
0x306: {  	v24 =	vadd.s32 v8, v19;
	v18 =	vld.idx.msk [tilespmem:v18+s31+$0x0], $0xffff  }
0x307: {  	v25 =	vadd.s32 v9, v19;
	v20 =	vld.idx.msk [tilespmem:v55+s31+$0x0], $0xffff  }
0x308: {  	v26 =	vadd.s32 v10, v19;
	v21 =	vld.idx.msk [tilespmem:v56+s31+$0x0], $0xffff  }
0x309: {  	s29 =	simm.s32 $0x0;
	v27 =	vadd.s32 v17, v19;
	v22 =	vld.idx.msk [tilespmem:v22+s31+$0x0], $0xffff  }
0x30a: {  	v29 =	vmov s29;
	v28 =	vadd.s32 v11, v19;
	v23 =	vld.idx.msk [tilespmem:v23+s31+$0x0], $0xffff  }
0x30b: {  	v29 =	vshrl.u32 v29, $0x3;
	v30 =	vadd.s32 v12, v19;
	v24 =	vld.idx.msk [tilespmem:v24+s31+$0x0], $0xffff  }
0x30c: {  	v29 =	vshll.u32 v29, v3;
	v31 =	vadd.s32 v13, v19;
	v25 =	vld.idx.msk [tilespmem:v25+s31+$0x0], $0xffff  }
0x30d: {  	v29 =	vbroadcast v29, $0x0;
	v32 =	vadd.s32 v14, v19;
	v26 =	vld.idx.msk [tilespmem:v26+s31+$0x0], $0xffff  }
0x30e: {  	v33 =	vadd.s32 v15, v19;
	v27 =	vld.idx.msk [tilespmem:v27+s31+$0x0], $0xffff  }
0x30f: {  	v57 =	vadd.s32 v0, v29;
	v54 =	vld.idx.msk [tilespmem:v28+s31+$0x0], $0xffff  }
0x310: {  	v1 =	vadd.s32 v2, v19;
	v55 =	vld.idx.msk [tilespmem:v30+s31+$0x0], $0xffff  }
0x311: {  	v19 =	vadd.s32 v16, v19;
	v53 =	vld.idx.msk [tilespmem:v31+s31+$0x0], $0xffff  }
0x312: {  	v58 =	vadd.s32 v2, v29;
	v52 =	vld.idx.msk [tilespmem:v32+s31+$0x0], $0xffff  }
0x313: {  	v59 =	vadd.s32 v4, v29;
	v51 =	vld.idx.msk [tilespmem:v33+s31+$0x0], $0xffff  }
0x314: {  	v60 =	vadd.s32 v5, v29;
	v34 =	vld.idx.msk [tilespmem:v57+s31+$0x0], $0xffff  }
0x315: {  	s3 =	simm.s32 $0xFF68;
	v61 =	vadd.s32 v6, v29;
	v1 =	vld.idx.msk [tilespmem:v1+s31+$0x0], $0xffff  }
0x316: {  	v62 =	vadd.s32 v8, v29;
	v50 =	vld.idx.msk [tilespmem:v19+s31+$0x0], $0xffff;
	[tilespmem:s3+$0xF0] =	vst v27  }
0x317: {  	v63 =	vadd.s32 v11, v29;
	v49 =	vld.idx.msk [tilespmem:v58+s31+$0x0], $0xffff;
	[tilespmem:s3+$0x0] =	vst v18  }
0x318: {  	v48 =	vld.idx.msk [tilespmem:v59+s31+$0x0], $0xffff;
	v19 =	vadd.s32 v7, v29;
	[tilespmem:s3+$0x20] =	vst v20  }
0x319: {  	v36 =	vld.idx.msk [tilespmem:v60+s31+$0x0], $0xffff;
	v18 =	vadd.s32 v9, v29;
	[tilespmem:s3+$0x30] =	vst v21  }
0x31a: {  	v37 =	vld.idx.msk [tilespmem:v61+s31+$0x0], $0xffff;
	[tilespmem:s3+$0x10] =	vst v1;
	v1 =	vadd.s32 v10, v29  }
0x31b: {  	v45 =	vadd.s32 v12, v29;
	v39 =	vld.idx.msk [tilespmem:v62+s31+$0x0], $0xffff;
	[tilespmem:s3+$0x40] =	vst v22  }
0x31c: {  	v46 =	vadd.s32 v13, v29;
	v47 =	vld.idx.msk [tilespmem:v63+s31+$0x0], $0xffff;
	[tilespmem:s3+$0x50] =	vst v23  }
0x31d: {  	v43 =	vadd.s32 v14, v29;
	[tilespmem:s3+$0x60] =	vst v24;
	v38 =	vld.idx.msk [tilespmem:v19+s31+$0x0], $0xffff  }
0x31e: {  	v41 =	vadd.s32 v15, v29;
	[tilespmem:s3+$0x70] =	vst v25;
	v42 =	vld.idx.msk [tilespmem:v18+s31+$0x0], $0xffff  }
0x31f: {  	s14 =	simm.s32 $0x0;
	s16 =	simm.s32 $0x10;
	v40 =	vadd.s32 v16, v29;
	v35 =	vadd.s32 v17, v29;
	[tilespmem:s3+$0x80] =	vst v26;
	v44 =	vld.idx.msk [tilespmem:v1+s31+$0x0], $0xffff  }
.LBB2_20:
0x320: {  	v1 =	vmov s16;
	s17 =	sadd.s32 $0x8, s16;
	v18 =	vld.idx.msk [tilespmem:v45+s31+$0x0], $0xffff;
	[tilespmem:s3+$0x90] =	vst v54  }
0x321: {  	v1 =	vshrl.u32 v1, $0x3;
	v19 =	vmov s17;
	v20 =	vld.idx.msk [tilespmem:v46+s31+$0x0], $0xffff;
	[tilespmem:s3+$0xA0] =	vst v55  }
0x322: {  	v1 =	vshll.u32 v1, v3;
	v19 =	vshrl.u32 v19, $0x3;
	v21 =	vld.idx.msk [tilespmem:v43+s31+$0x0], $0xffff;
	[tilespmem:s3+$0xB0] =	vst v53  }
0x323: {  	v1 =	vbroadcast v1, $0x0;
	v19 =	vshll.u32 v19, v3;
	v22 =	vld.idx.msk [tilespmem:v41+s31+$0x0], $0xffff;
	[tilespmem:s3+$0xC0] =	vst v52  }
0x324: {  	v19 =	vbroadcast v19, $0x0;
	v23 =	vld.idx.msk [tilespmem:v40+s31+$0x0], $0xffff;
	[tilespmem:s3+$0xD0] =	vst v51  }
0x325: {  	v24 =	vadd.s32 v0, v1;
	v25 =	vadd.s32 v2, v1;
	v26 =	vadd.s32 v4, v1;
	v27 =	vld.idx.msk [tilespmem:v35+s31+$0x0], $0xffff  }
0x326: {  	v28 =	vadd.s32 v5, v1;
	v29 =	vadd.s32 v6, v1;
	v30 =	vadd.s32 v0, v19;
	[tilespmem:s3+$0xE0] =	vst v50  }
0x327: {  	v31 =	vadd.s32 v7, v1;
	v32 =	vadd.s32 v8, v1;
	v33 =	vadd.s32 v2, v19;
	[tilespmem:s3+$0xFFFFFF00] =	vst v34  }
0x328: {  	v56 =	vadd.s32 v9, v1;
	v57 =	vadd.s32 v10, v1;
	v50 =	vadd.s32 v4, v19;
	[tilespmem:s3+$0xFFFFFF10] =	vst v49  }
0x329: {  	s14 =	sadd.s32 $0x2, s14;
	v58 =	vadd.s32 v11, v1;
	v45 =	vadd.s32 v12, v1;
	v49 =	vadd.s32 v5, v19;
	[tilespmem:s3+$0xFFFFFF20] =	vst v48  }
0x32a: {  	p0 =	slt.u32 s14, $0x7A;
	v46 =	vadd.s32 v13, v1;
	v43 =	vadd.s32 v14, v1;
	v34 =	vld.idx.msk [tilespmem:v24+s31+$0x0], $0xffff;
	v24 =	vadd.s32 v6, v19  }
0x32b: {  	v41 =	vadd.s32 v15, v1;
	v40 =	vadd.s32 v16, v1;
	v48 =	vadd.s32 v7, v19;
	v30 =	vld.idx.msk [tilespmem:v30+s31+$0x0], $0xffff  }
0x32c: {  	v35 =	vadd.s32 v17, v1;
	v1 =	vld.idx.msk [tilespmem:v33+s31+$0x0], $0xffff;
	v33 =	vadd.s32 v8, v19;
	[tilespmem:s3+$0xFFFFFF30] =	vst v36  }
0x32d: {  	v36 =	vadd.s32 v9, v19;
	v59 =	vld.idx.msk [tilespmem:v50+s31+$0x0], $0xffff;
	[tilespmem:s3+$0xFFFFFF40] =	vst v37  }
0x32e: {  	v37 =	vadd.s32 v10, v19;
	v60 =	vld.idx.msk [tilespmem:v49+s31+$0x0], $0xffff;
	[tilespmem:s3+$0xFFFFFF50] =	vst v38  }
0x32f: {  	v38 =	vadd.s32 v17, v19;
	v24 =	vld.idx.msk [tilespmem:v24+s31+$0x0], $0xffff;
	[tilespmem:s3+$0xFFFFFF60] =	vst v39  }
0x330: {  	v39 =	vadd.s32 v11, v19;
	v61 =	vld.idx.msk [tilespmem:v48+s31+$0x0], $0xffff;
	[tilespmem:s3+$0xFFFFFF70] =	vst v42  }
0x331: {  	v42 =	vadd.s32 v12, v19;
	v33 =	vld.idx.msk [tilespmem:v33+s31+$0x0], $0xffff;
	[tilespmem:s3+$0xFFFFFF80] =	vst v44  }
0x332: {  	v62 =	vld.idx.msk [tilespmem:v36+s31+$0x0], $0xffff;
	v36 =	vadd.s32 v13, v19;
	[tilespmem:s3+$0xFFFFFF90] =	vst v47  }
0x333: {  	v63 =	vld.idx.msk [tilespmem:v37+s31+$0x0], $0xffff;
	v37 =	vadd.s32 v14, v19;
	[tilespmem:s3+$0xFFFFFFA0] =	vst v18  }
0x334: {  	v18 =	vadd.s32 v15, v19;
	v38 =	vld.idx.msk [tilespmem:v38+s31+$0x0], $0xffff;
	[tilespmem:s3+$0xFFFFFFB0] =	vst v20  }
0x335: {  	v19 =	vadd.s32 v16, v19;
	v54 =	vld.idx.msk [tilespmem:v39+s31+$0x0], $0xffff;
	[tilespmem:s3+$0xFFFFFFC0] =	vst v21  }
0x336: {  	v55 =	vld.idx.msk [tilespmem:v42+s31+$0x0], $0xffff;
	[tilespmem:s3+$0xFFFFFFD0] =	vst v22  }
0x337: {  	v53 =	vld.idx.msk [tilespmem:v36+s31+$0x0], $0xffff;
	[tilespmem:s3+$0xFFFFFFE0] =	vst v23  }
0x338: {  	v52 =	vld.idx.msk [tilespmem:v37+s31+$0x0], $0xffff;
	[tilespmem:s3+$0xFFFFFFF0] =	vst v27  }
0x339: {  	s3 =	sadd.s32 $0x200, s3;
	v51 =	vld.idx.msk [tilespmem:v18+s31+$0x0], $0xffff  }
0x33a: {  	v50 =	vld.idx.msk [tilespmem:v19+s31+$0x0], $0xffff;
	[tilespmem:s3+$0xF0] =	vst v38  }
0x33b: {  	v49 =	vld.idx.msk [tilespmem:v25+s31+$0x0], $0xffff;
	[tilespmem:s3+$0x0] =	vst v30  }
0x33c: {  	v48 =	vld.idx.msk [tilespmem:v26+s31+$0x0], $0xffff;
	[tilespmem:s3+$0x10] =	vst v1  }
0x33d: {  	v36 =	vld.idx.msk [tilespmem:v28+s31+$0x0], $0xffff;
	[tilespmem:s3+$0x20] =	vst v59  }
0x33e: {  	v37 =	vld.idx.msk [tilespmem:v29+s31+$0x0], $0xffff;
	[tilespmem:s3+$0x30] =	vst v60  }
.Ltmp9:
0x33f: {  	v38 =	vld.idx.msk [tilespmem:v31+s31+$0x0], $0xffff;
	[tilespmem:s3+$0x40] =	vst v24;
	(pc) =	sbr.rel @p0 .LBB2_20-.Ltmp9, $4  }
0x340: {  	v39 =	vld.idx.msk [tilespmem:v32+s31+$0x0], $0xffff;
	[tilespmem:s3+$0x50] =	vst v61  }
0x341: {  	v42 =	vld.idx.msk [tilespmem:v56+s31+$0x0], $0xffff;
	[tilespmem:s3+$0x60] =	vst v33  }
0x342: {  	v44 =	vld.idx.msk [tilespmem:v57+s31+$0x0], $0xffff;
	[tilespmem:s3+$0x70] =	vst v62  }
0x343: {  	s16 =	sadd.s32 $0x10, s16;
	v47 =	vld.idx.msk [tilespmem:v58+s31+$0x0], $0xffff;
	[tilespmem:s3+$0x80] =	vst v63  }
0x344: {  	_ =	sdelay $0x2  }
0x345: {  	[tilespmem:s3+$0x90] =	vst v54  }
0x346: {  	v1 =	vld.idx.msk [tilespmem:v45+s31+$0x0], $0xffff;
	[tilespmem:s3+$0xA0] =	vst v55  }
0x347: {  	v18 =	vld.idx.msk [tilespmem:v46+s31+$0x0], $0xffff;
	[tilespmem:s3+$0xB0] =	vst v53  }
0x348: {  	v19 =	vld.idx.msk [tilespmem:v43+s31+$0x0], $0xffff;
	[tilespmem:s3+$0xC0] =	vst v52  }
0x349: {  	v20 =	vld.idx.msk [tilespmem:v41+s31+$0x0], $0xffff;
	[tilespmem:s3+$0xD0] =	vst v51  }
0x34a: {  	v21 =	vld.idx.msk [tilespmem:v40+s31+$0x0], $0xffff;
	[tilespmem:s3+$0xE0] =	vst v50  }
0x34b: {  	v22 =	vld.idx.msk [tilespmem:v35+s31+$0x0], $0xffff;
	[tilespmem:s3+$0xFFFFFF00] =	vst v34  }
0x34c: {  	[tilespmem:s3+$0xFFFFFF10] =	vst v49  }
0x34d: {  	[tilespmem:s3+$0xFFFFFF20] =	vst v48  }
0x34e: {  	[tilespmem:s3+$0xFFFFFF30] =	vst v36  }
0x34f: {  	[tilespmem:s3+$0xFFFFFF40] =	vst v37  }
0x350: {  	[tilespmem:s3+$0xFFFFFF50] =	vst v38  }
0x351: {  	[tilespmem:s3+$0xFFFFFF60] =	vst v39  }
0x352: {  	[tilespmem:s3+$0xFFFFFF70] =	vst v42  }
0x353: {  	[tilespmem:s3+$0xFFFFFF80] =	vst v44  }
0x354: {  	[tilespmem:s3+$0xFFFFFF90] =	vst v47  }
0x355: {  	[tilespmem:s3+$0xFFFFFFA0] =	vst v1  }
0x356: {  	[tilespmem:s3+$0xFFFFFFB0] =	vst v18  }
0x357: {  	[tilespmem:s3+$0xFFFFFFC0] =	vst v19  }
0x358: {  	[tilespmem:s3+$0xFFFFFFD0] =	vst v20  }
0x359: {  	[tilespmem:s3+$0xFFFFFFE0] =	vst v21  }
0x35a: {  	[tilespmem:s3+$0xFFFFFFF0] =	vst v22  }
0x35b: {  	v1 =	vld [tilespmem:$0x1FF00]  }
0x35c: {  	v18 =	vld [tilespmem:$0x1FF10]  }
0x35d: {  	v19 =	vld [tilespmem:$0x1FF20]  }
0x35e: {  	v20 =	vld [tilespmem:$0x1FF30]  }
0x35f: {  	v21 =	vld [tilespmem:$0x1FF40]  }
0x360: {  	v22 =	vld [tilespmem:$0x1FF50]  }
0x361: {  	v23 =	vld [tilespmem:$0x1FF60]  }
0x362: {  	v24 =	vld [tilespmem:$0x1FF70]  }
0x363: {  	v25 =	vld [tilespmem:$0x1FF80]  }
0x364: {  	v26 =	vld [tilespmem:$0x1FF90]  }
0x365: {  	v27 =	vld [tilespmem:$0x1FFA0]  }
0x366: {  	v28 =	vld [tilespmem:$0x1FFB0]  }
0x367: {  	v29 =	vld [tilespmem:$0x1FFC0]  }
0x368: {  	v30 =	vld [tilespmem:$0x1FFD0]  }
0x369: {  	v31 =	vld [tilespmem:$0x1FFE0]  }
0x36a: {  	v32 =	vld [tilespmem:$0x1FFF0]  }
0x36b: {  	v1 =	vld.idx.msk [tilespmem:v1+s31+$0x0], $0xffff  }
0x36c: {  	v18 =	vld.idx.msk [tilespmem:v18+s31+$0x0], $0xffff  }
0x36d: {  	v19 =	vld.idx.msk [tilespmem:v19+s31+$0x0], $0xffff  }
0x36e: {  	v20 =	vld.idx.msk [tilespmem:v20+s31+$0x0], $0xffff  }
0x36f: {  	v21 =	vld.idx.msk [tilespmem:v21+s31+$0x0], $0xffff  }
0x370: {  	v22 =	vld.idx.msk [tilespmem:v22+s31+$0x0], $0xffff  }
0x371: {  	v23 =	vld.idx.msk [tilespmem:v23+s31+$0x0], $0xffff  }
0x372: {  	v24 =	vld.idx.msk [tilespmem:v24+s31+$0x0], $0xffff  }
0x373: {  	v25 =	vld.idx.msk [tilespmem:v25+s31+$0x0], $0xffff  }
0x374: {  	v26 =	vld.idx.msk [tilespmem:v26+s31+$0x0], $0xffff  }
0x375: {  	v27 =	vld.idx.msk [tilespmem:v27+s31+$0x0], $0xffff  }
0x376: {  	v28 =	vld.idx.msk [tilespmem:v28+s31+$0x0], $0xffff  }
0x377: {  	v29 =	vld.idx.msk [tilespmem:v29+s31+$0x0], $0xffff  }
0x378: {  	v30 =	vld.idx.msk [tilespmem:v30+s31+$0x0], $0xffff  }
0x379: {  	v31 =	vld.idx.msk [tilespmem:v31+s31+$0x0], $0xffff  }
0x37a: {  	v32 =	vld.idx.msk [tilespmem:v32+s31+$0x0], $0xffff;
	[tilespmem:$0x17A68] =	vst v1  }
0x37b: {  	[tilespmem:$0x17A78] =	vst v18  }
0x37c: {  	[tilespmem:$0x17A88] =	vst v19  }
0x37d: {  	[tilespmem:$0x17A98] =	vst v20  }
0x37e: {  	[tilespmem:$0x17AA8] =	vst v21  }
0x37f: {  	[tilespmem:$0x17AB8] =	vst v22  }
0x380: {  	[tilespmem:$0x17AC8] =	vst v23  }
0x381: {  	[tilespmem:$0x17AD8] =	vst v24  }
0x382: {  	[tilespmem:$0x17AE8] =	vst v25  }
0x383: {  	[tilespmem:$0x17AF8] =	vst v26  }
0x384: {  	[tilespmem:$0x17B08] =	vst v27  }
0x385: {  	[tilespmem:$0x17B18] =	vst v28  }
0x386: {  	[tilespmem:$0x17B28] =	vst v29  }
0x387: {  	[tilespmem:$0x17B38] =	vst v30  }
0x388: {  	[tilespmem:$0x17B48] =	vst v31  }
0x389: {  	s14 =	simm.s32 $0xFE68;
	s16 =	sadd.s32 $0x0, s22;
	s3 =	simm.s32 $0x400;
	[tilespmem:$0x17B58] =	vst v32  }
.LBB2_22:
0x38a: {  	[hbm4b:s16+s30] =	stream.strided.scatter [tilespmem:s14], [sflag:$0x3], $0x100, s26, s30, $0x38;
	[tilespmem:$0x1F878] =	vst v63  }
0x38b: {  	s16 =	smov.u32 s3;
	p0 =	sne.s32 s3, $0x1F000  }
.Ltmp10:
0x38c: {  	s3 =	sadd.s32 $0x400, s3;
	(pc) =	sbr.rel @p0 .LBB2_22-.Ltmp10, $3  }
0x38d: {  	_ =	sdelay $0x1  }
0x38e: {  	s14 =	sshra.s32 s16, $0x2  }
0x38f: {  	s16 =	sadd.s32 s16, s22;
	s14 =	sadd.s32 $0xFE68, s14  }
0x390: {  	[hbm4b:s16+s30] =	stream.strided.scatter [tilespmem:s14], [sflag:$0x3], $0x100, s26, s30, $0x38;
	[tilespmem:$0x1F878] =	vst v63  }
0x391: {  	_ =	swait.ge [sflag:s9], $0x7D00  }
0x392: {  	[sflag:s9] =	ssyncset.done $0x0  }
0x393: {  	[sflag:s9] =	ssyncadd.s32 $0xFFFF8300  }
0x394: {  	v1 =	vld [tilespmem:$0x60]  }
0x395: {  	v18 =	vld [tilespmem:$0x20];
	_ =	sdelay $0x3  }
0x396: {  	v1 =	vadd.s32 v0, v1;
	_ =	sdelay $0x2  }
0x397: {  	v19 =	vld [tilespmem:$0x70]  }
0x398: {  	v18 =	vld.idx.msk [tilespmem:v18+s26+$0x0], $0xffff  }
0x399: {  	v1 =	vld.idx.msk [tilespmem:v1+s2+$0x0], $0xffff;
	_ =	sdelay $0x1  }
0x39a: {  	v20 =	vld [tilespmem:$0x1F868]  }
0x39b: {  	v21 =	vld [tilespmem:$0x30];
	_ =	sdelay $0x1  }
0x39c: {  	v1 =	vsub.f32 v18, v1;
	v18 =	vadd.s32 v2, v19;
	_ =	sdelay $0x1  }
0x39d: {  	v1 =	vadd.f32 v1, v20;
	_ =	sdelay $0x1  }
0x39e: {  	[tilespmem:$0x1F868] =	vst v1  }
0x39f: {  	v18 =	vld.idx.msk [tilespmem:v18+s2+$0x0], $0xffff  }
0x3a0: {  	v19 =	vld.idx.msk [tilespmem:v21+s26+$0x0], $0xffff;
	_ =	sdelay $0x1  }
0x3a1: {  	s3 =	simm.s32 $0x8  }
0x3a2: {  	v54 =	vmov s3  }
0x3a3: {  	v20 =	vshrl.u32 v54, $0x3  }
0x3a4: {  	v18 =	vsub.f32 v19, v18;
	v19 =	vshll.u32 v20, v3  }
0x3a5: {  	v19 =	vbroadcast v19, $0x0  }
0x3a6: {  	v1 =	vadd.f32 v18, v1  }
0x3a7: {  	v18 =	vadd.s32 v0, v19  }
0x3a8: {  	v55 =	vadd.s32 v4, v19;
	[tilespmem:$0x1F868] =	vst v1  }
0x3a9: {  	v56 =	vadd.s32 v5, v19;
	_ =	swait.ge [sflag:s13], $0x7D00  }
0x3aa: {  	v22 =	vadd.s32 v6, v19;
	[sflag:s13] =	ssyncset.done $0x0  }
0x3ab: {  	v23 =	vadd.s32 v7, v19;
	[sflag:s13] =	ssyncadd.s32 $0xFFFF8300  }
0x3ac: {  	v24 =	vadd.s32 v8, v19;
	v18 =	vld.idx.msk [tilespmem:v18+s2+$0x0], $0xffff  }
0x3ad: {  	v25 =	vadd.s32 v9, v19;
	v20 =	vld.idx.msk [tilespmem:v55+s2+$0x0], $0xffff  }
0x3ae: {  	v26 =	vadd.s32 v10, v19;
	v21 =	vld.idx.msk [tilespmem:v56+s2+$0x0], $0xffff  }
0x3af: {  	s29 =	simm.s32 $0x0;
	v27 =	vadd.s32 v17, v19;
	v22 =	vld.idx.msk [tilespmem:v22+s2+$0x0], $0xffff  }
0x3b0: {  	v29 =	vmov s29;
	v28 =	vadd.s32 v11, v19;
	v23 =	vld.idx.msk [tilespmem:v23+s2+$0x0], $0xffff  }
0x3b1: {  	v29 =	vshrl.u32 v29, $0x3;
	v30 =	vadd.s32 v12, v19;
	v24 =	vld.idx.msk [tilespmem:v24+s2+$0x0], $0xffff  }
0x3b2: {  	v29 =	vshll.u32 v29, v3;
	v31 =	vadd.s32 v13, v19;
	v25 =	vld.idx.msk [tilespmem:v25+s2+$0x0], $0xffff  }
0x3b3: {  	v29 =	vbroadcast v29, $0x0;
	v32 =	vadd.s32 v14, v19;
	v26 =	vld.idx.msk [tilespmem:v26+s2+$0x0], $0xffff  }
0x3b4: {  	v33 =	vadd.s32 v15, v19;
	v27 =	vld.idx.msk [tilespmem:v27+s2+$0x0], $0xffff  }
0x3b5: {  	v57 =	vadd.s32 v0, v29;
	v54 =	vld.idx.msk [tilespmem:v28+s2+$0x0], $0xffff  }
0x3b6: {  	v1 =	vadd.s32 v2, v19;
	v55 =	vld.idx.msk [tilespmem:v30+s2+$0x0], $0xffff  }
0x3b7: {  	v19 =	vadd.s32 v16, v19;
	v53 =	vld.idx.msk [tilespmem:v31+s2+$0x0], $0xffff  }
0x3b8: {  	v58 =	vadd.s32 v2, v29;
	v52 =	vld.idx.msk [tilespmem:v32+s2+$0x0], $0xffff  }
0x3b9: {  	v59 =	vadd.s32 v4, v29;
	v51 =	vld.idx.msk [tilespmem:v33+s2+$0x0], $0xffff  }
0x3ba: {  	v60 =	vadd.s32 v5, v29;
	v34 =	vld.idx.msk [tilespmem:v57+s2+$0x0], $0xffff  }
0x3bb: {  	s3 =	simm.s32 $0x17C68;
	v61 =	vadd.s32 v6, v29;
	v1 =	vld.idx.msk [tilespmem:v1+s2+$0x0], $0xffff  }
0x3bc: {  	v62 =	vadd.s32 v8, v29;
	v50 =	vld.idx.msk [tilespmem:v19+s2+$0x0], $0xffff;
	[tilespmem:s3+$0xF0] =	vst v27  }
0x3bd: {  	v63 =	vadd.s32 v11, v29;
	v49 =	vld.idx.msk [tilespmem:v58+s2+$0x0], $0xffff;
	[tilespmem:s3+$0x0] =	vst v18  }
0x3be: {  	v48 =	vld.idx.msk [tilespmem:v59+s2+$0x0], $0xffff;
	v19 =	vadd.s32 v7, v29;
	[tilespmem:s3+$0x20] =	vst v20  }
0x3bf: {  	v36 =	vld.idx.msk [tilespmem:v60+s2+$0x0], $0xffff;
	v18 =	vadd.s32 v9, v29;
	[tilespmem:s3+$0x30] =	vst v21  }
0x3c0: {  	v37 =	vld.idx.msk [tilespmem:v61+s2+$0x0], $0xffff;
	[tilespmem:s3+$0x10] =	vst v1;
	v1 =	vadd.s32 v10, v29  }
0x3c1: {  	v45 =	vadd.s32 v12, v29;
	v39 =	vld.idx.msk [tilespmem:v62+s2+$0x0], $0xffff;
	[tilespmem:s3+$0x40] =	vst v22  }
0x3c2: {  	v46 =	vadd.s32 v13, v29;
	v47 =	vld.idx.msk [tilespmem:v63+s2+$0x0], $0xffff;
	[tilespmem:s3+$0x50] =	vst v23  }
0x3c3: {  	v43 =	vadd.s32 v14, v29;
	[tilespmem:s3+$0x60] =	vst v24;
	v38 =	vld.idx.msk [tilespmem:v19+s2+$0x0], $0xffff  }
0x3c4: {  	v41 =	vadd.s32 v15, v29;
	[tilespmem:s3+$0x70] =	vst v25;
	v42 =	vld.idx.msk [tilespmem:v18+s2+$0x0], $0xffff  }
0x3c5: {  	s14 =	simm.s32 $0x0;
	s16 =	simm.s32 $0x10;
	v40 =	vadd.s32 v16, v29;
	v35 =	vadd.s32 v17, v29;
	[tilespmem:s3+$0x80] =	vst v26;
	v44 =	vld.idx.msk [tilespmem:v1+s2+$0x0], $0xffff  }
.LBB2_24:
0x3c6: {  	v1 =	vmov s16;
	s17 =	sadd.s32 $0x8, s16;
	v18 =	vld.idx.msk [tilespmem:v45+s2+$0x0], $0xffff;
	[tilespmem:s3+$0x90] =	vst v54  }
0x3c7: {  	v1 =	vshrl.u32 v1, $0x3;
	v19 =	vmov s17;
	v20 =	vld.idx.msk [tilespmem:v46+s2+$0x0], $0xffff;
	[tilespmem:s3+$0xA0] =	vst v55  }
0x3c8: {  	v1 =	vshll.u32 v1, v3;
	v19 =	vshrl.u32 v19, $0x3;
	v21 =	vld.idx.msk [tilespmem:v43+s2+$0x0], $0xffff;
	[tilespmem:s3+$0xB0] =	vst v53  }
0x3c9: {  	v1 =	vbroadcast v1, $0x0;
	v19 =	vshll.u32 v19, v3;
	v22 =	vld.idx.msk [tilespmem:v41+s2+$0x0], $0xffff;
	[tilespmem:s3+$0xC0] =	vst v52  }
0x3ca: {  	v19 =	vbroadcast v19, $0x0;
	v23 =	vld.idx.msk [tilespmem:v40+s2+$0x0], $0xffff;
	[tilespmem:s3+$0xD0] =	vst v51  }
0x3cb: {  	v24 =	vadd.s32 v0, v1;
	v25 =	vadd.s32 v2, v1;
	v26 =	vadd.s32 v4, v1;
	v27 =	vld.idx.msk [tilespmem:v35+s2+$0x0], $0xffff  }
0x3cc: {  	v28 =	vadd.s32 v5, v1;
	v29 =	vadd.s32 v6, v1;
	v30 =	vadd.s32 v0, v19;
	[tilespmem:s3+$0xE0] =	vst v50  }
0x3cd: {  	v31 =	vadd.s32 v7, v1;
	v32 =	vadd.s32 v8, v1;
	v33 =	vadd.s32 v2, v19;
	[tilespmem:s3+$0xFFFFFF00] =	vst v34  }
0x3ce: {  	v56 =	vadd.s32 v9, v1;
	v57 =	vadd.s32 v10, v1;
	v50 =	vadd.s32 v4, v19;
	[tilespmem:s3+$0xFFFFFF10] =	vst v49  }
0x3cf: {  	s14 =	sadd.s32 $0x2, s14;
	v58 =	vadd.s32 v11, v1;
	v45 =	vadd.s32 v12, v1;
	v49 =	vadd.s32 v5, v19;
	[tilespmem:s3+$0xFFFFFF20] =	vst v48  }
0x3d0: {  	p0 =	slt.u32 s14, $0x7A;
	v46 =	vadd.s32 v13, v1;
	v43 =	vadd.s32 v14, v1;
	v34 =	vld.idx.msk [tilespmem:v24+s2+$0x0], $0xffff;
	v24 =	vadd.s32 v6, v19  }
0x3d1: {  	v41 =	vadd.s32 v15, v1;
	v40 =	vadd.s32 v16, v1;
	v48 =	vadd.s32 v7, v19;
	v30 =	vld.idx.msk [tilespmem:v30+s2+$0x0], $0xffff  }
0x3d2: {  	v35 =	vadd.s32 v17, v1;
	v1 =	vld.idx.msk [tilespmem:v33+s2+$0x0], $0xffff;
	v33 =	vadd.s32 v8, v19;
	[tilespmem:s3+$0xFFFFFF30] =	vst v36  }
0x3d3: {  	v36 =	vadd.s32 v9, v19;
	v59 =	vld.idx.msk [tilespmem:v50+s2+$0x0], $0xffff;
	[tilespmem:s3+$0xFFFFFF40] =	vst v37  }
0x3d4: {  	v37 =	vadd.s32 v10, v19;
	v60 =	vld.idx.msk [tilespmem:v49+s2+$0x0], $0xffff;
	[tilespmem:s3+$0xFFFFFF50] =	vst v38  }
0x3d5: {  	v38 =	vadd.s32 v17, v19;
	v24 =	vld.idx.msk [tilespmem:v24+s2+$0x0], $0xffff;
	[tilespmem:s3+$0xFFFFFF60] =	vst v39  }
0x3d6: {  	v39 =	vadd.s32 v11, v19;
	v61 =	vld.idx.msk [tilespmem:v48+s2+$0x0], $0xffff;
	[tilespmem:s3+$0xFFFFFF70] =	vst v42  }
0x3d7: {  	v42 =	vadd.s32 v12, v19;
	v33 =	vld.idx.msk [tilespmem:v33+s2+$0x0], $0xffff;
	[tilespmem:s3+$0xFFFFFF80] =	vst v44  }
0x3d8: {  	v62 =	vld.idx.msk [tilespmem:v36+s2+$0x0], $0xffff;
	v36 =	vadd.s32 v13, v19;
	[tilespmem:s3+$0xFFFFFF90] =	vst v47  }
0x3d9: {  	v63 =	vld.idx.msk [tilespmem:v37+s2+$0x0], $0xffff;
	v37 =	vadd.s32 v14, v19;
	[tilespmem:s3+$0xFFFFFFA0] =	vst v18  }
0x3da: {  	v18 =	vadd.s32 v15, v19;
	v38 =	vld.idx.msk [tilespmem:v38+s2+$0x0], $0xffff;
	[tilespmem:s3+$0xFFFFFFB0] =	vst v20  }
0x3db: {  	v19 =	vadd.s32 v16, v19;
	v54 =	vld.idx.msk [tilespmem:v39+s2+$0x0], $0xffff;
	[tilespmem:s3+$0xFFFFFFC0] =	vst v21  }
0x3dc: {  	v55 =	vld.idx.msk [tilespmem:v42+s2+$0x0], $0xffff;
	[tilespmem:s3+$0xFFFFFFD0] =	vst v22  }
0x3dd: {  	v53 =	vld.idx.msk [tilespmem:v36+s2+$0x0], $0xffff;
	[tilespmem:s3+$0xFFFFFFE0] =	vst v23  }
0x3de: {  	v52 =	vld.idx.msk [tilespmem:v37+s2+$0x0], $0xffff;
	[tilespmem:s3+$0xFFFFFFF0] =	vst v27  }
0x3df: {  	s3 =	sadd.s32 $0x200, s3;
	v51 =	vld.idx.msk [tilespmem:v18+s2+$0x0], $0xffff  }
0x3e0: {  	v50 =	vld.idx.msk [tilespmem:v19+s2+$0x0], $0xffff;
	[tilespmem:s3+$0xF0] =	vst v38  }
0x3e1: {  	v49 =	vld.idx.msk [tilespmem:v25+s2+$0x0], $0xffff;
	[tilespmem:s3+$0x0] =	vst v30  }
0x3e2: {  	v48 =	vld.idx.msk [tilespmem:v26+s2+$0x0], $0xffff;
	[tilespmem:s3+$0x10] =	vst v1  }
0x3e3: {  	v36 =	vld.idx.msk [tilespmem:v28+s2+$0x0], $0xffff;
	[tilespmem:s3+$0x20] =	vst v59  }
0x3e4: {  	v37 =	vld.idx.msk [tilespmem:v29+s2+$0x0], $0xffff;
	[tilespmem:s3+$0x30] =	vst v60  }
.Ltmp11:
0x3e5: {  	v38 =	vld.idx.msk [tilespmem:v31+s2+$0x0], $0xffff;
	[tilespmem:s3+$0x40] =	vst v24;
	(pc) =	sbr.rel @p0 .LBB2_24-.Ltmp11, $4  }
0x3e6: {  	v39 =	vld.idx.msk [tilespmem:v32+s2+$0x0], $0xffff;
	[tilespmem:s3+$0x50] =	vst v61  }
0x3e7: {  	v42 =	vld.idx.msk [tilespmem:v56+s2+$0x0], $0xffff;
	[tilespmem:s3+$0x60] =	vst v33  }
0x3e8: {  	v44 =	vld.idx.msk [tilespmem:v57+s2+$0x0], $0xffff;
	[tilespmem:s3+$0x70] =	vst v62  }
0x3e9: {  	s16 =	sadd.s32 $0x10, s16;
	v47 =	vld.idx.msk [tilespmem:v58+s2+$0x0], $0xffff;
	[tilespmem:s3+$0x80] =	vst v63  }
0x3ea: {  	_ =	sdelay $0x2  }
0x3eb: {  	[tilespmem:s3+$0x90] =	vst v54  }
0x3ec: {  	v1 =	vld.idx.msk [tilespmem:v45+s2+$0x0], $0xffff;
	[tilespmem:s3+$0xA0] =	vst v55  }
0x3ed: {  	v18 =	vld.idx.msk [tilespmem:v46+s2+$0x0], $0xffff;
	[tilespmem:s3+$0xB0] =	vst v53  }
0x3ee: {  	v19 =	vld.idx.msk [tilespmem:v43+s2+$0x0], $0xffff;
	[tilespmem:s3+$0xC0] =	vst v52  }
0x3ef: {  	v20 =	vld.idx.msk [tilespmem:v41+s2+$0x0], $0xffff;
	[tilespmem:s3+$0xD0] =	vst v51  }
0x3f0: {  	v21 =	vld.idx.msk [tilespmem:v40+s2+$0x0], $0xffff;
	[tilespmem:s3+$0xE0] =	vst v50  }
0x3f1: {  	v22 =	vld.idx.msk [tilespmem:v35+s2+$0x0], $0xffff;
	[tilespmem:s3+$0xFFFFFF00] =	vst v34  }
0x3f2: {  	[tilespmem:s3+$0xFFFFFF10] =	vst v49  }
0x3f3: {  	[tilespmem:s3+$0xFFFFFF20] =	vst v48  }
0x3f4: {  	[tilespmem:s3+$0xFFFFFF30] =	vst v36  }
0x3f5: {  	[tilespmem:s3+$0xFFFFFF40] =	vst v37  }
0x3f6: {  	[tilespmem:s3+$0xFFFFFF50] =	vst v38  }
0x3f7: {  	[tilespmem:s3+$0xFFFFFF60] =	vst v39  }
0x3f8: {  	[tilespmem:s3+$0xFFFFFF70] =	vst v42  }
0x3f9: {  	[tilespmem:s3+$0xFFFFFF80] =	vst v44  }
0x3fa: {  	[tilespmem:s3+$0xFFFFFF90] =	vst v47  }
0x3fb: {  	[tilespmem:s3+$0xFFFFFFA0] =	vst v1  }
0x3fc: {  	[tilespmem:s3+$0xFFFFFFB0] =	vst v18  }
0x3fd: {  	[tilespmem:s3+$0xFFFFFFC0] =	vst v19  }
0x3fe: {  	[tilespmem:s3+$0xFFFFFFD0] =	vst v20  }
0x3ff: {  	[tilespmem:s3+$0xFFFFFFE0] =	vst v21  }
0x400: {  	[tilespmem:s3+$0xFFFFFFF0] =	vst v22  }
0x401: {  	v1 =	vld [tilespmem:$0x1FF00]  }
0x402: {  	v18 =	vld [tilespmem:$0x1FF10]  }
0x403: {  	v19 =	vld [tilespmem:$0x1FF20]  }
0x404: {  	v20 =	vld [tilespmem:$0x1FF30]  }
0x405: {  	v21 =	vld [tilespmem:$0x1FF40]  }
0x406: {  	v22 =	vld [tilespmem:$0x1FF50]  }
0x407: {  	v23 =	vld [tilespmem:$0x1FF60]  }
0x408: {  	v24 =	vld [tilespmem:$0x1FF70]  }
0x409: {  	v25 =	vld [tilespmem:$0x1FF80]  }
0x40a: {  	v26 =	vld [tilespmem:$0x1FF90]  }
0x40b: {  	v27 =	vld [tilespmem:$0x1FFA0]  }
0x40c: {  	v28 =	vld [tilespmem:$0x1FFB0]  }
0x40d: {  	v29 =	vld [tilespmem:$0x1FFC0]  }
0x40e: {  	v30 =	vld [tilespmem:$0x1FFD0]  }
0x40f: {  	v31 =	vld [tilespmem:$0x1FFE0]  }
0x410: {  	v32 =	vld [tilespmem:$0x1FFF0]  }
0x411: {  	v1 =	vld.idx.msk [tilespmem:v1+s2+$0x0], $0xffff  }
0x412: {  	v18 =	vld.idx.msk [tilespmem:v18+s2+$0x0], $0xffff  }
0x413: {  	v19 =	vld.idx.msk [tilespmem:v19+s2+$0x0], $0xffff  }
0x414: {  	v20 =	vld.idx.msk [tilespmem:v20+s2+$0x0], $0xffff  }
0x415: {  	v21 =	vld.idx.msk [tilespmem:v21+s2+$0x0], $0xffff  }
0x416: {  	v22 =	vld.idx.msk [tilespmem:v22+s2+$0x0], $0xffff  }
0x417: {  	v23 =	vld.idx.msk [tilespmem:v23+s2+$0x0], $0xffff  }
0x418: {  	v24 =	vld.idx.msk [tilespmem:v24+s2+$0x0], $0xffff  }
0x419: {  	v25 =	vld.idx.msk [tilespmem:v25+s2+$0x0], $0xffff  }
0x41a: {  	v26 =	vld.idx.msk [tilespmem:v26+s2+$0x0], $0xffff  }
0x41b: {  	v27 =	vld.idx.msk [tilespmem:v27+s2+$0x0], $0xffff  }
0x41c: {  	v28 =	vld.idx.msk [tilespmem:v28+s2+$0x0], $0xffff  }
0x41d: {  	v29 =	vld.idx.msk [tilespmem:v29+s2+$0x0], $0xffff  }
0x41e: {  	v30 =	vld.idx.msk [tilespmem:v30+s2+$0x0], $0xffff  }
0x41f: {  	v31 =	vld.idx.msk [tilespmem:v31+s2+$0x0], $0xffff  }
0x420: {  	v32 =	vld.idx.msk [tilespmem:v32+s2+$0x0], $0xffff;
	[tilespmem:$0x1F768] =	vst v1  }
0x421: {  	[tilespmem:$0x1F778] =	vst v18  }
0x422: {  	[tilespmem:$0x1F788] =	vst v19  }
0x423: {  	[tilespmem:$0x1F798] =	vst v20  }
0x424: {  	[tilespmem:$0x1F7A8] =	vst v21  }
0x425: {  	[tilespmem:$0x1F7B8] =	vst v22  }
0x426: {  	[tilespmem:$0x1F7C8] =	vst v23  }
0x427: {  	[tilespmem:$0x1F7D8] =	vst v24  }
0x428: {  	[tilespmem:$0x1F7E8] =	vst v25  }
0x429: {  	[tilespmem:$0x1F7F8] =	vst v26  }
0x42a: {  	[tilespmem:$0x1F808] =	vst v27  }
0x42b: {  	[tilespmem:$0x1F818] =	vst v28  }
0x42c: {  	[tilespmem:$0x1F828] =	vst v29  }
0x42d: {  	[tilespmem:$0x1F838] =	vst v30  }
0x42e: {  	[tilespmem:$0x1F848] =	vst v31  }
0x42f: {  	s14 =	simm.s32 $0x17B68;
	s16 =	sadd.s32 $0x0, s23;
	s3 =	simm.s32 $0x400;
	[tilespmem:$0x1F858] =	vst v32  }
.LBB2_26:
0x430: {  	[hbm4b:s16+s30] =	stream.strided.scatter [tilespmem:s14], [sflag:$0x4], $0x100, s26, s30, $0x38;
	[tilespmem:$0x1F878] =	vst v63  }
0x431: {  	s16 =	smov.u32 s3;
	p0 =	sne.s32 s3, $0x1F000  }
.Ltmp12:
0x432: {  	s3 =	sadd.s32 $0x400, s3;
	(pc) =	sbr.rel @p0 .LBB2_26-.Ltmp12, $3  }
0x433: {  	_ =	sdelay $0x1  }
0x434: {  	s14 =	sshra.s32 s16, $0x2  }
0x435: {  	s16 =	sadd.s32 s16, s23;
	s14 =	sadd.s32 $0x17B68, s14  }
0x436: {  	[hbm4b:s16+s30] =	stream.strided.scatter [tilespmem:s14], [sflag:$0x4], $0x100, s26, s30, $0x38;
	[tilespmem:$0x1F878] =	vst v63  }
0x437: {  	_ =	swait.ge [sflag:s11], $0x7D00  }
0x438: {  	[sflag:s11] =	ssyncset.done $0x0  }
0x439: {  	[sflag:s11] =	ssyncadd.s32 $0xFFFF8300  }
0x43a: {  	_ =	swait.ge [sflag:s13], $0x7D00  }
0x43b: {  	s14 =	simm.s32 $0x0;
	s0 =	simm.s32 $0x1F868;
	[sflag:s13] =	ssyncset.done $0x0  }
0x43c: {  	s16 =	simm.s32 $0x7;
	s3 =	rddreg [dreg:$0xc];
	[sflag:s13] =	ssyncadd.s32 $0xFFFF8300  }
0x43d: {  	[hbm4b:s3+s14] =	stream.linear.scatter [tilespmem:s0], [sflag:$0x7], $0x10, $0x38;
	[tilespmem:$0x1F878] =	vst v63  }
0x43e: {  	_ =	swait.ge [sflag:s16], $0x10  }
0x43f: {  	s28 =	rddreg [dreg:$0xe]  }
0x440: {  	s29 =	rddreg [dreg:$0xd];
	s0 =	sadd.s32 $0x1, s28  }
0x441: {  	p0 =	sne.s32 s0, s29  }
.Ltmp13:
0x442: {  	_ = 	snop;
	(pc) =	sbr.rel @p0 .LBB2_1-.Ltmp13, $3  }
0x443: {  	_ =	sdelay $0x1  }
0x444: {  	[sflag:s16] =	ssyncset.done $0x0  }
0x445: {  	[sflag:s16] =	ssyncadd.s32 $0xFFFFFFF0  }
0x446: {  	_ =	sfence.sel $0x180000  }
0x447: {  	[bflag:$0x0] =	sbarrier.arrive $0xFFFF  }
0x448: {  	_ =	strace $0x90000047  }
0x449: {  	s0 =	stileid.u32;
	[bflag:$0x2] =	sbarrier.arrive $0xFFFF  }
0x44a: {  	p0 =	sne.s32 s0, $0x0;
	s0 =	rddreg [dreg:$0x2]  }
0x44b: {  	s0 =	sadd.s32 @!p0 $0x100000, s0  }
0x44c: {  	[sflag:s0] =	ssyncadd.tile.s32 @!p0 $0x1;
	_ =	shalt  }
.Lfunc_end2:
_tile_overlayer_lowered:
.L_overlay_start_2:
0x44d: {  	(tag) =	ssettag $0x2  }
0x44e: {  	s0 =	rddreg [dreg:$0x0];
	s2 =	stileid.u32  }
0x44f: {  	s1 =	rddreg [dreg:$0x1];
	p0 =	sne.s32 s2, $0x0  }
0x450: {  	s3 =	rddreg [dreg:$0x2];
	[bflag:$0x3] =	sbarrier.arrive $0xFFFF;
	s2 =	simm.s32 @!p0 $0x1C07  }
0x451: {  	[timem:s3], [sflag:s2] =	dma.local @!p0 [hbm:s0], s1  }
0x452: {  	s0 =	simm.s32 @!p0 $0x7  }
0x453: {  	_ =	swait.ge @!p0 [sflag:s0], s1  }
0x454: {  	s1 =	ssub.s32 @!p0 $0x0, s1;
	[sflag:s0] =	ssyncset.done @!p0 $0x0  }
0x455: {  	[sflag:s0] =	ssyncadd.s32 @!p0 s1  }
0x456: {  	[bflag:$0x3] =	sbarrier.arrive $0xFFFF  }
0x457: {  	_ =	shalt  }

</sc_bundles>
